<compile_context>
chip_gen: v7x
topology: tpu7x:2x2x1
jax: 0.10.2.dev20260603
libtpu: 0.0.44.dev20260713+nightly
codegen_flags: <defaults>
</compile_context>

<pallas_src>
import functools

import jax
import jax.numpy as jnp
from jax import lax
from jax.experimental import pallas as pl
from jax.experimental.pallas import tpu as pltpu
from jax.experimental.pallas import tpu_sc as plsc

N = 10000
D = 128
E = 320000

NC = 2
NS = 16
NW = NC * NS

NPAD = 10240
ROWS_PER_TILE = NPAD // NS

C = 128
KJ = 80
EROWS = NW * KJ
EPAD = EROWS * C

DEGW = 128

_MESH = plsc.VectorSubcoreMesh(core_axis_name="c", subcore_axis_name="s")



@functools.partial(
    pl.kernel,
    mesh=_MESH,
    out_type=jax.ShapeDtypeStruct((NC, NPAD, DEGW), jnp.float32),
    scratch_types=[
        pltpu.VMEM((KJ, C), jnp.int32),
        pltpu.VMEM((C, DEGW), jnp.float32),
        pltpu.VMEM_SHARED((NPAD, DEGW), jnp.float32),
    ],
)
def _deg_kernel(dst_hbm, out_hbm, dst_v, ones_v, acc):
    c = lax.axis_index("c")
    s = lax.axis_index("s")
    wid = s * NC + c
    rs = s * ROWS_PER_TILE

    def _fill(val):
        def row(i, carry):
            for k in range(DEGW // 16):
                ones_v[i, pl.ds(k * 16, 16)] = jnp.full((16,), val,
                                                        jnp.float32)
            return carry
        lax.fori_loop(0, C, row, 0)

    _fill(0.0)
    for r in range(ROWS_PER_TILE // C):
        pltpu.sync_copy(ones_v, acc.at[pl.ds(rs + r * C, C)])
    _fill(1.0)
    pltpu.sync_copy(dst_hbm.at[pl.ds(wid * KJ, KJ)], dst_v)
    plsc.subcore_barrier()

    def body(j, carry):
        pltpu.sync_copy(ones_v, acc.at[dst_v.at[j]], add=True)
        return carry

    lax.fori_loop(0, KJ, body, 0)
    plsc.subcore_barrier()
    pltpu.sync_copy(acc.at[pl.ds(rs, ROWS_PER_TILE)],
                    out_hbm.at[c, pl.ds(rs, ROWS_PER_TILE)])



@functools.partial(
    pl.kernel,
    mesh=_MESH,
    out_type=jax.ShapeDtypeStruct((NC, NPAD, D), jnp.float32),
    scratch_types=[
        pltpu.VMEM((1, C), jnp.int32),
        pltpu.VMEM((KJ, C), jnp.int32),
        pltpu.VMEM((C, D), jnp.float32),
        pltpu.VMEM((C, D), jnp.float32),
        pltpu.VMEM_SHARED((NPAD, D), jnp.float32),
        pltpu.SemaphoreType.DMA,
        pltpu.SemaphoreType.DMA,
    ],
)
def _agg_kernel(g_hbm, src_hbm, dst_hbm, out_hbm,
                src_s, dst_v, bufa, bufb, acc, gsa, gsb):
    c = lax.axis_index("c")
    s = lax.axis_index("s")
    wid = s * NC + c
    rs = s * ROWS_PER_TILE

    def zrow(i, carry):
        for k in range(D // 16):
            bufa[i, pl.ds(k * 16, 16)] = jnp.zeros((16,), jnp.float32)
        return carry

    lax.fori_loop(0, C, zrow, 0)
    for r in range(ROWS_PER_TILE // C):
        pltpu.sync_copy(bufa, acc.at[pl.ds(rs + r * C, C)])

    pltpu.sync_copy(dst_hbm.at[pl.ds(wid * KJ, KJ)], dst_v)
    plsc.subcore_barrier()

    bufs = (bufa, bufb)
    gsems = (gsa, gsb)

    pltpu.sync_copy(src_hbm.at[pl.ds(wid * KJ, 1)], src_s)
    pltpu.async_copy(g_hbm.at[src_s.at[0]], bufa, gsa).wait()

    def body(j2, carry):
        for b in range(2):
            j = 1 + j2 * 2 + b
            gbuf, sbuf = bufs[(1 + b) % 2], bufs[b]
            pltpu.sync_copy(src_hbm.at[pl.ds(wid * KJ + j, 1)], src_s)
            hg = pltpu.async_copy(g_hbm.at[src_s.at[0]],
                                  gbuf, gsems[(1 + b) % 2])
            pltpu.sync_copy(sbuf, acc.at[dst_v.at[j - 1]], add=True)
            hg.wait()
        return carry

    lax.fori_loop(0, (KJ - 2) // 2, body, 0)
    pltpu.sync_copy(src_hbm.at[pl.ds(wid * KJ + KJ - 1, 1)], src_s)
    hg = pltpu.async_copy(g_hbm.at[src_s.at[0]], bufb, gsb)
    pltpu.sync_copy(bufa, acc.at[dst_v.at[KJ - 2]], add=True)
    hg.wait()
    pltpu.sync_copy(bufb, acc.at[dst_v.at[KJ - 1]], add=True)
    plsc.subcore_barrier()
    pltpu.sync_copy(acc.at[pl.ds(rs, ROWS_PER_TILE)],
                    out_hbm.at[c, pl.ds(rs, ROWS_PER_TILE)])



_R = 512


def _dis(degp_ref):
    deg = degp_ref[0][:, :1] + degp_ref[1][:, :1] + 1.0
    return lax.rsqrt(deg)


def _prep_body(degp_ref, x_ref, w_ref, g_ref):
    dis = _dis(degp_ref)
    g_ref[...] = dis * jnp.dot(x_ref[...], w_ref[...],
                               preferred_element_type=jnp.float32)


def _mid_body(p_ref, g_ref, degp_ref, w_ref, b_ref, g2_ref):
    dis = _dis(degp_ref)
    h = jnp.maximum(dis * (p_ref[0] + p_ref[1] + g_ref[...]) + b_ref[...],
                    0.0)
    g2_ref[...] = dis * jnp.dot(h, w_ref[...],
                                preferred_element_type=jnp.float32)


def _final_body(p_ref, g_ref, degp_ref, b_ref, out_ref):
    dis = _dis(degp_ref)
    out_ref[...] = jnp.maximum(
        dis * (p_ref[0] + p_ref[1] + g_ref[...]) + b_ref[...], 0.0)


_DEGP_SPEC = pl.BlockSpec((NC, _R, DEGW), lambda i: (0, i, 0))
_P_SPEC = pl.BlockSpec((NC, _R, D), lambda i: (0, i, 0))
_ROW_SPEC = pl.BlockSpec((_R, D), lambda i: (i, 0))
_W_SPEC = pl.BlockSpec((D, D), lambda i: (0, 0))
_B_SPEC = pl.BlockSpec((1, D), lambda i: (0, 0))
_GRID = NPAD // _R

_prep_call = pl.pallas_call(
    _prep_body,
    grid=(_GRID,),
    in_specs=[_DEGP_SPEC, _ROW_SPEC, _W_SPEC],
    out_specs=_ROW_SPEC,
    out_shape=jax.ShapeDtypeStruct((NPAD, D), jnp.float32),
)

_mid_call = pl.pallas_call(
    _mid_body,
    grid=(_GRID,),
    in_specs=[_P_SPEC, _ROW_SPEC, _DEGP_SPEC, _W_SPEC, _B_SPEC],
    out_specs=_ROW_SPEC,
    out_shape=jax.ShapeDtypeStruct((NPAD, D), jnp.float32),
)

_final_call = pl.pallas_call(
    _final_body,
    grid=(_GRID,),
    in_specs=[_P_SPEC, _ROW_SPEC, _DEGP_SPEC, _B_SPEC],
    out_specs=_ROW_SPEC,
    out_shape=jax.ShapeDtypeStruct((NPAD, D), jnp.float32),
)



def kernel(x, edge_index, W1, b1, W2, b2):
    src = edge_index[0]
    dst = edge_index[1]
    pad = jnp.full((EPAD - E,), N, dtype=jnp.int32)
    src2 = jnp.concatenate([src, pad]).reshape(EROWS, C)
    dst2 = jnp.concatenate([dst, pad]).reshape(EROWS, C)
    xpad = jnp.zeros((NPAD, D), jnp.float32).at[:N].set(x)

    degp = _deg_kernel(dst2)
    g1 = _prep_call(degp, xpad, W1)
    p1 = _agg_kernel(g1, src2, dst2)
    g2 = _mid_call(p1, g1, degp, W2, b1.reshape(1, D))
    p2 = _agg_kernel(g2, src2, dst2)
    out = _final_call(p2, g2, degp, b2.reshape(1, D))
    return out[:N]

# --- scband reference (transcript-rebuilt; emitter-appended) ---
"""Pipeline reference for scband-motif-embedding-2869038154297 (READ-ONLY COPY).

The authoritative reference and input builder live on the scoring server;
editing this copy changes nothing except your own understanding.
"""

import jax, jax.numpy as jnp
import numpy as np

N = 10000
E = 320000
D_IN = 128
D_H = 128
D_OUT = 128


def setup_inputs(seed: int = 0) -> dict:
    key = jax.random.key(seed)
    k1, k2, k3, k4 = jax.random.split(key, 4)
    x = jax.random.normal(k1, (N, D_IN), dtype=jnp.float32)
    edge_index = jax.random.randint(k2, (2, E), 0, N, dtype=jnp.int32)
    W1 = jax.random.normal(k3, (D_IN, D_H), dtype=jnp.float32) * (1.0 / np.sqrt(D_IN))
    b1 = jnp.zeros((D_H,), dtype=jnp.float32)
    W2 = jax.random.normal(k4, (D_H, D_OUT), dtype=jnp.float32) * (1.0 / np.sqrt(D_H))
    b2 = jnp.zeros((D_OUT,), dtype=jnp.float32)
    return {"x": x, "edge_index": edge_index, "W1": W1, "b1": b1, "W2": W2, "b2": b2}


def gcn_conv(x, edge_index, W, b):
    # GCNConv: add self-loops, symmetric normalization D^-1/2 (A+I) D^-1/2, then linear.
    n = x.shape[0]
    src = edge_index[0]
    dst = edge_index[1]
    loop = jnp.arange(n, dtype=src.dtype)
    src = jnp.concatenate([src, loop], axis=0)
    dst = jnp.concatenate([dst, loop], axis=0)
    ones = jnp.ones(src.shape[0], dtype=x.dtype)
    deg = jnp.zeros((n,), dtype=x.dtype).at[dst].add(ones)
    deg_inv_sqrt = jnp.where(deg > 0, jax.lax.rsqrt(jnp.maximum(deg, 1e-12)), 0.0)
    norm = deg_inv_sqrt[src] * deg_inv_sqrt[dst]
    h = x @ W
    msg = h[src] * norm[:, None]
    out = jnp.zeros((n, W.shape[1]), dtype=x.dtype).at[dst].add(msg)
    return out + b


def reference(x, edge_index, W1, b1, W2, b2):
    # Faithful translation of forward for a single Motif:
    #   x = conv1(x, edge_index); x = relu(x); x = conv2(x, edge_index); x = relu(x)
    h = jax.nn.relu(gcn_conv(x, edge_index, W1, b1))
    out = jax.nn.relu(gcn_conv(h, edge_index, W2, b2))
    return out

if __name__ == "__main__":
    import jax
    _d = setup_inputs()
    print(jax.jit(kernel)(*tuple(_d.values())))

</pallas_src>

<mosaic_0001>
#map = affine_map<(d0, d1) -> (0, 0)>
#map1 = affine_map<(d0, d1) -> (0, 0, 0)>
module attributes {stable_mosaic.version = 14 : i64} {
  func.func @_agg_kernel(%arg0: i32, %arg1: i32, %arg2: memref<10240x128xf32, #tpu.memory_space<hbm>>, %arg3: memref<2560x128xi32, #tpu.memory_space<hbm>>, %arg4: memref<2560x128xi32, #tpu.memory_space<hbm>>, %arg5: memref<2x10240x128xf32, #tpu.memory_space<hbm>>, %arg6: memref<1x128xi32, #tpu.memory_space<vmem>>, %arg7: memref<80x128xi32, #tpu.memory_space<vmem>>, %arg8: memref<128x128xf32, #tpu.memory_space<vmem>>, %arg9: memref<128x128xf32, #tpu.memory_space<vmem>>, %arg10: memref<10240x128xf32, #tpu.memory_space<vmem_shared>>, %arg11: memref<!tpu.dma_semaphore, #tpu.memory_space<semaphore_mem>>, %arg12: memref<!tpu.dma_semaphore, #tpu.memory_space<semaphore_mem>>) attributes {dimension_semantics = [#tpu.dimension_semantics<core_parallel>, #tpu.dimension_semantics<subcore_parallel>], iteration_bounds = array<i64: 2, 16>, scalar_prefetch = 0 : i64, scratch_operands = 7 : i64, tpu.core_type = #tpu.core_type<sc_vector_subcore>, window_params = [{transform_indices = #map}, {transform_indices = #map}, {transform_indices = #map}, {transform_indices = #map1}]} {
    %mul3A = arith.constant 2 : i32
    %mul3A_0 = arith.muli %arg1, %mul3A : i32
    %add3A = arith.addi %mul3A_0, %arg0 : i32
    %mul3A_1 = arith.constant 640 : i32
    %mul3A_2 = arith.muli %arg1, %mul3A_1 : i32
    %scan3A = arith.constant 0 : i32
    %scan3A_3 = arith.constant 0 : i32
    %scan3A_4 = arith.constant 128 : i32
    %scan3A_5 = arith.addi %scan3A_3, %scan3A_4 : i32
    %scan3A_6 = arith.constant 1 : i32
    scf.for %scan3A_61 = %scan3A_3 to %scan3A_5 step %scan3A_6  : i32 {
      %broadcast_in_dim3A = arith.constant 0.000000e+00 : f32
      %broadcast_in_dim3A_62 = vector.broadcast %broadcast_in_dim3A : f32 to vector<16xf32>
      %swap3A = arith.index_cast %scan3A_61 : i32 to index
      %swap3A_63 = arith.constant 0 : index
      %swap3A_64 = tpu.vector_load %arg8[%swap3A, %swap3A_63] {strides = array<i32>} : memref<128x128xf32, #tpu.memory_space<vmem>>, vector<1x16xf32>,
      %swap3A_65 = vector.shape_cast %swap3A_64 : vector<1x16xf32> to vector<16xf32>
      %swap3A_66 = vector.shape_cast %broadcast_in_dim3A_62 : vector<16xf32> to vector<1x16xf32>
      tpu.vector_store %arg8[%swap3A, %swap3A_63], %swap3A_66 {strides = array<i32>} : memref<128x128xf32, #tpu.memory_space<vmem>>, vector<1x16xf32>,
      %broadcast_in_dim3A_67 = arith.constant 0.000000e+00 : f32
      %broadcast_in_dim3A_68 = vector.broadcast %broadcast_in_dim3A_67 : f32 to vector<16xf32>
      %swap3A_69 = arith.index_cast %scan3A_61 : i32 to index
      %swap3A_70 = arith.constant 16 : index
      %swap3A_71 = tpu.vector_load %arg8[%swap3A_69, %swap3A_70] {strides = array<i32>} : memref<128x128xf32, #tpu.memory_space<vmem>>, vector<1x16xf32>,
      %swap3A_72 = vector.shape_cast %swap3A_71 : vector<1x16xf32> to vector<16xf32>
      %swap3A_73 = vector.shape_cast %broadcast_in_dim3A_68 : vector<16xf32> to vector<1x16xf32>
      tpu.vector_store %arg8[%swap3A_69, %swap3A_70], %swap3A_73 {strides = array<i32>} : memref<128x128xf32, #tpu.memory_space<vmem>>, vector<1x16xf32>,
      %broadcast_in_dim3A_74 = arith.constant 0.000000e+00 : f32
      %broadcast_in_dim3A_75 = vector.broadcast %broadcast_in_dim3A_74 : f32 to vector<16xf32>
      %swap3A_76 = arith.index_cast %scan3A_61 : i32 to index
      %swap3A_77 = arith.constant 32 : index
      %swap3A_78 = tpu.vector_load %arg8[%swap3A_76, %swap3A_77] {strides = array<i32>} : memref<128x128xf32, #tpu.memory_space<vmem>>, vector<1x16xf32>,
      %swap3A_79 = vector.shape_cast %swap3A_78 : vector<1x16xf32> to vector<16xf32>
      %swap3A_80 = vector.shape_cast %broadcast_in_dim3A_75 : vector<16xf32> to vector<1x16xf32>
      tpu.vector_store %arg8[%swap3A_76, %swap3A_77], %swap3A_80 {strides = array<i32>} : memref<128x128xf32, #tpu.memory_space<vmem>>, vector<1x16xf32>,
      %broadcast_in_dim3A_81 = arith.constant 0.000000e+00 : f32
      %broadcast_in_dim3A_82 = vector.broadcast %broadcast_in_dim3A_81 : f32 to vector<16xf32>
      %swap3A_83 = arith.index_cast %scan3A_61 : i32 to index
      %swap3A_84 = arith.constant 48 : index
      %swap3A_85 = tpu.vector_load %arg8[%swap3A_83, %swap3A_84] {strides = array<i32>} : memref<128x128xf32, #tpu.memory_space<vmem>>, vector<1x16xf32>,
      %swap3A_86 = vector.shape_cast %swap3A_85 : vector<1x16xf32> to vector<16xf32>
      %swap3A_87 = vector.shape_cast %broadcast_in_dim3A_82 : vector<16xf32> to vector<1x16xf32>
      tpu.vector_store %arg8[%swap3A_83, %swap3A_84], %swap3A_87 {strides = array<i32>} : memref<128x128xf32, #tpu.memory_space<vmem>>, vector<1x16xf32>,
      %broadcast_in_dim3A_88 = arith.constant 0.000000e+00 : f32
      %broadcast_in_dim3A_89 = vector.broadcast %broadcast_in_dim3A_88 : f32 to vector<16xf32>
      %swap3A_90 = arith.index_cast %scan3A_61 : i32 to index
      %swap3A_91 = arith.constant 64 : index
      %swap3A_92 = tpu.vector_load %arg8[%swap3A_90, %swap3A_91] {strides = array<i32>} : memref<128x128xf32, #tpu.memory_space<vmem>>, vector<1x16xf32>,
      %swap3A_93 = vector.shape_cast %swap3A_92 : vector<1x16xf32> to vector<16xf32>
      %swap3A_94 = vector.shape_cast %broadcast_in_dim3A_89 : vector<16xf32> to vector<1x16xf32>
      tpu.vector_store %arg8[%swap3A_90, %swap3A_91], %swap3A_94 {strides = array<i32>} : memref<128x128xf32, #tpu.memory_space<vmem>>, vector<1x16xf32>,
      %broadcast_in_dim3A_95 = arith.constant 0.000000e+00 : f32
      %broadcast_in_dim3A_96 = vector.broadcast %broadcast_in_dim3A_95 : f32 to vector<16xf32>
      %swap3A_97 = arith.index_cast %scan3A_61 : i32 to index
      %swap3A_98 = arith.constant 80 : index
      %swap3A_99 = tpu.vector_load %arg8[%swap3A_97, %swap3A_98] {strides = array<i32>} : memref<128x128xf32, #tpu.memory_space<vmem>>, vector<1x16xf32>,
      %swap3A_100 = vector.shape_cast %swap3A_99 : vector<1x16xf32> to vector<16xf32>
      %swap3A_101 = vector.shape_cast %broadcast_in_dim3A_96 : vector<16xf32> to vector<1x16xf32>
      tpu.vector_store %arg8[%swap3A_97, %swap3A_98], %swap3A_101 {strides = array<i32>} : memref<128x128xf32, #tpu.memory_space<vmem>>, vector<1x16xf32>,
      %broadcast_in_dim3A_102 = arith.constant 0.000000e+00 : f32
      %broadcast_in_dim3A_103 = vector.broadcast %broadcast_in_dim3A_102 : f32 to vector<16xf32>
      %swap3A_104 = arith.index_cast %scan3A_61 : i32 to index
      %swap3A_105 = arith.constant 96 : index
      %swap3A_106 = tpu.vector_load %arg8[%swap3A_104, %swap3A_105] {strides = array<i32>} : memref<128x128xf32, #tpu.memory_space<vmem>>, vector<1x16xf32>,
      %swap3A_107 = vector.shape_cast %swap3A_106 : vector<1x16xf32> to vector<16xf32>
      %swap3A_108 = vector.shape_cast %broadcast_in_dim3A_103 : vector<16xf32> to vector<1x16xf32>
      tpu.vector_store %arg8[%swap3A_104, %swap3A_105], %swap3A_108 {strides = array<i32>} : memref<128x128xf32, #tpu.memory_space<vmem>>, vector<1x16xf32>,
      %broadcast_in_dim3A_109 = arith.constant 0.000000e+00 : f32
      %broadcast_in_dim3A_110 = vector.broadcast %broadcast_in_dim3A_109 : f32 to vector<16xf32>
      %swap3A_111 = arith.index_cast %scan3A_61 : i32 to index
      %swap3A_112 = arith.constant 112 : index
      %swap3A_113 = tpu.vector_load %arg8[%swap3A_111, %swap3A_112] {strides = array<i32>} : memref<128x128xf32, #tpu.memory_space<vmem>>, vector<1x16xf32>,
      %swap3A_114 = vector.shape_cast %swap3A_113 : vector<1x16xf32> to vector<16xf32>
      %swap3A_115 = vector.shape_cast %broadcast_in_dim3A_110 : vector<16xf32> to vector<1x16xf32>
      tpu.vector_store %arg8[%swap3A_111, %swap3A_112], %swap3A_115 {strides = array<i32>} : memref<128x128xf32, #tpu.memory_space<vmem>>, vector<1x16xf32>,
    }
    %scan3A_7 = arith.constant 128 : i32
    %add3A_8 = arith.constant 0 : i32
    %add3A_9 = arith.addi %mul3A_2, %add3A_8 : i32
    "tpu.region"() ({
      %run_scoped3A_61 = tpu.sem_alloc : memref<!tpu.dma_semaphore, #tpu.memory_space<semaphore_mem>>
      %dma_start3A_62 = arith.constant 0 : i32
      %dma_start3A_63 = tpu.memref_slice %arg10[%add3A_9, %dma_start3A_62] : memref<10240x128xf32, #tpu.memory_space<vmem_shared>> -> memref<128x128xf32, #tpu.memory_space<vmem_shared>>
      %dma_start3A_64 = arith.constant 0 : i32
      %dma_start3A_65 = tpu.memref_slice %arg10[%add3A_9, %dma_start3A_64] : memref<10240x128xf32, #tpu.memory_space<vmem_shared>> -> memref<128x128xf32, #tpu.memory_space<vmem_shared>>
      tpu.enqueue_dma source(%arg8 : memref<128x128xf32, #tpu.memory_space<vmem>>) target(%dma_start3A_65 : memref<128x128xf32, #tpu.memory_space<vmem_shared>>) target_semaphore(%run_scoped3A_61 : memref<!tpu.dma_semaphore, #tpu.memory_space<semaphore_mem>>)
      %dma_wait3A_66 = arith.constant 0 : i32
      %dma_wait3A_67 = tpu.memref_slice %arg10[%add3A_9, %dma_wait3A_66] : memref<10240x128xf32, #tpu.memory_space<vmem_shared>> -> memref<128x128xf32, #tpu.memory_space<vmem_shared>>
      %dma_wait3A_68 = arith.constant 0 : i32
      %dma_wait3A_69 = tpu.memref_slice %arg10[%add3A_9, %dma_wait3A_68] : memref<10240x128xf32, #tpu.memory_space<vmem_shared>> -> memref<128x128xf32, #tpu.memory_space<vmem_shared>>
      tpu.wait_dma2 semaphore(%run_scoped3A_61 : memref<!tpu.dma_semaphore, #tpu.memory_space<semaphore_mem>>) src(%arg8 : memref<128x128xf32, #tpu.memory_space<vmem>>) dst(%dma_wait3A_69 : memref<128x128xf32, #tpu.memory_space<vmem_shared>>)
      tpu.yield
    }) : () -> ()
    %add3A_10 = arith.constant 128 : i32
    %add3A_11 = arith.addi %mul3A_2, %add3A_10 : i32
    "tpu.region"() ({
      %run_scoped3A_61 = tpu.sem_alloc : memref<!tpu.dma_semaphore, #tpu.memory_space<semaphore_mem>>
      %dma_start3A_62 = arith.constant 0 : i32
      %dma_start3A_63 = tpu.memref_slice %arg10[%add3A_11, %dma_start3A_62] : memref<10240x128xf32, #tpu.memory_space<vmem_shared>> -> memref<128x128xf32, #tpu.memory_space<vmem_shared>>
      %dma_start3A_64 = arith.constant 0 : i32
      %dma_start3A_65 = tpu.memref_slice %arg10[%add3A_11, %dma_start3A_64] : memref<10240x128xf32, #tpu.memory_space<vmem_shared>> -> memref<128x128xf32, #tpu.memory_space<vmem_shared>>
      tpu.enqueue_dma source(%arg8 : memref<128x128xf32, #tpu.memory_space<vmem>>) target(%dma_start3A_65 : memref<128x128xf32, #tpu.memory_space<vmem_shared>>) target_semaphore(%run_scoped3A_61 : memref<!tpu.dma_semaphore, #tpu.memory_space<semaphore_mem>>)
      %dma_wait3A_66 = arith.constant 0 : i32
      %dma_wait3A_67 = tpu.memref_slice %arg10[%add3A_11, %dma_wait3A_66] : memref<10240x128xf32, #tpu.memory_space<vmem_shared>> -> memref<128x128xf32, #tpu.memory_space<vmem_shared>>
      %dma_wait3A_68 = arith.constant 0 : i32
      %dma_wait3A_69 = tpu.memref_slice %arg10[%add3A_11, %dma_wait3A_68] : memref<10240x128xf32, #tpu.memory_space<vmem_shared>> -> memref<128x128xf32, #tpu.memory_space<vmem_shared>>
      tpu.wait_dma2 semaphore(%run_scoped3A_61 : memref<!tpu.dma_semaphore, #tpu.memory_space<semaphore_mem>>) src(%arg8 : memref<128x128xf32, #tpu.memory_space<vmem>>) dst(%dma_wait3A_69 : memref<128x128xf32, #tpu.memory_space<vmem_shared>>)
      tpu.yield
    }) : () -> ()
    %add3A_12 = arith.constant 256 : i32
    %add3A_13 = arith.addi %mul3A_2, %add3A_12 : i32
    "tpu.region"() ({
      %run_scoped3A_61 = tpu.sem_alloc : memref<!tpu.dma_semaphore, #tpu.memory_space<semaphore_mem>>
      %dma_start3A_62 = arith.constant 0 : i32
      %dma_start3A_63 = tpu.memref_slice %arg10[%add3A_13, %dma_start3A_62] : memref<10240x128xf32, #tpu.memory_space<vmem_shared>> -> memref<128x128xf32, #tpu.memory_space<vmem_shared>>
      %dma_start3A_64 = arith.constant 0 : i32
      %dma_start3A_65 = tpu.memref_slice %arg10[%add3A_13, %dma_start3A_64] : memref<10240x128xf32, #tpu.memory_space<vmem_shared>> -> memref<128x128xf32, #tpu.memory_space<vmem_shared>>
      tpu.enqueue_dma source(%arg8 : memref<128x128xf32, #tpu.memory_space<vmem>>) target(%dma_start3A_65 : memref<128x128xf32, #tpu.memory_space<vmem_shared>>) target_semaphore(%run_scoped3A_61 : memref<!tpu.dma_semaphore, #tpu.memory_space<semaphore_mem>>)
      %dma_wait3A_66 = arith.constant 0 : i32
      %dma_wait3A_67 = tpu.memref_slice %arg10[%add3A_13, %dma_wait3A_66] : memref<10240x128xf32, #tpu.memory_space<vmem_shared>> -> memref<128x128xf32, #tpu.memory_space<vmem_shared>>
      %dma_wait3A_68 = arith.constant 0 : i32
      %dma_wait3A_69 = tpu.memref_slice %arg10[%add3A_13, %dma_wait3A_68] : memref<10240x128xf32, #tpu.memory_space<vmem_shared>> -> memref<128x128xf32, #tpu.memory_space<vmem_shared>>
      tpu.wait_dma2 semaphore(%run_scoped3A_61 : memref<!tpu.dma_semaphore, #tpu.memory_space<semaphore_mem>>) src(%arg8 : memref<128x128xf32, #tpu.memory_space<vmem>>) dst(%dma_wait3A_69 : memref<128x128xf32, #tpu.memory_space<vmem_shared>>)
      tpu.yield
    }) : () -> ()
    %add3A_14 = arith.constant 384 : i32
    %add3A_15 = arith.addi %mul3A_2, %add3A_14 : i32
    "tpu.region"() ({
      %run_scoped3A_61 = tpu.sem_alloc : memref<!tpu.dma_semaphore, #tpu.memory_space<semaphore_mem>>
      %dma_start3A_62 = arith.constant 0 : i32
      %dma_start3A_63 = tpu.memref_slice %arg10[%add3A_15, %dma_start3A_62] : memref<10240x128xf32, #tpu.memory_space<vmem_shared>> -> memref<128x128xf32, #tpu.memory_space<vmem_shared>>
      %dma_start3A_64 = arith.constant 0 : i32
      %dma_start3A_65 = tpu.memref_slice %arg10[%add3A_15, %dma_start3A_64] : memref<10240x128xf32, #tpu.memory_space<vmem_shared>> -> memref<128x128xf32, #tpu.memory_space<vmem_shared>>
      tpu.enqueue_dma source(%arg8 : memref<128x128xf32, #tpu.memory_space<vmem>>) target(%dma_start3A_65 : memref<128x128xf32, #tpu.memory_space<vmem_shared>>) target_semaphore(%run_scoped3A_61 : memref<!tpu.dma_semaphore, #tpu.memory_space<semaphore_mem>>)
      %dma_wait3A_66 = arith.constant 0 : i32
      %dma_wait3A_67 = tpu.memref_slice %arg10[%add3A_15, %dma_wait3A_66] : memref<10240x128xf32, #tpu.memory_space<vmem_shared>> -> memref<128x128xf32, #tpu.memory_space<vmem_shared>>
      %dma_wait3A_68 = arith.constant 0 : i32
      %dma_wait3A_69 = tpu.memref_slice %arg10[%add3A_15, %dma_wait3A_68] : memref<10240x128xf32, #tpu.memory_space<vmem_shared>> -> memref<128x128xf32, #tpu.memory_space<vmem_shared>>
      tpu.wait_dma2 semaphore(%run_scoped3A_61 : memref<!tpu.dma_semaphore, #tpu.memory_space<semaphore_mem>>) src(%arg8 : memref<128x128xf32, #tpu.memory_space<vmem>>) dst(%dma_wait3A_69 : memref<128x128xf32, #tpu.memory_space<vmem_shared>>)
      tpu.yield
    }) : () -> ()
    %add3A_16 = arith.constant 512 : i32
    %add3A_17 = arith.addi %mul3A_2, %add3A_16 : i32
    "tpu.region"() ({
      %run_scoped3A_61 = tpu.sem_alloc : memref<!tpu.dma_semaphore, #tpu.memory_space<semaphore_mem>>
      %dma_start3A_62 = arith.constant 0 : i32
      %dma_start3A_63 = tpu.memref_slice %arg10[%add3A_17, %dma_start3A_62] : memref<10240x128xf32, #tpu.memory_space<vmem_shared>> -> memref<128x128xf32, #tpu.memory_space<vmem_shared>>
      %dma_start3A_64 = arith.constant 0 : i32
      %dma_start3A_65 = tpu.memref_slice %arg10[%add3A_17, %dma_start3A_64] : memref<10240x128xf32, #tpu.memory_space<vmem_shared>> -> memref<128x128xf32, #tpu.memory_space<vmem_shared>>
      tpu.enqueue_dma source(%arg8 : memref<128x128xf32, #tpu.memory_space<vmem>>) target(%dma_start3A_65 : memref<128x128xf32, #tpu.memory_space<vmem_shared>>) target_semaphore(%run_scoped3A_61 : memref<!tpu.dma_semaphore, #tpu.memory_space<semaphore_mem>>)
      %dma_wait3A_66 = arith.constant 0 : i32
      %dma_wait3A_67 = tpu.memref_slice %arg10[%add3A_17, %dma_wait3A_66] : memref<10240x128xf32, #tpu.memory_space<vmem_shared>> -> memref<128x128xf32, #tpu.memory_space<vmem_shared>>
      %dma_wait3A_68 = arith.constant 0 : i32
      %dma_wait3A_69 = tpu.memref_slice %arg10[%add3A_17, %dma_wait3A_68] : memref<10240x128xf32, #tpu.memory_space<vmem_shared>> -> memref<128x128xf32, #tpu.memory_space<vmem_shared>>
      tpu.wait_dma2 semaphore(%run_scoped3A_61 : memref<!tpu.dma_semaphore, #tpu.memory_space<semaphore_mem>>) src(%arg8 : memref<128x128xf32, #tpu.memory_space<vmem>>) dst(%dma_wait3A_69 : memref<128x128xf32, #tpu.memory_space<vmem_shared>>)
      tpu.yield
    }) : () -> ()
    %mul3A_18 = arith.constant 80 : i32
    %mul3A_19 = arith.muli %add3A, %mul3A_18 : i32
    "tpu.region"() ({
      %run_scoped3A_61 = tpu.sem_alloc : memref<!tpu.dma_semaphore, #tpu.memory_space<semaphore_mem>>
      %dma_start3A_62 = arith.constant 0 : i32
      %dma_start3A_63 = tpu.memref_slice %arg4[%mul3A_19, %dma_start3A_62] : memref<2560x128xi32, #tpu.memory_space<hbm>> -> memref<80x128xi32, #tpu.memory_space<hbm>>
      %dma_start3A_64 = arith.constant 0 : i32
      %dma_start3A_65 = tpu.memref_slice %arg4[%mul3A_19, %dma_start3A_64] : memref<2560x128xi32, #tpu.memory_space<hbm>> -> memref<80x128xi32, #tpu.memory_space<hbm>>
      tpu.enqueue_dma source(%dma_start3A_65 : memref<80x128xi32, #tpu.memory_space<hbm>>) target(%arg7 : memref<80x128xi32, #tpu.memory_space<vmem>>) target_semaphore(%run_scoped3A_61 : memref<!tpu.dma_semaphore, #tpu.memory_space<semaphore_mem>>)
      %dma_wait3A_66 = arith.constant 0 : i32
      %dma_wait3A_67 = tpu.memref_slice %arg4[%mul3A_19, %dma_wait3A_66] : memref<2560x128xi32, #tpu.memory_space<hbm>> -> memref<80x128xi32, #tpu.memory_space<hbm>>
      %dma_wait3A_68 = arith.constant 0 : i32
      %dma_wait3A_69 = tpu.memref_slice %arg4[%mul3A_19, %dma_wait3A_68] : memref<2560x128xi32, #tpu.memory_space<hbm>> -> memref<80x128xi32, #tpu.memory_space<hbm>>
      tpu.wait_dma2 semaphore(%run_scoped3A_61 : memref<!tpu.dma_semaphore, #tpu.memory_space<semaphore_mem>>) src(%dma_wait3A_69 : memref<80x128xi32, #tpu.memory_space<hbm>>) dst(%arg7 : memref<80x128xi32, #tpu.memory_space<vmem>>)
      tpu.yield
    }) : () -> ()
    %barrier3A = arith.constant 0 : index
    tpu.barrier barrier_id(%barrier3A)
    %mul3A_20 = arith.constant 80 : i32
    %mul3A_21 = arith.muli %add3A, %mul3A_20 : i32
    "tpu.region"() ({
      %run_scoped3A_61 = tpu.sem_alloc : memref<!tpu.dma_semaphore, #tpu.memory_space<semaphore_mem>>
      %dma_start3A_62 = arith.constant 0 : i32
      %dma_start3A_63 = tpu.memref_slice %arg3[%mul3A_21, %dma_start3A_62] : memref<2560x128xi32, #tpu.memory_space<hbm>> -> memref<1x128xi32, #tpu.memory_space<hbm>>
      %dma_start3A_64 = arith.constant 0 : i32
      %dma_start3A_65 = tpu.memref_slice %arg3[%mul3A_21, %dma_start3A_64] : memref<2560x128xi32, #tpu.memory_space<hbm>> -> memref<1x128xi32, #tpu.memory_space<hbm>>
      tpu.enqueue_dma source(%dma_start3A_65 : memref<1x128xi32, #tpu.memory_space<hbm>>) target(%arg6 : memref<1x128xi32, #tpu.memory_space<vmem>>) target_semaphore(%run_scoped3A_61 : memref<!tpu.dma_semaphore, #tpu.memory_space<semaphore_mem>>)
      %dma_wait3A_66 = arith.constant 0 : i32
      %dma_wait3A_67 = tpu.memref_slice %arg3[%mul3A_21, %dma_wait3A_66] : memref<2560x128xi32, #tpu.memory_space<hbm>> -> memref<1x128xi32, #tpu.memory_space<hbm>>
      %dma_wait3A_68 = arith.constant 0 : i32
      %dma_wait3A_69 = tpu.memref_slice %arg3[%mul3A_21, %dma_wait3A_68] : memref<2560x128xi32, #tpu.memory_space<hbm>> -> memref<1x128xi32, #tpu.memory_space<hbm>>
      tpu.wait_dma2 semaphore(%run_scoped3A_61 : memref<!tpu.dma_semaphore, #tpu.memory_space<semaphore_mem>>) src(%dma_wait3A_69 : memref<1x128xi32, #tpu.memory_space<hbm>>) dst(%arg6 : memref<1x128xi32, #tpu.memory_space<vmem>>)
      tpu.yield
    }) : () -> ()
    %dma_start3A = arith.constant 0 : i32
    %dma_start3A_22 = arith.constant 0 : i32
    %dma_start3A_23 = tpu.memref_slice %arg6[%dma_start3A, %dma_start3A_22] : memref<1x128xi32, #tpu.memory_space<vmem>> -> memref<1x128xi32, #tpu.memory_space<vmem>>
    %dma_start3A_24 = tpu.memref_squeeze %dma_start3A_23 : memref<1x128xi32, #tpu.memory_space<vmem>> -> memref<128xi32, #tpu.memory_space<vmem>>
    %dma_start3A_25 = arith.constant 0 : i32
    %dma_start3A_26 = arith.constant 0 : i32
    %dma_start3A_27 = tpu.memref_slice %arg2[%dma_start3A_25, %dma_start3A_26] : memref<10240x128xf32, #tpu.memory_space<hbm>> -> memref<10240x128xf32, #tpu.memory_space<hbm>>
    tpu.enqueue_indirect_dma source(%dma_start3A_27 : memref<10240x128xf32, #tpu.memory_space<hbm>>) target(%arg8 : memref<128x128xf32, #tpu.memory_space<vmem>>) offsets(%dma_start3A_24 : memref<128xi32, #tpu.memory_space<vmem>>) semaphore(%arg11 : memref<!tpu.dma_semaphore, #tpu.memory_space<semaphore_mem>>)
    %dma_wait3A = arith.constant 0 : i32
    %dma_wait3A_28 = arith.constant 0 : i32
    %dma_wait3A_29 = tpu.memref_slice %arg6[%dma_wait3A, %dma_wait3A_28] : memref<1x128xi32, #tpu.memory_space<vmem>> -> memref<1x128xi32, #tpu.memory_space<vmem>>
    %dma_wait3A_30 = tpu.memref_squeeze %dma_wait3A_29 : memref<1x128xi32, #tpu.memory_space<vmem>> -> memref<128xi32, #tpu.memory_space<vmem>>
    %dma_wait3A_31 = arith.constant 0 : i32
    %dma_wait3A_32 = arith.constant 0 : i32
    %dma_wait3A_33 = tpu.memref_slice %arg2[%dma_wait3A_31, %dma_wait3A_32] : memref<10240x128xf32, #tpu.memory_space<hbm>> -> memref<10240x128xf32, #tpu.memory_space<hbm>>
    tpu.wait_indirect_dma semaphore(%arg11 : memref<!tpu.dma_semaphore, #tpu.memory_space<semaphore_mem>>) src(%dma_wait3A_33 : memref<10240x128xf32, #tpu.memory_space<hbm>>) dst(%arg8 : memref<128x128xf32, #tpu.memory_space<vmem>>)
    %scan3A_34 = arith.constant 0 : i32
    %scan3A_35 = arith.constant 0 : i32
    %scan3A_36 = arith.constant 39 : i32
    %scan3A_37 = arith.addi %scan3A_35, %scan3A_36 : i32
    %scan3A_38 = arith.constant 1 : i32
    scf.for %scan3A_61 = %scan3A_35 to %scan3A_37 step %scan3A_38  : i32 {
      %mul3A_62 = arith.constant 2 : i32
      %mul3A_63 = arith.muli %scan3A_61, %mul3A_62 : i32
      %add3A_64 = arith.constant 1 : i32
      %add3A_65 = arith.addi %add3A_64, %mul3A_63 : i32
      %add3A_66 = arith.constant 0 : i32
      %add3A_67 = arith.addi %add3A_65, %add3A_66 : i32
      %mul3A_68 = arith.constant 80 : i32
      %mul3A_69 = arith.muli %add3A, %mul3A_68 : i32
      %add3A_70 = arith.addi %mul3A_69, %add3A_67 : i32
      "tpu.region"() ({
        %run_scoped3A_112 = tpu.sem_alloc : memref<!tpu.dma_semaphore, #tpu.memory_space<semaphore_mem>>
        %dma_start3A_113 = arith.constant 0 : i32
        %dma_start3A_114 = tpu.memref_slice %arg3[%add3A_70, %dma_start3A_113] : memref<2560x128xi32, #tpu.memory_space<hbm>> -> memref<1x128xi32, #tpu.memory_space<hbm>>
        %dma_start3A_115 = arith.constant 0 : i32
        %dma_start3A_116 = tpu.memref_slice %arg3[%add3A_70, %dma_start3A_115] : memref<2560x128xi32, #tpu.memory_space<hbm>> -> memref<1x128xi32, #tpu.memory_space<hbm>>
        tpu.enqueue_dma source(%dma_start3A_116 : memref<1x128xi32, #tpu.memory_space<hbm>>) target(%arg6 : memref<1x128xi32, #tpu.memory_space<vmem>>) target_semaphore(%run_scoped3A_112 : memref<!tpu.dma_semaphore, #tpu.memory_space<semaphore_mem>>)
        %dma_wait3A_117 = arith.constant 0 : i32
        %dma_wait3A_118 = tpu.memref_slice %arg3[%add3A_70, %dma_wait3A_117] : memref<2560x128xi32, #tpu.memory_space<hbm>> -> memref<1x128xi32, #tpu.memory_space<hbm>>
        %dma_wait3A_119 = arith.constant 0 : i32
        %dma_wait3A_120 = tpu.memref_slice %arg3[%add3A_70, %dma_wait3A_119] : memref<2560x128xi32, #tpu.memory_space<hbm>> -> memref<1x128xi32, #tpu.memory_space<hbm>>
        tpu.wait_dma2 semaphore(%run_scoped3A_112 : memref<!tpu.dma_semaphore, #tpu.memory_space<semaphore_mem>>) src(%dma_wait3A_120 : memref<1x128xi32, #tpu.memory_space<hbm>>) dst(%arg6 : memref<1x128xi32, #tpu.memory_space<vmem>>)
        tpu.yield
      }) : () -> ()
      %dma_start3A_71 = arith.constant 0 : i32
      %dma_start3A_72 = arith.constant 0 : i32
      %dma_start3A_73 = tpu.memref_slice %arg6[%dma_start3A_71, %dma_start3A_72] : memref<1x128xi32, #tpu.memory_space<vmem>> -> memref<1x128xi32, #tpu.memory_space<vmem>>
      %dma_start3A_74 = tpu.memref_squeeze %dma_start3A_73 : memref<1x128xi32, #tpu.memory_space<vmem>> -> memref<128xi32, #tpu.memory_space<vmem>>
      %dma_start3A_75 = arith.constant 0 : i32
      %dma_start3A_76 = arith.constant 0 : i32
      %dma_start3A_77 = tpu.memref_slice %arg2[%dma_start3A_75, %dma_start3A_76] : memref<10240x128xf32, #tpu.memory_space<hbm>> -> memref<10240x128xf32, #tpu.memory_space<hbm>>
      tpu.enqueue_indirect_dma source(%dma_start3A_77 : memref<10240x128xf32, #tpu.memory_space<hbm>>) target(%arg9 : memref<128x128xf32, #tpu.memory_space<vmem>>) offsets(%dma_start3A_74 : memref<128xi32, #tpu.memory_space<vmem>>) semaphore(%arg12 : memref<!tpu.dma_semaphore, #tpu.memory_space<semaphore_mem>>)
      %sub3A_78 = arith.constant 1 : i32
      %sub3A_79 = arith.subi %add3A_67, %sub3A_78 : i32
      "tpu.region"() ({
        %run_scoped3A_112 = tpu.sem_alloc : memref<!tpu.dma_semaphore, #tpu.memory_space<semaphore_mem>>
        %dma_start3A_113 = arith.constant 0 : i32
        %dma_start3A_114 = tpu.memref_slice %arg7[%sub3A_79, %dma_start3A_113] : memref<80x128xi32, #tpu.memory_space<vmem>> -> memref<1x128xi32, #tpu.memory_space<vmem>>
        %dma_start3A_115 = tpu.memref_squeeze %dma_start3A_114 : memref<1x128xi32, #tpu.memory_space<vmem>> -> memref<128xi32, #tpu.memory_space<vmem>>
        %dma_start3A_116 = arith.constant 0 : i32
        %dma_start3A_117 = arith.constant 0 : i32
        %dma_start3A_118 = tpu.memref_slice %arg10[%dma_start3A_116, %dma_start3A_117] : memref<10240x128xf32, #tpu.memory_space<vmem_shared>> -> memref<10240x128xf32, #tpu.memory_space<vmem_shared>>
        tpu.enqueue_indirect_dma source(%arg8 : memref<128x128xf32, #tpu.memory_space<vmem>>) target(%dma_start3A_118 : memref<10240x128xf32, #tpu.memory_space<vmem_shared>>) offsets(%dma_start3A_115 : memref<128xi32, #tpu.memory_space<vmem>>) semaphore(%run_scoped3A_112 : memref<!tpu.dma_semaphore, #tpu.memory_space<semaphore_mem>>) {add = true}
        %dma_wait3A_119 = arith.constant 0 : i32
        %dma_wait3A_120 = tpu.memref_slice %arg7[%sub3A_79, %dma_wait3A_119] : memref<80x128xi32, #tpu.memory_space<vmem>> -> memref<1x128xi32, #tpu.memory_space<vmem>>
        %dma_wait3A_121 = tpu.memref_squeeze %dma_wait3A_120 : memref<1x128xi32, #tpu.memory_space<vmem>> -> memref<128xi32, #tpu.memory_space<vmem>>
        %dma_wait3A_122 = arith.constant 0 : i32
        %dma_wait3A_123 = arith.constant 0 : i32
        %dma_wait3A_124 = tpu.memref_slice %arg10[%dma_wait3A_122, %dma_wait3A_123] : memref<10240x128xf32, #tpu.memory_space<vmem_shared>> -> memref<10240x128xf32, #tpu.memory_space<vmem_shared>>
        tpu.wait_indirect_dma semaphore(%run_scoped3A_112 : memref<!tpu.dma_semaphore, #tpu.memory_space<semaphore_mem>>) src(%arg8 : memref<128x128xf32, #tpu.memory_space<vmem>>) dst(%dma_wait3A_124 : memref<10240x128xf32, #tpu.memory_space<vmem_shared>>)
        tpu.yield
      }) : () -> ()
      %dma_wait3A_80 = arith.constant 0 : i32
      %dma_wait3A_81 = arith.constant 0 : i32
      %dma_wait3A_82 = tpu.memref_slice %arg6[%dma_wait3A_80, %dma_wait3A_81] : memref<1x128xi32, #tpu.memory_space<vmem>> -> memref<1x128xi32, #tpu.memory_space<vmem>>
      %dma_wait3A_83 = tpu.memref_squeeze %dma_wait3A_82 : memref<1x128xi32, #tpu.memory_space<vmem>> -> memref<128xi32, #tpu.memory_space<vmem>>
      %dma_wait3A_84 = arith.constant 0 : i32
      %dma_wait3A_85 = arith.constant 0 : i32
      %dma_wait3A_86 = tpu.memref_slice %arg2[%dma_wait3A_84, %dma_wait3A_85] : memref<10240x128xf32, #tpu.memory_space<hbm>> -> memref<10240x128xf32, #tpu.memory_space<hbm>>
      tpu.wait_indirect_dma semaphore(%arg12 : memref<!tpu.dma_semaphore, #tpu.memory_space<semaphore_mem>>) src(%dma_wait3A_86 : memref<10240x128xf32, #tpu.memory_space<hbm>>) dst(%arg9 : memref<128x128xf32, #tpu.memory_space<vmem>>)
      %mul3A_87 = arith.constant 2 : i32
      %mul3A_88 = arith.muli %scan3A_61, %mul3A_87 : i32
      %add3A_89 = arith.constant 1 : i32
      %add3A_90 = arith.addi %add3A_89, %mul3A_88 : i32
      %add3A_91 = arith.constant 1 : i32
      %add3A_92 = arith.addi %add3A_90, %add3A_91 : i32
      %mul3A_93 = arith.constant 80 : i32
      %mul3A_94 = arith.muli %add3A, %mul3A_93 : i32
      %add3A_95 = arith.addi %mul3A_94, %add3A_92 : i32
      "tpu.region"() ({
        %run_scoped3A_112 = tpu.sem_alloc : memref<!tpu.dma_semaphore, #tpu.memory_space<semaphore_mem>>
        %dma_start3A_113 = arith.constant 0 : i32
        %dma_start3A_114 = tpu.memref_slice %arg3[%add3A_95, %dma_start3A_113] : memref<2560x128xi32, #tpu.memory_space<hbm>> -> memref<1x128xi32, #tpu.memory_space<hbm>>
        %dma_start3A_115 = arith.constant 0 : i32
        %dma_start3A_116 = tpu.memref_slice %arg3[%add3A_95, %dma_start3A_115] : memref<2560x128xi32, #tpu.memory_space<hbm>> -> memref<1x128xi32, #tpu.memory_space<hbm>>
        tpu.enqueue_dma source(%dma_start3A_116 : memref<1x128xi32, #tpu.memory_space<hbm>>) target(%arg6 : memref<1x128xi32, #tpu.memory_space<vmem>>) target_semaphore(%run_scoped3A_112 : memref<!tpu.dma_semaphore, #tpu.memory_space<semaphore_mem>>)
        %dma_wait3A_117 = arith.constant 0 : i32
        %dma_wait3A_118 = tpu.memref_slice %arg3[%add3A_95, %dma_wait3A_117] : memref<2560x128xi32, #tpu.memory_space<hbm>> -> memref<1x128xi32, #tpu.memory_space<hbm>>
        %dma_wait3A_119 = arith.constant 0 : i32
        %dma_wait3A_120 = tpu.memref_slice %arg3[%add3A_95, %dma_wait3A_119] : memref<2560x128xi32, #tpu.memory_space<hbm>> -> memref<1x128xi32, #tpu.memory_space<hbm>>
        tpu.wait_dma2 semaphore(%run_scoped3A_112 : memref<!tpu.dma_semaphore, #tpu.memory_space<semaphore_mem>>) src(%dma_wait3A_120 : memref<1x128xi32, #tpu.memory_space<hbm>>) dst(%arg6 : memref<1x128xi32, #tpu.memory_space<vmem>>)
        tpu.yield
      }) : () -> ()
      %dma_start3A_96 = arith.constant 0 : i32
      %dma_start3A_97 = arith.constant 0 : i32
      %dma_start3A_98 = tpu.memref_slice %arg6[%dma_start3A_96, %dma_start3A_97] : memref<1x128xi32, #tpu.memory_space<vmem>> -> memref<1x128xi32, #tpu.memory_space<vmem>>
      %dma_start3A_99 = tpu.memref_squeeze %dma_start3A_98 : memref<1x128xi32, #tpu.memory_space<vmem>> -> memref<128xi32, #tpu.memory_space<vmem>>
      %dma_start3A_100 = arith.constant 0 : i32
      %dma_start3A_101 = arith.constant 0 : i32
      %dma_start3A_102 = tpu.memref_slice %arg2[%dma_start3A_100, %dma_start3A_101] : memref<10240x128xf32, #tpu.memory_space<hbm>> -> memref<10240x128xf32, #tpu.memory_space<hbm>>
      tpu.enqueue_indirect_dma source(%dma_start3A_102 : memref<10240x128xf32, #tpu.memory_space<hbm>>) target(%arg8 : memref<128x128xf32, #tpu.memory_space<vmem>>) offsets(%dma_start3A_99 : memref<128xi32, #tpu.memory_space<vmem>>) semaphore(%arg11 : memref<!tpu.dma_semaphore, #tpu.memory_space<semaphore_mem>>)
      %sub3A_103 = arith.constant 1 : i32
      %sub3A_104 = arith.subi %add3A_92, %sub3A_103 : i32
      "tpu.region"() ({
        %run_scoped3A_112 = tpu.sem_alloc : memref<!tpu.dma_semaphore, #tpu.memory_space<semaphore_mem>>
        %dma_start3A_113 = arith.constant 0 : i32
        %dma_start3A_114 = tpu.memref_slice %arg7[%sub3A_104, %dma_start3A_113] : memref<80x128xi32, #tpu.memory_space<vmem>> -> memref<1x128xi32, #tpu.memory_space<vmem>>
        %dma_start3A_115 = tpu.memref_squeeze %dma_start3A_114 : memref<1x128xi32, #tpu.memory_space<vmem>> -> memref<128xi32, #tpu.memory_space<vmem>>
        %dma_start3A_116 = arith.constant 0 : i32
        %dma_start3A_117 = arith.constant 0 : i32
        %dma_start3A_118 = tpu.memref_slice %arg10[%dma_start3A_116, %dma_start3A_117] : memref<10240x128xf32, #tpu.memory_space<vmem_shared>> -> memref<10240x128xf32, #tpu.memory_space<vmem_shared>>
        tpu.enqueue_indirect_dma source(%arg9 : memref<128x128xf32, #tpu.memory_space<vmem>>) target(%dma_start3A_118 : memref<10240x128xf32, #tpu.memory_space<vmem_shared>>) offsets(%dma_start3A_115 : memref<128xi32, #tpu.memory_space<vmem>>) semaphore(%run_scoped3A_112 : memref<!tpu.dma_semaphore, #tpu.memory_space<semaphore_mem>>) {add = true}
        %dma_wait3A_119 = arith.constant 0 : i32
        %dma_wait3A_120 = tpu.memref_slice %arg7[%sub3A_104, %dma_wait3A_119] : memref<80x128xi32, #tpu.memory_space<vmem>> -> memref<1x128xi32, #tpu.memory_space<vmem>>
        %dma_wait3A_121 = tpu.memref_squeeze %dma_wait3A_120 : memref<1x128xi32, #tpu.memory_space<vmem>> -> memref<128xi32, #tpu.memory_space<vmem>>
        %dma_wait3A_122 = arith.constant 0 : i32
        %dma_wait3A_123 = arith.constant 0 : i32
        %dma_wait3A_124 = tpu.memref_slice %arg10[%dma_wait3A_122, %dma_wait3A_123] : memref<10240x128xf32, #tpu.memory_space<vmem_shared>> -> memref<10240x128xf32, #tpu.memory_space<vmem_shared>>
        tpu.wait_indirect_dma semaphore(%run_scoped3A_112 : memref<!tpu.dma_semaphore, #tpu.memory_space<semaphore_mem>>) src(%arg9 : memref<128x128xf32, #tpu.memory_space<vmem>>) dst(%dma_wait3A_124 : memref<10240x128xf32, #tpu.memory_space<vmem_shared>>)
        tpu.yield
      }) : () -> ()
      %dma_wait3A_105 = arith.constant 0 : i32
      %dma_wait3A_106 = arith.constant 0 : i32
      %dma_wait3A_107 = tpu.memref_slice %arg6[%dma_wait3A_105, %dma_wait3A_106] : memref<1x128xi32, #tpu.memory_space<vmem>> -> memref<1x128xi32, #tpu.memory_space<vmem>>
      %dma_wait3A_108 = tpu.memref_squeeze %dma_wait3A_107 : memref<1x128xi32, #tpu.memory_space<vmem>> -> memref<128xi32, #tpu.memory_space<vmem>>
      %dma_wait3A_109 = arith.constant 0 : i32
      %dma_wait3A_110 = arith.constant 0 : i32
      %dma_wait3A_111 = tpu.memref_slice %arg2[%dma_wait3A_109, %dma_wait3A_110] : memref<10240x128xf32, #tpu.memory_space<hbm>> -> memref<10240x128xf32, #tpu.memory_space<hbm>>
      tpu.wait_indirect_dma semaphore(%arg11 : memref<!tpu.dma_semaphore, #tpu.memory_space<semaphore_mem>>) src(%dma_wait3A_111 : memref<10240x128xf32, #tpu.memory_space<hbm>>) dst(%arg8 : memref<128x128xf32, #tpu.memory_space<vmem>>)
    }
    %scan3A_39 = arith.constant 39 : i32
    %mul3A_40 = arith.constant 80 : i32
    %mul3A_41 = arith.muli %add3A, %mul3A_40 : i32
    %add3A_42 = arith.constant 80 : i32
    %add3A_43 = arith.addi %mul3A_41, %add3A_42 : i32
    %sub3A = arith.constant 1 : i32
    %sub3A_44 = arith.subi %add3A_43, %sub3A : i32
    "tpu.region"() ({
      %run_scoped3A_61 = tpu.sem_alloc : memref<!tpu.dma_semaphore, #tpu.memory_space<semaphore_mem>>
      %dma_start3A_62 = arith.constant 0 : i32
      %dma_start3A_63 = tpu.memref_slice %arg3[%sub3A_44, %dma_start3A_62] : memref<2560x128xi32, #tpu.memory_space<hbm>> -> memref<1x128xi32, #tpu.memory_space<hbm>>
      %dma_start3A_64 = arith.constant 0 : i32
      %dma_start3A_65 = tpu.memref_slice %arg3[%sub3A_44, %dma_start3A_64] : memref<2560x128xi32, #tpu.memory_space<hbm>> -> memref<1x128xi32, #tpu.memory_space<hbm>>
      tpu.enqueue_dma source(%dma_start3A_65 : memref<1x128xi32, #tpu.memory_space<hbm>>) target(%arg6 : memref<1x128xi32, #tpu.memory_space<vmem>>) target_semaphore(%run_scoped3A_61 : memref<!tpu.dma_semaphore, #tpu.memory_space<semaphore_mem>>)
      %dma_wait3A_66 = arith.constant 0 : i32
      %dma_wait3A_67 = tpu.memref_slice %arg3[%sub3A_44, %dma_wait3A_66] : memref<2560x128xi32, #tpu.memory_space<hbm>> -> memref<1x128xi32, #tpu.memory_space<hbm>>
      %dma_wait3A_68 = arith.constant 0 : i32
      %dma_wait3A_69 = tpu.memref_slice %arg3[%sub3A_44, %dma_wait3A_68] : memref<2560x128xi32, #tpu.memory_space<hbm>> -> memref<1x128xi32, #tpu.memory_space<hbm>>
      tpu.wait_dma2 semaphore(%run_scoped3A_61 : memref<!tpu.dma_semaphore, #tpu.memory_space<semaphore_mem>>) src(%dma_wait3A_69 : memref<1x128xi32, #tpu.memory_space<hbm>>) dst(%arg6 : memref<1x128xi32, #tpu.memory_space<vmem>>)
      tpu.yield
    }) : () -> ()
    %dma_start3A_45 = arith.constant 0 : i32
    %dma_start3A_46 = arith.constant 0 : i32
    %dma_start3A_47 = tpu.memref_slice %arg6[%dma_start3A_45, %dma_start3A_46] : memref<1x128xi32, #tpu.memory_space<vmem>> -> memref<1x128xi32, #tpu.memory_space<vmem>>
    %dma_start3A_48 = tpu.memref_squeeze %dma_start3A_47 : memref<1x128xi32, #tpu.memory_space<vmem>> -> memref<128xi32, #tpu.memory_space<vmem>>
    %dma_start3A_49 = arith.constant 0 : i32
    %dma_start3A_50 = arith.constant 0 : i32
    %dma_start3A_51 = tpu.memref_slice %arg2[%dma_start3A_49, %dma_start3A_50] : memref<10240x128xf32, #tpu.memory_space<hbm>> -> memref<10240x128xf32, #tpu.memory_space<hbm>>
    tpu.enqueue_indirect_dma source(%dma_start3A_51 : memref<10240x128xf32, #tpu.memory_space<hbm>>) target(%arg9 : memref<128x128xf32, #tpu.memory_space<vmem>>) offsets(%dma_start3A_48 : memref<128xi32, #tpu.memory_space<vmem>>) semaphore(%arg12 : memref<!tpu.dma_semaphore, #tpu.memory_space<semaphore_mem>>)
    %run_scoped3A = arith.constant 78 : i32
    "tpu.region"() ({
      %run_scoped3A_61 = tpu.sem_alloc : memref<!tpu.dma_semaphore, #tpu.memory_space<semaphore_mem>>
      %dma_start3A_62 = arith.constant 0 : i32
      %dma_start3A_63 = tpu.memref_slice %arg7[%run_scoped3A, %dma_start3A_62] : memref<80x128xi32, #tpu.memory_space<vmem>> -> memref<1x128xi32, #tpu.memory_space<vmem>>
      %dma_start3A_64 = tpu.memref_squeeze %dma_start3A_63 : memref<1x128xi32, #tpu.memory_space<vmem>> -> memref<128xi32, #tpu.memory_space<vmem>>
      %dma_start3A_65 = arith.constant 0 : i32
      %dma_start3A_66 = arith.constant 0 : i32
      %dma_start3A_67 = tpu.memref_slice %arg10[%dma_start3A_65, %dma_start3A_66] : memref<10240x128xf32, #tpu.memory_space<vmem_shared>> -> memref<10240x128xf32, #tpu.memory_space<vmem_shared>>
      tpu.enqueue_indirect_dma source(%arg8 : memref<128x128xf32, #tpu.memory_space<vmem>>) target(%dma_start3A_67 : memref<10240x128xf32, #tpu.memory_space<vmem_shared>>) offsets(%dma_start3A_64 : memref<128xi32, #tpu.memory_space<vmem>>) semaphore(%run_scoped3A_61 : memref<!tpu.dma_semaphore, #tpu.memory_space<semaphore_mem>>) {add = true}
      %dma_wait3A_68 = arith.constant 0 : i32
      %dma_wait3A_69 = tpu.memref_slice %arg7[%run_scoped3A, %dma_wait3A_68] : memref<80x128xi32, #tpu.memory_space<vmem>> -> memref<1x128xi32, #tpu.memory_space<vmem>>
      %dma_wait3A_70 = tpu.memref_squeeze %dma_wait3A_69 : memref<1x128xi32, #tpu.memory_space<vmem>> -> memref<128xi32, #tpu.memory_space<vmem>>
      %dma_wait3A_71 = arith.constant 0 : i32
      %dma_wait3A_72 = arith.constant 0 : i32
      %dma_wait3A_73 = tpu.memref_slice %arg10[%dma_wait3A_71, %dma_wait3A_72] : memref<10240x128xf32, #tpu.memory_space<vmem_shared>> -> memref<10240x128xf32, #tpu.memory_space<vmem_shared>>
      tpu.wait_indirect_dma semaphore(%run_scoped3A_61 : memref<!tpu.dma_semaphore, #tpu.memory_space<semaphore_mem>>) src(%arg8 : memref<128x128xf32, #tpu.memory_space<vmem>>) dst(%dma_wait3A_73 : memref<10240x128xf32, #tpu.memory_space<vmem_shared>>)
      tpu.yield
    }) : () -> ()
    %dma_wait3A_52 = arith.constant 0 : i32
    %dma_wait3A_53 = arith.constant 0 : i32
    %dma_wait3A_54 = tpu.memref_slice %arg6[%dma_wait3A_52, %dma_wait3A_53] : memref<1x128xi32, #tpu.memory_space<vmem>> -> memref<1x128xi32, #tpu.memory_space<vmem>>
    %dma_wait3A_55 = tpu.memref_squeeze %dma_wait3A_54 : memref<1x128xi32, #tpu.memory_space<vmem>> -> memref<128xi32, #tpu.memory_space<vmem>>
    %dma_wait3A_56 = arith.constant 0 : i32
    %dma_wait3A_57 = arith.constant 0 : i32
    %dma_wait3A_58 = tpu.memref_slice %arg2[%dma_wait3A_56, %dma_wait3A_57] : memref<10240x128xf32, #tpu.memory_space<hbm>> -> memref<10240x128xf32, #tpu.memory_space<hbm>>
    tpu.wait_indirect_dma semaphore(%arg12 : memref<!tpu.dma_semaphore, #tpu.memory_space<semaphore_mem>>) src(%dma_wait3A_58 : memref<10240x128xf32, #tpu.memory_space<hbm>>) dst(%arg9 : memref<128x128xf32, #tpu.memory_space<vmem>>)
    %run_scoped3A_59 = arith.constant 79 : i32
    "tpu.region"() ({
      %run_scoped3A_61 = tpu.sem_alloc : memref<!tpu.dma_semaphore, #tpu.memory_space<semaphore_mem>>
      %dma_start3A_62 = arith.constant 0 : i32
      %dma_start3A_63 = tpu.memref_slice %arg7[%run_scoped3A_59, %dma_start3A_62] : memref<80x128xi32, #tpu.memory_space<vmem>> -> memref<1x128xi32, #tpu.memory_space<vmem>>
      %dma_start3A_64 = tpu.memref_squeeze %dma_start3A_63 : memref<1x128xi32, #tpu.memory_space<vmem>> -> memref<128xi32, #tpu.memory_space<vmem>>
      %dma_start3A_65 = arith.constant 0 : i32
      %dma_start3A_66 = arith.constant 0 : i32
      %dma_start3A_67 = tpu.memref_slice %arg10[%dma_start3A_65, %dma_start3A_66] : memref<10240x128xf32, #tpu.memory_space<vmem_shared>> -> memref<10240x128xf32, #tpu.memory_space<vmem_shared>>
      tpu.enqueue_indirect_dma source(%arg9 : memref<128x128xf32, #tpu.memory_space<vmem>>) target(%dma_start3A_67 : memref<10240x128xf32, #tpu.memory_space<vmem_shared>>) offsets(%dma_start3A_64 : memref<128xi32, #tpu.memory_space<vmem>>) semaphore(%run_scoped3A_61 : memref<!tpu.dma_semaphore, #tpu.memory_space<semaphore_mem>>) {add = true}
      %dma_wait3A_68 = arith.constant 0 : i32
      %dma_wait3A_69 = tpu.memref_slice %arg7[%run_scoped3A_59, %dma_wait3A_68] : memref<80x128xi32, #tpu.memory_space<vmem>> -> memref<1x128xi32, #tpu.memory_space<vmem>>
      %dma_wait3A_70 = tpu.memref_squeeze %dma_wait3A_69 : memref<1x128xi32, #tpu.memory_space<vmem>> -> memref<128xi32, #tpu.memory_space<vmem>>
      %dma_wait3A_71 = arith.constant 0 : i32
      %dma_wait3A_72 = arith.constant 0 : i32
      %dma_wait3A_73 = tpu.memref_slice %arg10[%dma_wait3A_71, %dma_wait3A_72] : memref<10240x128xf32, #tpu.memory_space<vmem_shared>> -> memref<10240x128xf32, #tpu.memory_space<vmem_shared>>
      tpu.wait_indirect_dma semaphore(%run_scoped3A_61 : memref<!tpu.dma_semaphore, #tpu.memory_space<semaphore_mem>>) src(%arg9 : memref<128x128xf32, #tpu.memory_space<vmem>>) dst(%dma_wait3A_73 : memref<10240x128xf32, #tpu.memory_space<vmem_shared>>)
      tpu.yield
    }) : () -> ()
    %barrier3A_60 = arith.constant 0 : index
    tpu.barrier barrier_id(%barrier3A_60)
    "tpu.region"() ({
      %run_scoped3A_61 = tpu.sem_alloc : memref<!tpu.dma_semaphore, #tpu.memory_space<semaphore_mem>>
      %dma_start3A_62 = arith.constant 0 : i32
      %dma_start3A_63 = tpu.memref_slice %arg5[%arg0, %mul3A_2, %dma_start3A_62] : memref<2x10240x128xf32, #tpu.memory_space<hbm>> -> memref<1x640x128xf32, #tpu.memory_space<hbm>>
      %dma_start3A_64 = tpu.memref_squeeze %dma_start3A_63 : memref<1x640x128xf32, #tpu.memory_space<hbm>> -> memref<640x128xf32, #tpu.memory_space<hbm>>
      %dma_start3A_65 = arith.constant 0 : i32
      %dma_start3A_66 = tpu.memref_slice %arg10[%mul3A_2, %dma_start3A_65] : memref<10240x128xf32, #tpu.memory_space<vmem_shared>> -> memref<640x128xf32, #tpu.memory_space<vmem_shared>>
      tpu.enqueue_dma source(%dma_start3A_66 : memref<640x128xf32, #tpu.memory_space<vmem_shared>>) target(%dma_start3A_64 : memref<640x128xf32, #tpu.memory_space<hbm>>) target_semaphore(%run_scoped3A_61 : memref<!tpu.dma_semaphore, #tpu.memory_space<semaphore_mem>>)
      %dma_wait3A_67 = arith.constant 0 : i32
      %dma_wait3A_68 = tpu.memref_slice %arg5[%arg0, %mul3A_2, %dma_wait3A_67] : memref<2x10240x128xf32, #tpu.memory_space<hbm>> -> memref<1x640x128xf32, #tpu.memory_space<hbm>>
      %dma_wait3A_69 = tpu.memref_squeeze %dma_wait3A_68 : memref<1x640x128xf32, #tpu.memory_space<hbm>> -> memref<640x128xf32, #tpu.memory_space<hbm>>
      %dma_wait3A_70 = arith.constant 0 : i32
      %dma_wait3A_71 = tpu.memref_slice %arg10[%mul3A_2, %dma_wait3A_70] : memref<10240x128xf32, #tpu.memory_space<vmem_shared>> -> memref<640x128xf32, #tpu.memory_space<vmem_shared>>
      tpu.wait_dma2 semaphore(%run_scoped3A_61 : memref<!tpu.dma_semaphore, #tpu.memory_space<semaphore_mem>>) src(%dma_wait3A_71 : memref<640x128xf32, #tpu.memory_space<vmem_shared>>) dst(%dma_wait3A_69 : memref<640x128xf32, #tpu.memory_space<hbm>>)
      tpu.yield
    }) : () -> ()
    return
  }
}

#map = affine_map<(d0, d1) -> (0, 0)>
#map1 = affine_map<(d0, d1) -> (0, 0, 0)>
module attributes {stable_mosaic.version = 14 : i64} {
  func.func @_deg_kernel(%arg0: i32, %arg1: i32, %arg2: memref<2560x128xi32, #tpu.memory_space<hbm>>, %arg3: memref<2x10240x128xf32, #tpu.memory_space<hbm>>, %arg4: memref<80x128xi32, #tpu.memory_space<vmem>>, %arg5: memref<128x128xf32, #tpu.memory_space<vmem>>, %arg6: memref<10240x128xf32, #tpu.memory_space<vmem_shared>>) attributes {dimension_semantics = [#tpu.dimension_semantics<core_parallel>, #tpu.dimension_semantics<subcore_parallel>], iteration_bounds = array<i64: 2, 16>, scalar_prefetch = 0 : i64, scratch_operands = 3 : i64, tpu.core_type = #tpu.core_type<sc_vector_subcore>, window_params = [{transform_indices = #map}, {transform_indices = #map1}]} {
    %mul3A = arith.constant 2 : i32
    %mul3A_0 = arith.muli %arg1, %mul3A : i32
    %add3A = arith.addi %mul3A_0, %arg0 : i32
    %mul3A_1 = arith.constant 640 : i32
    %mul3A_2 = arith.muli %arg1, %mul3A_1 : i32
    %scan3A = arith.constant 0 : i32
    %scan3A_3 = arith.constant 0 : i32
    %scan3A_4 = arith.constant 128 : i32
    %scan3A_5 = arith.addi %scan3A_3, %scan3A_4 : i32
    %scan3A_6 = arith.constant 1 : i32
    scf.for %scan3A_33 = %scan3A_3 to %scan3A_5 step %scan3A_6  : i32 {
      %broadcast_in_dim3A = arith.constant 0.000000e+00 : f32
      %broadcast_in_dim3A_34 = vector.broadcast %broadcast_in_dim3A : f32 to vector<16xf32>
      %swap3A = arith.index_cast %scan3A_33 : i32 to index
      %swap3A_35 = arith.constant 0 : index
      %swap3A_36 = tpu.vector_load %arg5[%swap3A, %swap3A_35] {strides = array<i32>} : memref<128x128xf32, #tpu.memory_space<vmem>>, vector<1x16xf32>,
      %swap3A_37 = vector.shape_cast %swap3A_36 : vector<1x16xf32> to vector<16xf32>
      %swap3A_38 = vector.shape_cast %broadcast_in_dim3A_34 : vector<16xf32> to vector<1x16xf32>
      tpu.vector_store %arg5[%swap3A, %swap3A_35], %swap3A_38 {strides = array<i32>} : memref<128x128xf32, #tpu.memory_space<vmem>>, vector<1x16xf32>,
      %broadcast_in_dim3A_39 = arith.constant 0.000000e+00 : f32
      %broadcast_in_dim3A_40 = vector.broadcast %broadcast_in_dim3A_39 : f32 to vector<16xf32>
      %swap3A_41 = arith.index_cast %scan3A_33 : i32 to index
      %swap3A_42 = arith.constant 16 : index
      %swap3A_43 = tpu.vector_load %arg5[%swap3A_41, %swap3A_42] {strides = array<i32>} : memref<128x128xf32, #tpu.memory_space<vmem>>, vector<1x16xf32>,
      %swap3A_44 = vector.shape_cast %swap3A_43 : vector<1x16xf32> to vector<16xf32>
      %swap3A_45 = vector.shape_cast %broadcast_in_dim3A_40 : vector<16xf32> to vector<1x16xf32>
      tpu.vector_store %arg5[%swap3A_41, %swap3A_42], %swap3A_45 {strides = array<i32>} : memref<128x128xf32, #tpu.memory_space<vmem>>, vector<1x16xf32>,
      %broadcast_in_dim3A_46 = arith.constant 0.000000e+00 : f32
      %broadcast_in_dim3A_47 = vector.broadcast %broadcast_in_dim3A_46 : f32 to vector<16xf32>
      %swap3A_48 = arith.index_cast %scan3A_33 : i32 to index
      %swap3A_49 = arith.constant 32 : index
      %swap3A_50 = tpu.vector_load %arg5[%swap3A_48, %swap3A_49] {strides = array<i32>} : memref<128x128xf32, #tpu.memory_space<vmem>>, vector<1x16xf32>,
      %swap3A_51 = vector.shape_cast %swap3A_50 : vector<1x16xf32> to vector<16xf32>
      %swap3A_52 = vector.shape_cast %broadcast_in_dim3A_47 : vector<16xf32> to vector<1x16xf32>
      tpu.vector_store %arg5[%swap3A_48, %swap3A_49], %swap3A_52 {strides = array<i32>} : memref<128x128xf32, #tpu.memory_space<vmem>>, vector<1x16xf32>,
      %broadcast_in_dim3A_53 = arith.constant 0.000000e+00 : f32
      %broadcast_in_dim3A_54 = vector.broadcast %broadcast_in_dim3A_53 : f32 to vector<16xf32>
      %swap3A_55 = arith.index_cast %scan3A_33 : i32 to index
      %swap3A_56 = arith.constant 48 : index
      %swap3A_57 = tpu.vector_load %arg5[%swap3A_55, %swap3A_56] {strides = array<i32>} : memref<128x128xf32, #tpu.memory_space<vmem>>, vector<1x16xf32>,
      %swap3A_58 = vector.shape_cast %swap3A_57 : vector<1x16xf32> to vector<16xf32>
      %swap3A_59 = vector.shape_cast %broadcast_in_dim3A_54 : vector<16xf32> to vector<1x16xf32>
      tpu.vector_store %arg5[%swap3A_55, %swap3A_56], %swap3A_59 {strides = array<i32>} : memref<128x128xf32, #tpu.memory_space<vmem>>, vector<1x16xf32>,
      %broadcast_in_dim3A_60 = arith.constant 0.000000e+00 : f32
      %broadcast_in_dim3A_61 = vector.broadcast %broadcast_in_dim3A_60 : f32 to vector<16xf32>
      %swap3A_62 = arith.index_cast %scan3A_33 : i32 to index
      %swap3A_63 = arith.constant 64 : index
      %swap3A_64 = tpu.vector_load %arg5[%swap3A_62, %swap3A_63] {strides = array<i32>} : memref<128x128xf32, #tpu.memory_space<vmem>>, vector<1x16xf32>,
      %swap3A_65 = vector.shape_cast %swap3A_64 : vector<1x16xf32> to vector<16xf32>
      %swap3A_66 = vector.shape_cast %broadcast_in_dim3A_61 : vector<16xf32> to vector<1x16xf32>
      tpu.vector_store %arg5[%swap3A_62, %swap3A_63], %swap3A_66 {strides = array<i32>} : memref<128x128xf32, #tpu.memory_space<vmem>>, vector<1x16xf32>,
      %broadcast_in_dim3A_67 = arith.constant 0.000000e+00 : f32
      %broadcast_in_dim3A_68 = vector.broadcast %broadcast_in_dim3A_67 : f32 to vector<16xf32>
      %swap3A_69 = arith.index_cast %scan3A_33 : i32 to index
      %swap3A_70 = arith.constant 80 : index
      %swap3A_71 = tpu.vector_load %arg5[%swap3A_69, %swap3A_70] {strides = array<i32>} : memref<128x128xf32, #tpu.memory_space<vmem>>, vector<1x16xf32>,
      %swap3A_72 = vector.shape_cast %swap3A_71 : vector<1x16xf32> to vector<16xf32>
      %swap3A_73 = vector.shape_cast %broadcast_in_dim3A_68 : vector<16xf32> to vector<1x16xf32>
      tpu.vector_store %arg5[%swap3A_69, %swap3A_70], %swap3A_73 {strides = array<i32>} : memref<128x128xf32, #tpu.memory_space<vmem>>, vector<1x16xf32>,
      %broadcast_in_dim3A_74 = arith.constant 0.000000e+00 : f32
      %broadcast_in_dim3A_75 = vector.broadcast %broadcast_in_dim3A_74 : f32 to vector<16xf32>
      %swap3A_76 = arith.index_cast %scan3A_33 : i32 to index
      %swap3A_77 = arith.constant 96 : index
      %swap3A_78 = tpu.vector_load %arg5[%swap3A_76, %swap3A_77] {strides = array<i32>} : memref<128x128xf32, #tpu.memory_space<vmem>>, vector<1x16xf32>,
      %swap3A_79 = vector.shape_cast %swap3A_78 : vector<1x16xf32> to vector<16xf32>
      %swap3A_80 = vector.shape_cast %broadcast_in_dim3A_75 : vector<16xf32> to vector<1x16xf32>
      tpu.vector_store %arg5[%swap3A_76, %swap3A_77], %swap3A_80 {strides = array<i32>} : memref<128x128xf32, #tpu.memory_space<vmem>>, vector<1x16xf32>,
      %broadcast_in_dim3A_81 = arith.constant 0.000000e+00 : f32
      %broadcast_in_dim3A_82 = vector.broadcast %broadcast_in_dim3A_81 : f32 to vector<16xf32>
      %swap3A_83 = arith.index_cast %scan3A_33 : i32 to index
      %swap3A_84 = arith.constant 112 : index
      %swap3A_85 = tpu.vector_load %arg5[%swap3A_83, %swap3A_84] {strides = array<i32>} : memref<128x128xf32, #tpu.memory_space<vmem>>, vector<1x16xf32>,
      %swap3A_86 = vector.shape_cast %swap3A_85 : vector<1x16xf32> to vector<16xf32>
      %swap3A_87 = vector.shape_cast %broadcast_in_dim3A_82 : vector<16xf32> to vector<1x16xf32>
      tpu.vector_store %arg5[%swap3A_83, %swap3A_84], %swap3A_87 {strides = array<i32>} : memref<128x128xf32, #tpu.memory_space<vmem>>, vector<1x16xf32>,
    }
    %scan3A_7 = arith.constant 128 : i32
    %add3A_8 = arith.constant 0 : i32
    %add3A_9 = arith.addi %mul3A_2, %add3A_8 : i32
    "tpu.region"() ({
      %run_scoped3A = tpu.sem_alloc : memref<!tpu.dma_semaphore, #tpu.memory_space<semaphore_mem>>
      %dma_start3A = arith.constant 0 : i32
      %dma_start3A_33 = tpu.memref_slice %arg6[%add3A_9, %dma_start3A] : memref<10240x128xf32, #tpu.memory_space<vmem_shared>> -> memref<128x128xf32, #tpu.memory_space<vmem_shared>>
      %dma_start3A_34 = arith.constant 0 : i32
      %dma_start3A_35 = tpu.memref_slice %arg6[%add3A_9, %dma_start3A_34] : memref<10240x128xf32, #tpu.memory_space<vmem_shared>> -> memref<128x128xf32, #tpu.memory_space<vmem_shared>>
      tpu.enqueue_dma source(%arg5 : memref<128x128xf32, #tpu.memory_space<vmem>>) target(%dma_start3A_35 : memref<128x128xf32, #tpu.memory_space<vmem_shared>>) target_semaphore(%run_scoped3A : memref<!tpu.dma_semaphore, #tpu.memory_space<semaphore_mem>>)
      %dma_wait3A = arith.constant 0 : i32
      %dma_wait3A_36 = tpu.memref_slice %arg6[%add3A_9, %dma_wait3A] : memref<10240x128xf32, #tpu.memory_space<vmem_shared>> -> memref<128x128xf32, #tpu.memory_space<vmem_shared>>
      %dma_wait3A_37 = arith.constant 0 : i32
      %dma_wait3A_38 = tpu.memref_slice %arg6[%add3A_9, %dma_wait3A_37] : memref<10240x128xf32, #tpu.memory_space<vmem_shared>> -> memref<128x128xf32, #tpu.memory_space<vmem_shared>>
      tpu.wait_dma2 semaphore(%run_scoped3A : memref<!tpu.dma_semaphore, #tpu.memory_space<semaphore_mem>>) src(%arg5 : memref<128x128xf32, #tpu.memory_space<vmem>>) dst(%dma_wait3A_38 : memref<128x128xf32, #tpu.memory_space<vmem_shared>>)
      tpu.yield
    }) : () -> ()
    %add3A_10 = arith.constant 128 : i32
    %add3A_11 = arith.addi %mul3A_2, %add3A_10 : i32
    "tpu.region"() ({
      %run_scoped3A = tpu.sem_alloc : memref<!tpu.dma_semaphore, #tpu.memory_space<semaphore_mem>>
      %dma_start3A = arith.constant 0 : i32
      %dma_start3A_33 = tpu.memref_slice %arg6[%add3A_11, %dma_start3A] : memref<10240x128xf32, #tpu.memory_space<vmem_shared>> -> memref<128x128xf32, #tpu.memory_space<vmem_shared>>
      %dma_start3A_34 = arith.constant 0 : i32
      %dma_start3A_35 = tpu.memref_slice %arg6[%add3A_11, %dma_start3A_34] : memref<10240x128xf32, #tpu.memory_space<vmem_shared>> -> memref<128x128xf32, #tpu.memory_space<vmem_shared>>
      tpu.enqueue_dma source(%arg5 : memref<128x128xf32, #tpu.memory_space<vmem>>) target(%dma_start3A_35 : memref<128x128xf32, #tpu.memory_space<vmem_shared>>) target_semaphore(%run_scoped3A : memref<!tpu.dma_semaphore, #tpu.memory_space<semaphore_mem>>)
      %dma_wait3A = arith.constant 0 : i32
      %dma_wait3A_36 = tpu.memref_slice %arg6[%add3A_11, %dma_wait3A] : memref<10240x128xf32, #tpu.memory_space<vmem_shared>> -> memref<128x128xf32, #tpu.memory_space<vmem_shared>>
      %dma_wait3A_37 = arith.constant 0 : i32
      %dma_wait3A_38 = tpu.memref_slice %arg6[%add3A_11, %dma_wait3A_37] : memref<10240x128xf32, #tpu.memory_space<vmem_shared>> -> memref<128x128xf32, #tpu.memory_space<vmem_shared>>
      tpu.wait_dma2 semaphore(%run_scoped3A : memref<!tpu.dma_semaphore, #tpu.memory_space<semaphore_mem>>) src(%arg5 : memref<128x128xf32, #tpu.memory_space<vmem>>) dst(%dma_wait3A_38 : memref<128x128xf32, #tpu.memory_space<vmem_shared>>)
      tpu.yield
    }) : () -> ()
    %add3A_12 = arith.constant 256 : i32
    %add3A_13 = arith.addi %mul3A_2, %add3A_12 : i32
    "tpu.region"() ({
      %run_scoped3A = tpu.sem_alloc : memref<!tpu.dma_semaphore, #tpu.memory_space<semaphore_mem>>
      %dma_start3A = arith.constant 0 : i32
      %dma_start3A_33 = tpu.memref_slice %arg6[%add3A_13, %dma_start3A] : memref<10240x128xf32, #tpu.memory_space<vmem_shared>> -> memref<128x128xf32, #tpu.memory_space<vmem_shared>>
      %dma_start3A_34 = arith.constant 0 : i32
      %dma_start3A_35 = tpu.memref_slice %arg6[%add3A_13, %dma_start3A_34] : memref<10240x128xf32, #tpu.memory_space<vmem_shared>> -> memref<128x128xf32, #tpu.memory_space<vmem_shared>>
      tpu.enqueue_dma source(%arg5 : memref<128x128xf32, #tpu.memory_space<vmem>>) target(%dma_start3A_35 : memref<128x128xf32, #tpu.memory_space<vmem_shared>>) target_semaphore(%run_scoped3A : memref<!tpu.dma_semaphore, #tpu.memory_space<semaphore_mem>>)
      %dma_wait3A = arith.constant 0 : i32
      %dma_wait3A_36 = tpu.memref_slice %arg6[%add3A_13, %dma_wait3A] : memref<10240x128xf32, #tpu.memory_space<vmem_shared>> -> memref<128x128xf32, #tpu.memory_space<vmem_shared>>
      %dma_wait3A_37 = arith.constant 0 : i32
      %dma_wait3A_38 = tpu.memref_slice %arg6[%add3A_13, %dma_wait3A_37] : memref<10240x128xf32, #tpu.memory_space<vmem_shared>> -> memref<128x128xf32, #tpu.memory_space<vmem_shared>>
      tpu.wait_dma2 semaphore(%run_scoped3A : memref<!tpu.dma_semaphore, #tpu.memory_space<semaphore_mem>>) src(%arg5 : memref<128x128xf32, #tpu.memory_space<vmem>>) dst(%dma_wait3A_38 : memref<128x128xf32, #tpu.memory_space<vmem_shared>>)
      tpu.yield
    }) : () -> ()
    %add3A_14 = arith.constant 384 : i32
    %add3A_15 = arith.addi %mul3A_2, %add3A_14 : i32
    "tpu.region"() ({
      %run_scoped3A = tpu.sem_alloc : memref<!tpu.dma_semaphore, #tpu.memory_space<semaphore_mem>>
      %dma_start3A = arith.constant 0 : i32
      %dma_start3A_33 = tpu.memref_slice %arg6[%add3A_15, %dma_start3A] : memref<10240x128xf32, #tpu.memory_space<vmem_shared>> -> memref<128x128xf32, #tpu.memory_space<vmem_shared>>
      %dma_start3A_34 = arith.constant 0 : i32
      %dma_start3A_35 = tpu.memref_slice %arg6[%add3A_15, %dma_start3A_34] : memref<10240x128xf32, #tpu.memory_space<vmem_shared>> -> memref<128x128xf32, #tpu.memory_space<vmem_shared>>
      tpu.enqueue_dma source(%arg5 : memref<128x128xf32, #tpu.memory_space<vmem>>) target(%dma_start3A_35 : memref<128x128xf32, #tpu.memory_space<vmem_shared>>) target_semaphore(%run_scoped3A : memref<!tpu.dma_semaphore, #tpu.memory_space<semaphore_mem>>)
      %dma_wait3A = arith.constant 0 : i32
      %dma_wait3A_36 = tpu.memref_slice %arg6[%add3A_15, %dma_wait3A] : memref<10240x128xf32, #tpu.memory_space<vmem_shared>> -> memref<128x128xf32, #tpu.memory_space<vmem_shared>>
      %dma_wait3A_37 = arith.constant 0 : i32
      %dma_wait3A_38 = tpu.memref_slice %arg6[%add3A_15, %dma_wait3A_37] : memref<10240x128xf32, #tpu.memory_space<vmem_shared>> -> memref<128x128xf32, #tpu.memory_space<vmem_shared>>
      tpu.wait_dma2 semaphore(%run_scoped3A : memref<!tpu.dma_semaphore, #tpu.memory_space<semaphore_mem>>) src(%arg5 : memref<128x128xf32, #tpu.memory_space<vmem>>) dst(%dma_wait3A_38 : memref<128x128xf32, #tpu.memory_space<vmem_shared>>)
      tpu.yield
    }) : () -> ()
    %add3A_16 = arith.constant 512 : i32
    %add3A_17 = arith.addi %mul3A_2, %add3A_16 : i32
    "tpu.region"() ({
      %run_scoped3A = tpu.sem_alloc : memref<!tpu.dma_semaphore, #tpu.memory_space<semaphore_mem>>
      %dma_start3A = arith.constant 0 : i32
      %dma_start3A_33 = tpu.memref_slice %arg6[%add3A_17, %dma_start3A] : memref<10240x128xf32, #tpu.memory_space<vmem_shared>> -> memref<128x128xf32, #tpu.memory_space<vmem_shared>>
      %dma_start3A_34 = arith.constant 0 : i32
      %dma_start3A_35 = tpu.memref_slice %arg6[%add3A_17, %dma_start3A_34] : memref<10240x128xf32, #tpu.memory_space<vmem_shared>> -> memref<128x128xf32, #tpu.memory_space<vmem_shared>>
      tpu.enqueue_dma source(%arg5 : memref<128x128xf32, #tpu.memory_space<vmem>>) target(%dma_start3A_35 : memref<128x128xf32, #tpu.memory_space<vmem_shared>>) target_semaphore(%run_scoped3A : memref<!tpu.dma_semaphore, #tpu.memory_space<semaphore_mem>>)
      %dma_wait3A = arith.constant 0 : i32
      %dma_wait3A_36 = tpu.memref_slice %arg6[%add3A_17, %dma_wait3A] : memref<10240x128xf32, #tpu.memory_space<vmem_shared>> -> memref<128x128xf32, #tpu.memory_space<vmem_shared>>
      %dma_wait3A_37 = arith.constant 0 : i32
      %dma_wait3A_38 = tpu.memref_slice %arg6[%add3A_17, %dma_wait3A_37] : memref<10240x128xf32, #tpu.memory_space<vmem_shared>> -> memref<128x128xf32, #tpu.memory_space<vmem_shared>>
      tpu.wait_dma2 semaphore(%run_scoped3A : memref<!tpu.dma_semaphore, #tpu.memory_space<semaphore_mem>>) src(%arg5 : memref<128x128xf32, #tpu.memory_space<vmem>>) dst(%dma_wait3A_38 : memref<128x128xf32, #tpu.memory_space<vmem_shared>>)
      tpu.yield
    }) : () -> ()
    %scan3A_18 = arith.constant 0 : i32
    %scan3A_19 = arith.constant 0 : i32
    %scan3A_20 = arith.constant 128 : i32
    %scan3A_21 = arith.addi %scan3A_19, %scan3A_20 : i32
    %scan3A_22 = arith.constant 1 : i32
    scf.for %scan3A_33 = %scan3A_19 to %scan3A_21 step %scan3A_22  : i32 {
      %broadcast_in_dim3A = arith.constant 1.000000e+00 : f32
      %broadcast_in_dim3A_34 = vector.broadcast %broadcast_in_dim3A : f32 to vector<16xf32>
      %swap3A = arith.index_cast %scan3A_33 : i32 to index
      %swap3A_35 = arith.constant 0 : index
      %swap3A_36 = tpu.vector_load %arg5[%swap3A, %swap3A_35] {strides = array<i32>} : memref<128x128xf32, #tpu.memory_space<vmem>>, vector<1x16xf32>,
      %swap3A_37 = vector.shape_cast %swap3A_36 : vector<1x16xf32> to vector<16xf32>
      %swap3A_38 = vector.shape_cast %broadcast_in_dim3A_34 : vector<16xf32> to vector<1x16xf32>
      tpu.vector_store %arg5[%swap3A, %swap3A_35], %swap3A_38 {strides = array<i32>} : memref<128x128xf32, #tpu.memory_space<vmem>>, vector<1x16xf32>,
      %broadcast_in_dim3A_39 = arith.constant 1.000000e+00 : f32
      %broadcast_in_dim3A_40 = vector.broadcast %broadcast_in_dim3A_39 : f32 to vector<16xf32>
      %swap3A_41 = arith.index_cast %scan3A_33 : i32 to index
      %swap3A_42 = arith.constant 16 : index
      %swap3A_43 = tpu.vector_load %arg5[%swap3A_41, %swap3A_42] {strides = array<i32>} : memref<128x128xf32, #tpu.memory_space<vmem>>, vector<1x16xf32>,
      %swap3A_44 = vector.shape_cast %swap3A_43 : vector<1x16xf32> to vector<16xf32>
      %swap3A_45 = vector.shape_cast %broadcast_in_dim3A_40 : vector<16xf32> to vector<1x16xf32>
      tpu.vector_store %arg5[%swap3A_41, %swap3A_42], %swap3A_45 {strides = array<i32>} : memref<128x128xf32, #tpu.memory_space<vmem>>, vector<1x16xf32>,
      %broadcast_in_dim3A_46 = arith.constant 1.000000e+00 : f32
      %broadcast_in_dim3A_47 = vector.broadcast %broadcast_in_dim3A_46 : f32 to vector<16xf32>
      %swap3A_48 = arith.index_cast %scan3A_33 : i32 to index
      %swap3A_49 = arith.constant 32 : index
      %swap3A_50 = tpu.vector_load %arg5[%swap3A_48, %swap3A_49] {strides = array<i32>} : memref<128x128xf32, #tpu.memory_space<vmem>>, vector<1x16xf32>,
      %swap3A_51 = vector.shape_cast %swap3A_50 : vector<1x16xf32> to vector<16xf32>
      %swap3A_52 = vector.shape_cast %broadcast_in_dim3A_47 : vector<16xf32> to vector<1x16xf32>
      tpu.vector_store %arg5[%swap3A_48, %swap3A_49], %swap3A_52 {strides = array<i32>} : memref<128x128xf32, #tpu.memory_space<vmem>>, vector<1x16xf32>,
      %broadcast_in_dim3A_53 = arith.constant 1.000000e+00 : f32
      %broadcast_in_dim3A_54 = vector.broadcast %broadcast_in_dim3A_53 : f32 to vector<16xf32>
      %swap3A_55 = arith.index_cast %scan3A_33 : i32 to index
      %swap3A_56 = arith.constant 48 : index
      %swap3A_57 = tpu.vector_load %arg5[%swap3A_55, %swap3A_56] {strides = array<i32>} : memref<128x128xf32, #tpu.memory_space<vmem>>, vector<1x16xf32>,
      %swap3A_58 = vector.shape_cast %swap3A_57 : vector<1x16xf32> to vector<16xf32>
      %swap3A_59 = vector.shape_cast %broadcast_in_dim3A_54 : vector<16xf32> to vector<1x16xf32>
      tpu.vector_store %arg5[%swap3A_55, %swap3A_56], %swap3A_59 {strides = array<i32>} : memref<128x128xf32, #tpu.memory_space<vmem>>, vector<1x16xf32>,
      %broadcast_in_dim3A_60 = arith.constant 1.000000e+00 : f32
      %broadcast_in_dim3A_61 = vector.broadcast %broadcast_in_dim3A_60 : f32 to vector<16xf32>
      %swap3A_62 = arith.index_cast %scan3A_33 : i32 to index
      %swap3A_63 = arith.constant 64 : index
      %swap3A_64 = tpu.vector_load %arg5[%swap3A_62, %swap3A_63] {strides = array<i32>} : memref<128x128xf32, #tpu.memory_space<vmem>>, vector<1x16xf32>,
      %swap3A_65 = vector.shape_cast %swap3A_64 : vector<1x16xf32> to vector<16xf32>
      %swap3A_66 = vector.shape_cast %broadcast_in_dim3A_61 : vector<16xf32> to vector<1x16xf32>
      tpu.vector_store %arg5[%swap3A_62, %swap3A_63], %swap3A_66 {strides = array<i32>} : memref<128x128xf32, #tpu.memory_space<vmem>>, vector<1x16xf32>,
      %broadcast_in_dim3A_67 = arith.constant 1.000000e+00 : f32
      %broadcast_in_dim3A_68 = vector.broadcast %broadcast_in_dim3A_67 : f32 to vector<16xf32>
      %swap3A_69 = arith.index_cast %scan3A_33 : i32 to index
      %swap3A_70 = arith.constant 80 : index
      %swap3A_71 = tpu.vector_load %arg5[%swap3A_69, %swap3A_70] {strides = array<i32>} : memref<128x128xf32, #tpu.memory_space<vmem>>, vector<1x16xf32>,
      %swap3A_72 = vector.shape_cast %swap3A_71 : vector<1x16xf32> to vector<16xf32>
      %swap3A_73 = vector.shape_cast %broadcast_in_dim3A_68 : vector<16xf32> to vector<1x16xf32>
      tpu.vector_store %arg5[%swap3A_69, %swap3A_70], %swap3A_73 {strides = array<i32>} : memref<128x128xf32, #tpu.memory_space<vmem>>, vector<1x16xf32>,
      %broadcast_in_dim3A_74 = arith.constant 1.000000e+00 : f32
      %broadcast_in_dim3A_75 = vector.broadcast %broadcast_in_dim3A_74 : f32 to vector<16xf32>
      %swap3A_76 = arith.index_cast %scan3A_33 : i32 to index
      %swap3A_77 = arith.constant 96 : index
      %swap3A_78 = tpu.vector_load %arg5[%swap3A_76, %swap3A_77] {strides = array<i32>} : memref<128x128xf32, #tpu.memory_space<vmem>>, vector<1x16xf32>,
      %swap3A_79 = vector.shape_cast %swap3A_78 : vector<1x16xf32> to vector<16xf32>
      %swap3A_80 = vector.shape_cast %broadcast_in_dim3A_75 : vector<16xf32> to vector<1x16xf32>
      tpu.vector_store %arg5[%swap3A_76, %swap3A_77], %swap3A_80 {strides = array<i32>} : memref<128x128xf32, #tpu.memory_space<vmem>>, vector<1x16xf32>,
      %broadcast_in_dim3A_81 = arith.constant 1.000000e+00 : f32
      %broadcast_in_dim3A_82 = vector.broadcast %broadcast_in_dim3A_81 : f32 to vector<16xf32>
      %swap3A_83 = arith.index_cast %scan3A_33 : i32 to index
      %swap3A_84 = arith.constant 112 : index
      %swap3A_85 = tpu.vector_load %arg5[%swap3A_83, %swap3A_84] {strides = array<i32>} : memref<128x128xf32, #tpu.memory_space<vmem>>, vector<1x16xf32>,
      %swap3A_86 = vector.shape_cast %swap3A_85 : vector<1x16xf32> to vector<16xf32>
      %swap3A_87 = vector.shape_cast %broadcast_in_dim3A_82 : vector<16xf32> to vector<1x16xf32>
      tpu.vector_store %arg5[%swap3A_83, %swap3A_84], %swap3A_87 {strides = array<i32>} : memref<128x128xf32, #tpu.memory_space<vmem>>, vector<1x16xf32>,
    }
    %scan3A_23 = arith.constant 128 : i32
    %mul3A_24 = arith.constant 80 : i32
    %mul3A_25 = arith.muli %add3A, %mul3A_24 : i32
    "tpu.region"() ({
      %run_scoped3A = tpu.sem_alloc : memref<!tpu.dma_semaphore, #tpu.memory_space<semaphore_mem>>
      %dma_start3A = arith.constant 0 : i32
      %dma_start3A_33 = tpu.memref_slice %arg2[%mul3A_25, %dma_start3A] : memref<2560x128xi32, #tpu.memory_space<hbm>> -> memref<80x128xi32, #tpu.memory_space<hbm>>
      %dma_start3A_34 = arith.constant 0 : i32
      %dma_start3A_35 = tpu.memref_slice %arg2[%mul3A_25, %dma_start3A_34] : memref<2560x128xi32, #tpu.memory_space<hbm>> -> memref<80x128xi32, #tpu.memory_space<hbm>>
      tpu.enqueue_dma source(%dma_start3A_35 : memref<80x128xi32, #tpu.memory_space<hbm>>) target(%arg4 : memref<80x128xi32, #tpu.memory_space<vmem>>) target_semaphore(%run_scoped3A : memref<!tpu.dma_semaphore, #tpu.memory_space<semaphore_mem>>)
      %dma_wait3A = arith.constant 0 : i32
      %dma_wait3A_36 = tpu.memref_slice %arg2[%mul3A_25, %dma_wait3A] : memref<2560x128xi32, #tpu.memory_space<hbm>> -> memref<80x128xi32, #tpu.memory_space<hbm>>
      %dma_wait3A_37 = arith.constant 0 : i32
      %dma_wait3A_38 = tpu.memref_slice %arg2[%mul3A_25, %dma_wait3A_37] : memref<2560x128xi32, #tpu.memory_space<hbm>> -> memref<80x128xi32, #tpu.memory_space<hbm>>
      tpu.wait_dma2 semaphore(%run_scoped3A : memref<!tpu.dma_semaphore, #tpu.memory_space<semaphore_mem>>) src(%dma_wait3A_38 : memref<80x128xi32, #tpu.memory_space<hbm>>) dst(%arg4 : memref<80x128xi32, #tpu.memory_space<vmem>>)
      tpu.yield
    }) : () -> ()
    %barrier3A = arith.constant 0 : index
    tpu.barrier barrier_id(%barrier3A)
    %scan3A_26 = arith.constant 0 : i32
    %scan3A_27 = arith.constant 0 : i32
    %scan3A_28 = arith.constant 80 : i32
    %scan3A_29 = arith.addi %scan3A_27, %scan3A_28 : i32
    %scan3A_30 = arith.constant 1 : i32
    scf.for %scan3A_33 = %scan3A_27 to %scan3A_29 step %scan3A_30  : i32 {
      "tpu.region"() ({
        %run_scoped3A = tpu.sem_alloc : memref<!tpu.dma_semaphore, #tpu.memory_space<semaphore_mem>>
        %dma_start3A = arith.constant 0 : i32
        %dma_start3A_34 = tpu.memref_slice %arg4[%scan3A_33, %dma_start3A] : memref<80x128xi32, #tpu.memory_space<vmem>> -> memref<1x128xi32, #tpu.memory_space<vmem>>
        %dma_start3A_35 = tpu.memref_squeeze %dma_start3A_34 : memref<1x128xi32, #tpu.memory_space<vmem>> -> memref<128xi32, #tpu.memory_space<vmem>>
        %dma_start3A_36 = arith.constant 0 : i32
        %dma_start3A_37 = arith.constant 0 : i32
        %dma_start3A_38 = tpu.memref_slice %arg6[%dma_start3A_36, %dma_start3A_37] : memref<10240x128xf32, #tpu.memory_space<vmem_shared>> -> memref<10240x128xf32, #tpu.memory_space<vmem_shared>>
        tpu.enqueue_indirect_dma source(%arg5 : memref<128x128xf32, #tpu.memory_space<vmem>>) target(%dma_start3A_38 : memref<10240x128xf32, #tpu.memory_space<vmem_shared>>) offsets(%dma_start3A_35 : memref<128xi32, #tpu.memory_space<vmem>>) semaphore(%run_scoped3A : memref<!tpu.dma_semaphore, #tpu.memory_space<semaphore_mem>>) {add = true}
        %dma_wait3A = arith.constant 0 : i32
        %dma_wait3A_39 = tpu.memref_slice %arg4[%scan3A_33, %dma_wait3A] : memref<80x128xi32, #tpu.memory_space<vmem>> -> memref<1x128xi32, #tpu.memory_space<vmem>>
        %dma_wait3A_40 = tpu.memref_squeeze %dma_wait3A_39 : memref<1x128xi32, #tpu.memory_space<vmem>> -> memref<128xi32, #tpu.memory_space<vmem>>
        %dma_wait3A_41 = arith.constant 0 : i32
        %dma_wait3A_42 = arith.constant 0 : i32
        %dma_wait3A_43 = tpu.memref_slice %arg6[%dma_wait3A_41, %dma_wait3A_42] : memref<10240x128xf32, #tpu.memory_space<vmem_shared>> -> memref<10240x128xf32, #tpu.memory_space<vmem_shared>>
        tpu.wait_indirect_dma semaphore(%run_scoped3A : memref<!tpu.dma_semaphore, #tpu.memory_space<semaphore_mem>>) src(%arg5 : memref<128x128xf32, #tpu.memory_space<vmem>>) dst(%dma_wait3A_43 : memref<10240x128xf32, #tpu.memory_space<vmem_shared>>)
        tpu.yield
      }) : () -> ()
    }
    %scan3A_31 = arith.constant 80 : i32
    %barrier3A_32 = arith.constant 0 : index
    tpu.barrier barrier_id(%barrier3A_32)
    "tpu.region"() ({
      %run_scoped3A = tpu.sem_alloc : memref<!tpu.dma_semaphore, #tpu.memory_space<semaphore_mem>>
      %dma_start3A = arith.constant 0 : i32
      %dma_start3A_33 = tpu.memref_slice %arg3[%arg0, %mul3A_2, %dma_start3A] : memref<2x10240x128xf32, #tpu.memory_space<hbm>> -> memref<1x640x128xf32, #tpu.memory_space<hbm>>
      %dma_start3A_34 = tpu.memref_squeeze %dma_start3A_33 : memref<1x640x128xf32, #tpu.memory_space<hbm>> -> memref<640x128xf32, #tpu.memory_space<hbm>>
      %dma_start3A_35 = arith.constant 0 : i32
      %dma_start3A_36 = tpu.memref_slice %arg6[%mul3A_2, %dma_start3A_35] : memref<10240x128xf32, #tpu.memory_space<vmem_shared>> -> memref<640x128xf32, #tpu.memory_space<vmem_shared>>
      tpu.enqueue_dma source(%dma_start3A_36 : memref<640x128xf32, #tpu.memory_space<vmem_shared>>) target(%dma_start3A_34 : memref<640x128xf32, #tpu.memory_space<hbm>>) target_semaphore(%run_scoped3A : memref<!tpu.dma_semaphore, #tpu.memory_space<semaphore_mem>>)
      %dma_wait3A = arith.constant 0 : i32
      %dma_wait3A_37 = tpu.memref_slice %arg3[%arg0, %mul3A_2, %dma_wait3A] : memref<2x10240x128xf32, #tpu.memory_space<hbm>> -> memref<1x640x128xf32, #tpu.memory_space<hbm>>
      %dma_wait3A_38 = tpu.memref_squeeze %dma_wait3A_37 : memref<1x640x128xf32, #tpu.memory_space<hbm>> -> memref<640x128xf32, #tpu.memory_space<hbm>>
      %dma_wait3A_39 = arith.constant 0 : i32
      %dma_wait3A_40 = tpu.memref_slice %arg6[%mul3A_2, %dma_wait3A_39] : memref<10240x128xf32, #tpu.memory_space<vmem_shared>> -> memref<640x128xf32, #tpu.memory_space<vmem_shared>>
      tpu.wait_dma2 semaphore(%run_scoped3A : memref<!tpu.dma_semaphore, #tpu.memory_space<semaphore_mem>>) src(%dma_wait3A_40 : memref<640x128xf32, #tpu.memory_space<vmem_shared>>) dst(%dma_wait3A_38 : memref<640x128xf32, #tpu.memory_space<hbm>>)
      tpu.yield
    }) : () -> ()
    return
  }
}

#map = affine_map<(d0, d1) -> (0, 0)>
#map1 = affine_map<(d0, d1) -> (0, 0, 0)>
module attributes {stable_mosaic.version = 14 : i64} {
  func.func @_agg_kernel(%arg0: i32, %arg1: i32, %arg2: memref<10240x128xf32, #tpu.memory_space<hbm>>, %arg3: memref<2560x128xi32, #tpu.memory_space<hbm>>, %arg4: memref<2560x128xi32, #tpu.memory_space<hbm>>, %arg5: memref<2x10240x128xf32, #tpu.memory_space<hbm>>, %arg6: memref<1x128xi32, #tpu.memory_space<vmem>>, %arg7: memref<80x128xi32, #tpu.memory_space<vmem>>, %arg8: memref<128x128xf32, #tpu.memory_space<vmem>>, %arg9: memref<128x128xf32, #tpu.memory_space<vmem>>, %arg10: memref<10240x128xf32, #tpu.memory_space<vmem_shared>>, %arg11: memref<!tpu.dma_semaphore, #tpu.memory_space<semaphore_mem>>, %arg12: memref<!tpu.dma_semaphore, #tpu.memory_space<semaphore_mem>>) attributes {dimension_semantics = [#tpu.dimension_semantics<core_parallel>, #tpu.dimension_semantics<subcore_parallel>], iteration_bounds = array<i64: 2, 16>, scalar_prefetch = 0 : i64, scratch_operands = 7 : i64, tpu.core_type = #tpu.core_type<sc_vector_subcore>, window_params = [{transform_indices = #map}, {transform_indices = #map}, {transform_indices = #map}, {transform_indices = #map1}]} {
    %mul3A = arith.constant 2 : i32
    %mul3A_0 = arith.muli %arg1, %mul3A : i32
    %add3A = arith.addi %mul3A_0, %arg0 : i32
    %mul3A_1 = arith.constant 640 : i32
    %mul3A_2 = arith.muli %arg1, %mul3A_1 : i32
    %scan3A = arith.constant 0 : i32
    %scan3A_3 = arith.constant 0 : i32
    %scan3A_4 = arith.constant 128 : i32
    %scan3A_5 = arith.addi %scan3A_3, %scan3A_4 : i32
    %scan3A_6 = arith.constant 1 : i32
    scf.for %scan3A_61 = %scan3A_3 to %scan3A_5 step %scan3A_6  : i32 {
      %broadcast_in_dim3A = arith.constant 0.000000e+00 : f32
      %broadcast_in_dim3A_62 = vector.broadcast %broadcast_in_dim3A : f32 to vector<16xf32>
      %swap3A = arith.index_cast %scan3A_61 : i32 to index
      %swap3A_63 = arith.constant 0 : index
      %swap3A_64 = tpu.vector_load %arg8[%swap3A, %swap3A_63] {strides = array<i32>} : memref<128x128xf32, #tpu.memory_space<vmem>>, vector<1x16xf32>,
      %swap3A_65 = vector.shape_cast %swap3A_64 : vector<1x16xf32> to vector<16xf32>
      %swap3A_66 = vector.shape_cast %broadcast_in_dim3A_62 : vector<16xf32> to vector<1x16xf32>
      tpu.vector_store %arg8[%swap3A, %swap3A_63], %swap3A_66 {strides = array<i32>} : memref<128x128xf32, #tpu.memory_space<vmem>>, vector<1x16xf32>,
      %broadcast_in_dim3A_67 = arith.constant 0.000000e+00 : f32
      %broadcast_in_dim3A_68 = vector.broadcast %broadcast_in_dim3A_67 : f32 to vector<16xf32>
      %swap3A_69 = arith.index_cast %scan3A_61 : i32 to index
      %swap3A_70 = arith.constant 16 : index
      %swap3A_71 = tpu.vector_load %arg8[%swap3A_69, %swap3A_70] {strides = array<i32>} : memref<128x128xf32, #tpu.memory_space<vmem>>, vector<1x16xf32>,
      %swap3A_72 = vector.shape_cast %swap3A_71 : vector<1x16xf32> to vector<16xf32>
      %swap3A_73 = vector.shape_cast %broadcast_in_dim3A_68 : vector<16xf32> to vector<1x16xf32>
      tpu.vector_store %arg8[%swap3A_69, %swap3A_70], %swap3A_73 {strides = array<i32>} : memref<128x128xf32, #tpu.memory_space<vmem>>, vector<1x16xf32>,
      %broadcast_in_dim3A_74 = arith.constant 0.000000e+00 : f32
      %broadcast_in_dim3A_75 = vector.broadcast %broadcast_in_dim3A_74 : f32 to vector<16xf32>
      %swap3A_76 = arith.index_cast %scan3A_61 : i32 to index
      %swap3A_77 = arith.constant 32 : index
      %swap3A_78 = tpu.vector_load %arg8[%swap3A_76, %swap3A_77] {strides = array<i32>} : memref<128x128xf32, #tpu.memory_space<vmem>>, vector<1x16xf32>,
      %swap3A_79 = vector.shape_cast %swap3A_78 : vector<1x16xf32> to vector<16xf32>
      %swap3A_80 = vector.shape_cast %broadcast_in_dim3A_75 : vector<16xf32> to vector<1x16xf32>
      tpu.vector_store %arg8[%swap3A_76, %swap3A_77], %swap3A_80 {strides = array<i32>} : memref<128x128xf32, #tpu.memory_space<vmem>>, vector<1x16xf32>,
      %broadcast_in_dim3A_81 = arith.constant 0.000000e+00 : f32
      %broadcast_in_dim3A_82 = vector.broadcast %broadcast_in_dim3A_81 : f32 to vector<16xf32>
      %swap3A_83 = arith.index_cast %scan3A_61 : i32 to index
      %swap3A_84 = arith.constant 48 : index
      %swap3A_85 = tpu.vector_load %arg8[%swap3A_83, %swap3A_84] {strides = array<i32>} : memref<128x128xf32, #tpu.memory_space<vmem>>, vector<1x16xf32>,
      %swap3A_86 = vector.shape_cast %swap3A_85 : vector<1x16xf32> to vector<16xf32>
      %swap3A_87 = vector.shape_cast %broadcast_in_dim3A_82 : vector<16xf32> to vector<1x16xf32>
      tpu.vector_store %arg8[%swap3A_83, %swap3A_84], %swap3A_87 {strides = array<i32>} : memref<128x128xf32, #tpu.memory_space<vmem>>, vector<1x16xf32>,
      %broadcast_in_dim3A_88 = arith.constant 0.000000e+00 : f32
      %broadcast_in_dim3A_89 = vector.broadcast %broadcast_in_dim3A_88 : f32 to vector<16xf32>
      %swap3A_90 = arith.index_cast %scan3A_61 : i32 to index
      %swap3A_91 = arith.constant 64 : index
      %swap3A_92 = tpu.vector_load %arg8[%swap3A_90, %swap3A_91] {strides = array<i32>} : memref<128x128xf32, #tpu.memory_space<vmem>>, vector<1x16xf32>,
      %swap3A_93 = vector.shape_cast %swap3A_92 : vector<1x16xf32> to vector<16xf32>
      %swap3A_94 = vector.shape_cast %broadcast_in_dim3A_89 : vector<16xf32> to vector<1x16xf32>
      tpu.vector_store %arg8[%swap3A_90, %swap3A_91], %swap3A_94 {strides = array<i32>} : memref<128x128xf32, #tpu.memory_space<vmem>>, vector<1x16xf32>,
      %broadcast_in_dim3A_95 = arith.constant 0.000000e+00 : f32
      %broadcast_in_dim3A_96 = vector.broadcast %broadcast_in_dim3A_95 : f32 to vector<16xf32>
      %swap3A_97 = arith.index_cast %scan3A_61 : i32 to index
      %swap3A_98 = arith.constant 80 : index
      %swap3A_99 = tpu.vector_load %arg8[%swap3A_97, %swap3A_98] {strides = array<i32>} : memref<128x128xf32, #tpu.memory_space<vmem>>, vector<1x16xf32>,
      %swap3A_100 = vector.shape_cast %swap3A_99 : vector<1x16xf32> to vector<16xf32>
      %swap3A_101 = vector.shape_cast %broadcast_in_dim3A_96 : vector<16xf32> to vector<1x16xf32>
      tpu.vector_store %arg8[%swap3A_97, %swap3A_98], %swap3A_101 {strides = array<i32>} : memref<128x128xf32, #tpu.memory_space<vmem>>, vector<1x16xf32>,
      %broadcast_in_dim3A_102 = arith.constant 0.000000e+00 : f32
      %broadcast_in_dim3A_103 = vector.broadcast %broadcast_in_dim3A_102 : f32 to vector<16xf32>
      %swap3A_104 = arith.index_cast %scan3A_61 : i32 to index
      %swap3A_105 = arith.constant 96 : index
      %swap3A_106 = tpu.vector_load %arg8[%swap3A_104, %swap3A_105] {strides = array<i32>} : memref<128x128xf32, #tpu.memory_space<vmem>>, vector<1x16xf32>,
      %swap3A_107 = vector.shape_cast %swap3A_106 : vector<1x16xf32> to vector<16xf32>
      %swap3A_108 = vector.shape_cast %broadcast_in_dim3A_103 : vector<16xf32> to vector<1x16xf32>
      tpu.vector_store %arg8[%swap3A_104, %swap3A_105], %swap3A_108 {strides = array<i32>} : memref<128x128xf32, #tpu.memory_space<vmem>>, vector<1x16xf32>,
      %broadcast_in_dim3A_109 = arith.constant 0.000000e+00 : f32
      %broadcast_in_dim3A_110 = vector.broadcast %broadcast_in_dim3A_109 : f32 to vector<16xf32>
      %swap3A_111 = arith.index_cast %scan3A_61 : i32 to index
      %swap3A_112 = arith.constant 112 : index
      %swap3A_113 = tpu.vector_load %arg8[%swap3A_111, %swap3A_112] {strides = array<i32>} : memref<128x128xf32, #tpu.memory_space<vmem>>, vector<1x16xf32>,
      %swap3A_114 = vector.shape_cast %swap3A_113 : vector<1x16xf32> to vector<16xf32>
      %swap3A_115 = vector.shape_cast %broadcast_in_dim3A_110 : vector<16xf32> to vector<1x16xf32>
      tpu.vector_store %arg8[%swap3A_111, %swap3A_112], %swap3A_115 {strides = array<i32>} : memref<128x128xf32, #tpu.memory_space<vmem>>, vector<1x16xf32>,
    }
    %scan3A_7 = arith.constant 128 : i32
    %add3A_8 = arith.constant 0 : i32
    %add3A_9 = arith.addi %mul3A_2, %add3A_8 : i32
    "tpu.region"() ({
      %run_scoped3A_61 = tpu.sem_alloc : memref<!tpu.dma_semaphore, #tpu.memory_space<semaphore_mem>>
      %dma_start3A_62 = arith.constant 0 : i32
      %dma_start3A_63 = tpu.memref_slice %arg10[%add3A_9, %dma_start3A_62] : memref<10240x128xf32, #tpu.memory_space<vmem_shared>> -> memref<128x128xf32, #tpu.memory_space<vmem_shared>>
      %dma_start3A_64 = arith.constant 0 : i32
      %dma_start3A_65 = tpu.memref_slice %arg10[%add3A_9, %dma_start3A_64] : memref<10240x128xf32, #tpu.memory_space<vmem_shared>> -> memref<128x128xf32, #tpu.memory_space<vmem_shared>>
      tpu.enqueue_dma source(%arg8 : memref<128x128xf32, #tpu.memory_space<vmem>>) target(%dma_start3A_65 : memref<128x128xf32, #tpu.memory_space<vmem_shared>>) target_semaphore(%run_scoped3A_61 : memref<!tpu.dma_semaphore, #tpu.memory_space<semaphore_mem>>)
      %dma_wait3A_66 = arith.constant 0 : i32
      %dma_wait3A_67 = tpu.memref_slice %arg10[%add3A_9, %dma_wait3A_66] : memref<10240x128xf32, #tpu.memory_space<vmem_shared>> -> memref<128x128xf32, #tpu.memory_space<vmem_shared>>
      %dma_wait3A_68 = arith.constant 0 : i32
      %dma_wait3A_69 = tpu.memref_slice %arg10[%add3A_9, %dma_wait3A_68] : memref<10240x128xf32, #tpu.memory_space<vmem_shared>> -> memref<128x128xf32, #tpu.memory_space<vmem_shared>>
      tpu.wait_dma2 semaphore(%run_scoped3A_61 : memref<!tpu.dma_semaphore, #tpu.memory_space<semaphore_mem>>) src(%arg8 : memref<128x128xf32, #tpu.memory_space<vmem>>) dst(%dma_wait3A_69 : memref<128x128xf32, #tpu.memory_space<vmem_shared>>)
      tpu.yield
    }) : () -> ()
    %add3A_10 = arith.constant 128 : i32
    %add3A_11 = arith.addi %mul3A_2, %add3A_10 : i32
    "tpu.region"() ({
      %run_scoped3A_61 = tpu.sem_alloc : memref<!tpu.dma_semaphore, #tpu.memory_space<semaphore_mem>>
      %dma_start3A_62 = arith.constant 0 : i32
      %dma_start3A_63 = tpu.memref_slice %arg10[%add3A_11, %dma_start3A_62] : memref<10240x128xf32, #tpu.memory_space<vmem_shared>> -> memref<128x128xf32, #tpu.memory_space<vmem_shared>>
      %dma_start3A_64 = arith.constant 0 : i32
      %dma_start3A_65 = tpu.memref_slice %arg10[%add3A_11, %dma_start3A_64] : memref<10240x128xf32, #tpu.memory_space<vmem_shared>> -> memref<128x128xf32, #tpu.memory_space<vmem_shared>>
      tpu.enqueue_dma source(%arg8 : memref<128x128xf32, #tpu.memory_space<vmem>>) target(%dma_start3A_65 : memref<128x128xf32, #tpu.memory_space<vmem_shared>>) target_semaphore(%run_scoped3A_61 : memref<!tpu.dma_semaphore, #tpu.memory_space<semaphore_mem>>)
      %dma_wait3A_66 = arith.constant 0 : i32
      %dma_wait3A_67 = tpu.memref_slice %arg10[%add3A_11, %dma_wait3A_66] : memref<10240x128xf32, #tpu.memory_space<vmem_shared>> -> memref<128x128xf32, #tpu.memory_space<vmem_shared>>
      %dma_wait3A_68 = arith.constant 0 : i32
      %dma_wait3A_69 = tpu.memref_slice %arg10[%add3A_11, %dma_wait3A_68] : memref<10240x128xf32, #tpu.memory_space<vmem_shared>> -> memref<128x128xf32, #tpu.memory_space<vmem_shared>>
      tpu.wait_dma2 semaphore(%run_scoped3A_61 : memref<!tpu.dma_semaphore, #tpu.memory_space<semaphore_mem>>) src(%arg8 : memref<128x128xf32, #tpu.memory_space<vmem>>) dst(%dma_wait3A_69 : memref<128x128xf32, #tpu.memory_space<vmem_shared>>)
      tpu.yield
    }) : () -> ()
    %add3A_12 = arith.constant 256 : i32
    %add3A_13 = arith.addi %mul3A_2, %add3A_12 : i32
    "tpu.region"() ({
      %run_scoped3A_61 = tpu.sem_alloc : memref<!tpu.dma_semaphore, #tpu.memory_space<semaphore_mem>>
      %dma_start3A_62 = arith.constant 0 : i32
      %dma_start3A_63 = tpu.memref_slice %arg10[%add3A_13, %dma_start3A_62] : memref<10240x128xf32, #tpu.memory_space<vmem_shared>> -> memref<128x128xf32, #tpu.memory_space<vmem_shared>>
      %dma_start3A_64 = arith.constant 0 : i32
      %dma_start3A_65 = tpu.memref_slice %arg10[%add3A_13, %dma_start3A_64] : memref<10240x128xf32, #tpu.memory_space<vmem_shared>> -> memref<128x128xf32, #tpu.memory_space<vmem_shared>>
      tpu.enqueue_dma source(%arg8 : memref<128x128xf32, #tpu.memory_space<vmem>>) target(%dma_start3A_65 : memref<128x128xf32, #tpu.memory_space<vmem_shared>>) target_semaphore(%run_scoped3A_61 : memref<!tpu.dma_semaphore, #tpu.memory_space<semaphore_mem>>)
      %dma_wait3A_66 = arith.constant 0 : i32
      %dma_wait3A_67 = tpu.memref_slice %arg10[%add3A_13, %dma_wait3A_66] : memref<10240x128xf32, #tpu.memory_space<vmem_shared>> -> memref<128x128xf32, #tpu.memory_space<vmem_shared>>
      %dma_wait3A_68 = arith.constant 0 : i32
      %dma_wait3A_69 = tpu.memref_slice %arg10[%add3A_13, %dma_wait3A_68] : memref<10240x128xf32, #tpu.memory_space<vmem_shared>> -> memref<128x128xf32, #tpu.memory_space<vmem_shared>>
      tpu.wait_dma2 semaphore(%run_scoped3A_61 : memref<!tpu.dma_semaphore, #tpu.memory_space<semaphore_mem>>) src(%arg8 : memref<128x128xf32, #tpu.memory_space<vmem>>) dst(%dma_wait3A_69 : memref<128x128xf32, #tpu.memory_space<vmem_shared>>)
      tpu.yield
    }) : () -> ()
    %add3A_14 = arith.constant 384 : i32
    %add3A_15 = arith.addi %mul3A_2, %add3A_14 : i32
    "tpu.region"() ({
      %run_scoped3A_61 = tpu.sem_alloc : memref<!tpu.dma_semaphore, #tpu.memory_space<semaphore_mem>>
      %dma_start3A_62 = arith.constant 0 : i32
      %dma_start3A_63 = tpu.memref_slice %arg10[%add3A_15, %dma_start3A_62] : memref<10240x128xf32, #tpu.memory_space<vmem_shared>> -> memref<128x128xf32, #tpu.memory_space<vmem_shared>>
      %dma_start3A_64 = arith.constant 0 : i32
      %dma_start3A_65 = tpu.memref_slice %arg10[%add3A_15, %dma_start3A_64] : memref<10240x128xf32, #tpu.memory_space<vmem_shared>> -> memref<128x128xf32, #tpu.memory_space<vmem_shared>>
      tpu.enqueue_dma source(%arg8 : memref<128x128xf32, #tpu.memory_space<vmem>>) target(%dma_start3A_65 : memref<128x128xf32, #tpu.memory_space<vmem_shared>>) target_semaphore(%run_scoped3A_61 : memref<!tpu.dma_semaphore, #tpu.memory_space<semaphore_mem>>)
      %dma_wait3A_66 = arith.constant 0 : i32
      %dma_wait3A_67 = tpu.memref_slice %arg10[%add3A_15, %dma_wait3A_66] : memref<10240x128xf32, #tpu.memory_space<vmem_shared>> -> memref<128x128xf32, #tpu.memory_space<vmem_shared>>
      %dma_wait3A_68 = arith.constant 0 : i32
      %dma_wait3A_69 = tpu.memref_slice %arg10[%add3A_15, %dma_wait3A_68] : memref<10240x128xf32, #tpu.memory_space<vmem_shared>> -> memref<128x128xf32, #tpu.memory_space<vmem_shared>>
      tpu.wait_dma2 semaphore(%run_scoped3A_61 : memref<!tpu.dma_semaphore, #tpu.memory_space<semaphore_mem>>) src(%arg8 : memref<128x128xf32, #tpu.memory_space<vmem>>) dst(%dma_wait3A_69 : memref<128x128xf32, #tpu.memory_space<vmem_shared>>)
      tpu.yield
    }) : () -> ()
    %add3A_16 = arith.constant 512 : i32
    %add3A_17 = arith.addi %mul3A_2, %add3A_16 : i32
    "tpu.region"() ({
      %run_scoped3A_61 = tpu.sem_alloc : memref<!tpu.dma_semaphore, #tpu.memory_space<semaphore_mem>>
      %dma_start3A_62 = arith.constant 0 : i32
      %dma_start3A_63 = tpu.memref_slice %arg10[%add3A_17, %dma_start3A_62] : memref<10240x128xf32, #tpu.memory_space<vmem_shared>> -> memref<128x128xf32, #tpu.memory_space<vmem_shared>>
      %dma_start3A_64 = arith.constant 0 : i32
      %dma_start3A_65 = tpu.memref_slice %arg10[%add3A_17, %dma_start3A_64] : memref<10240x128xf32, #tpu.memory_space<vmem_shared>> -> memref<128x128xf32, #tpu.memory_space<vmem_shared>>
      tpu.enqueue_dma source(%arg8 : memref<128x128xf32, #tpu.memory_space<vmem>>) target(%dma_start3A_65 : memref<128x128xf32, #tpu.memory_space<vmem_shared>>) target_semaphore(%run_scoped3A_61 : memref<!tpu.dma_semaphore, #tpu.memory_space<semaphore_mem>>)
      %dma_wait3A_66 = arith.constant 0 : i32
      %dma_wait3A_67 = tpu.memref_slice %arg10[%add3A_17, %dma_wait3A_66] : memref<10240x128xf32, #tpu.memory_space<vmem_shared>> -> memref<128x128xf32, #tpu.memory_space<vmem_shared>>
      %dma_wait3A_68 = arith.constant 0 : i32
      %dma_wait3A_69 = tpu.memref_slice %arg10[%add3A_17, %dma_wait3A_68] : memref<10240x128xf32, #tpu.memory_space<vmem_shared>> -> memref<128x128xf32, #tpu.memory_space<vmem_shared>>
      tpu.wait_dma2 semaphore(%run_scoped3A_61 : memref<!tpu.dma_semaphore, #tpu.memory_space<semaphore_mem>>) src(%arg8 : memref<128x128xf32, #tpu.memory_space<vmem>>) dst(%dma_wait3A_69 : memref<128x128xf32, #tpu.memory_space<vmem_shared>>)
      tpu.yield
    }) : () -> ()
    %mul3A_18 = arith.constant 80 : i32
    %mul3A_19 = arith.muli %add3A, %mul3A_18 : i32
    "tpu.region"() ({
      %run_scoped3A_61 = tpu.sem_alloc : memref<!tpu.dma_semaphore, #tpu.memory_space<semaphore_mem>>
      %dma_start3A_62 = arith.constant 0 : i32
      %dma_start3A_63 = tpu.memref_slice %arg4[%mul3A_19, %dma_start3A_62] : memref<2560x128xi32, #tpu.memory_space<hbm>> -> memref<80x128xi32, #tpu.memory_space<hbm>>
      %dma_start3A_64 = arith.constant 0 : i32
      %dma_start3A_65 = tpu.memref_slice %arg4[%mul3A_19, %dma_start3A_64] : memref<2560x128xi32, #tpu.memory_space<hbm>> -> memref<80x128xi32, #tpu.memory_space<hbm>>
      tpu.enqueue_dma source(%dma_start3A_65 : memref<80x128xi32, #tpu.memory_space<hbm>>) target(%arg7 : memref<80x128xi32, #tpu.memory_space<vmem>>) target_semaphore(%run_scoped3A_61 : memref<!tpu.dma_semaphore, #tpu.memory_space<semaphore_mem>>)
      %dma_wait3A_66 = arith.constant 0 : i32
      %dma_wait3A_67 = tpu.memref_slice %arg4[%mul3A_19, %dma_wait3A_66] : memref<2560x128xi32, #tpu.memory_space<hbm>> -> memref<80x128xi32, #tpu.memory_space<hbm>>
      %dma_wait3A_68 = arith.constant 0 : i32
      %dma_wait3A_69 = tpu.memref_slice %arg4[%mul3A_19, %dma_wait3A_68] : memref<2560x128xi32, #tpu.memory_space<hbm>> -> memref<80x128xi32, #tpu.memory_space<hbm>>
      tpu.wait_dma2 semaphore(%run_scoped3A_61 : memref<!tpu.dma_semaphore, #tpu.memory_space<semaphore_mem>>) src(%dma_wait3A_69 : memref<80x128xi32, #tpu.memory_space<hbm>>) dst(%arg7 : memref<80x128xi32, #tpu.memory_space<vmem>>)
      tpu.yield
    }) : () -> ()
    %barrier3A = arith.constant 0 : index
    tpu.barrier barrier_id(%barrier3A)
    %mul3A_20 = arith.constant 80 : i32
    %mul3A_21 = arith.muli %add3A, %mul3A_20 : i32
    "tpu.region"() ({
      %run_scoped3A_61 = tpu.sem_alloc : memref<!tpu.dma_semaphore, #tpu.memory_space<semaphore_mem>>
      %dma_start3A_62 = arith.constant 0 : i32
      %dma_start3A_63 = tpu.memref_slice %arg3[%mul3A_21, %dma_start3A_62] : memref<2560x128xi32, #tpu.memory_space<hbm>> -> memref<1x128xi32, #tpu.memory_space<hbm>>
      %dma_start3A_64 = arith.constant 0 : i32
      %dma_start3A_65 = tpu.memref_slice %arg3[%mul3A_21, %dma_start3A_64] : memref<2560x128xi32, #tpu.memory_space<hbm>> -> memref<1x128xi32, #tpu.memory_space<hbm>>
      tpu.enqueue_dma source(%dma_start3A_65 : memref<1x128xi32, #tpu.memory_space<hbm>>) target(%arg6 : memref<1x128xi32, #tpu.memory_space<vmem>>) target_semaphore(%run_scoped3A_61 : memref<!tpu.dma_semaphore, #tpu.memory_space<semaphore_mem>>)
      %dma_wait3A_66 = arith.constant 0 : i32
      %dma_wait3A_67 = tpu.memref_slice %arg3[%mul3A_21, %dma_wait3A_66] : memref<2560x128xi32, #tpu.memory_space<hbm>> -> memref<1x128xi32, #tpu.memory_space<hbm>>
      %dma_wait3A_68 = arith.constant 0 : i32
      %dma_wait3A_69 = tpu.memref_slice %arg3[%mul3A_21, %dma_wait3A_68] : memref<2560x128xi32, #tpu.memory_space<hbm>> -> memref<1x128xi32, #tpu.memory_space<hbm>>
      tpu.wait_dma2 semaphore(%run_scoped3A_61 : memref<!tpu.dma_semaphore, #tpu.memory_space<semaphore_mem>>) src(%dma_wait3A_69 : memref<1x128xi32, #tpu.memory_space<hbm>>) dst(%arg6 : memref<1x128xi32, #tpu.memory_space<vmem>>)
      tpu.yield
    }) : () -> ()
    %dma_start3A = arith.constant 0 : i32
    %dma_start3A_22 = arith.constant 0 : i32
    %dma_start3A_23 = tpu.memref_slice %arg6[%dma_start3A, %dma_start3A_22] : memref<1x128xi32, #tpu.memory_space<vmem>> -> memref<1x128xi32, #tpu.memory_space<vmem>>
    %dma_start3A_24 = tpu.memref_squeeze %dma_start3A_23 : memref<1x128xi32, #tpu.memory_space<vmem>> -> memref<128xi32, #tpu.memory_space<vmem>>
    %dma_start3A_25 = arith.constant 0 : i32
    %dma_start3A_26 = arith.constant 0 : i32
    %dma_start3A_27 = tpu.memref_slice %arg2[%dma_start3A_25, %dma_start3A_26] : memref<10240x128xf32, #tpu.memory_space<hbm>> -> memref<10240x128xf32, #tpu.memory_space<hbm>>
    tpu.enqueue_indirect_dma source(%dma_start3A_27 : memref<10240x128xf32, #tpu.memory_space<hbm>>) target(%arg8 : memref<128x128xf32, #tpu.memory_space<vmem>>) offsets(%dma_start3A_24 : memref<128xi32, #tpu.memory_space<vmem>>) semaphore(%arg11 : memref<!tpu.dma_semaphore, #tpu.memory_space<semaphore_mem>>)
    %dma_wait3A = arith.constant 0 : i32
    %dma_wait3A_28 = arith.constant 0 : i32
    %dma_wait3A_29 = tpu.memref_slice %arg6[%dma_wait3A, %dma_wait3A_28] : memref<1x128xi32, #tpu.memory_space<vmem>> -> memref<1x128xi32, #tpu.memory_space<vmem>>
    %dma_wait3A_30 = tpu.memref_squeeze %dma_wait3A_29 : memref<1x128xi32, #tpu.memory_space<vmem>> -> memref<128xi32, #tpu.memory_space<vmem>>
    %dma_wait3A_31 = arith.constant 0 : i32
    %dma_wait3A_32 = arith.constant 0 : i32
    %dma_wait3A_33 = tpu.memref_slice %arg2[%dma_wait3A_31, %dma_wait3A_32] : memref<10240x128xf32, #tpu.memory_space<hbm>> -> memref<10240x128xf32, #tpu.memory_space<hbm>>
    tpu.wait_indirect_dma semaphore(%arg11 : memref<!tpu.dma_semaphore, #tpu.memory_space<semaphore_mem>>) src(%dma_wait3A_33 : memref<10240x128xf32, #tpu.memory_space<hbm>>) dst(%arg8 : memref<128x128xf32, #tpu.memory_space<vmem>>)
    %scan3A_34 = arith.constant 0 : i32
    %scan3A_35 = arith.constant 0 : i32
    %scan3A_36 = arith.constant 39 : i32
    %scan3A_37 = arith.addi %scan3A_35, %scan3A_36 : i32
    %scan3A_38 = arith.constant 1 : i32
    scf.for %scan3A_61 = %scan3A_35 to %scan3A_37 step %scan3A_38  : i32 {
      %mul3A_62 = arith.constant 2 : i32
      %mul3A_63 = arith.muli %scan3A_61, %mul3A_62 : i32
      %add3A_64 = arith.constant 1 : i32
      %add3A_65 = arith.addi %add3A_64, %mul3A_63 : i32
      %add3A_66 = arith.constant 0 : i32
      %add3A_67 = arith.addi %add3A_65, %add3A_66 : i32
      %mul3A_68 = arith.constant 80 : i32
      %mul3A_69 = arith.muli %add3A, %mul3A_68 : i32
      %add3A_70 = arith.addi %mul3A_69, %add3A_67 : i32
      "tpu.region"() ({
        %run_scoped3A_112 = tpu.sem_alloc : memref<!tpu.dma_semaphore, #tpu.memory_space<semaphore_mem>>
        %dma_start3A_113 = arith.constant 0 : i32
        %dma_start3A_114 = tpu.memref_slice %arg3[%add3A_70, %dma_start3A_113] : memref<2560x128xi32, #tpu.memory_space<hbm>> -> memref<1x128xi32, #tpu.memory_space<hbm>>
        %dma_start3A_115 = arith.constant 0 : i32
        %dma_start3A_116 = tpu.memref_slice %arg3[%add3A_70, %dma_start3A_115] : memref<2560x128xi32, #tpu.memory_space<hbm>> -> memref<1x128xi32, #tpu.memory_space<hbm>>
        tpu.enqueue_dma source(%dma_start3A_116 : memref<1x128xi32, #tpu.memory_space<hbm>>) target(%arg6 : memref<1x128xi32, #tpu.memory_space<vmem>>) target_semaphore(%run_scoped3A_112 : memref<!tpu.dma_semaphore, #tpu.memory_space<semaphore_mem>>)
        %dma_wait3A_117 = arith.constant 0 : i32
        %dma_wait3A_118 = tpu.memref_slice %arg3[%add3A_70, %dma_wait3A_117] : memref<2560x128xi32, #tpu.memory_space<hbm>> -> memref<1x128xi32, #tpu.memory_space<hbm>>
        %dma_wait3A_119 = arith.constant 0 : i32
        %dma_wait3A_120 = tpu.memref_slice %arg3[%add3A_70, %dma_wait3A_119] : memref<2560x128xi32, #tpu.memory_space<hbm>> -> memref<1x128xi32, #tpu.memory_space<hbm>>
        tpu.wait_dma2 semaphore(%run_scoped3A_112 : memref<!tpu.dma_semaphore, #tpu.memory_space<semaphore_mem>>) src(%dma_wait3A_120 : memref<1x128xi32, #tpu.memory_space<hbm>>) dst(%arg6 : memref<1x128xi32, #tpu.memory_space<vmem>>)
        tpu.yield
      }) : () -> ()
      %dma_start3A_71 = arith.constant 0 : i32
      %dma_start3A_72 = arith.constant 0 : i32
      %dma_start3A_73 = tpu.memref_slice %arg6[%dma_start3A_71, %dma_start3A_72] : memref<1x128xi32, #tpu.memory_space<vmem>> -> memref<1x128xi32, #tpu.memory_space<vmem>>
      %dma_start3A_74 = tpu.memref_squeeze %dma_start3A_73 : memref<1x128xi32, #tpu.memory_space<vmem>> -> memref<128xi32, #tpu.memory_space<vmem>>
      %dma_start3A_75 = arith.constant 0 : i32
      %dma_start3A_76 = arith.constant 0 : i32
      %dma_start3A_77 = tpu.memref_slice %arg2[%dma_start3A_75, %dma_start3A_76] : memref<10240x128xf32, #tpu.memory_space<hbm>> -> memref<10240x128xf32, #tpu.memory_space<hbm>>
      tpu.enqueue_indirect_dma source(%dma_start3A_77 : memref<10240x128xf32, #tpu.memory_space<hbm>>) target(%arg9 : memref<128x128xf32, #tpu.memory_space<vmem>>) offsets(%dma_start3A_74 : memref<128xi32, #tpu.memory_space<vmem>>) semaphore(%arg12 : memref<!tpu.dma_semaphore, #tpu.memory_space<semaphore_mem>>)
      %sub3A_78 = arith.constant 1 : i32
      %sub3A_79 = arith.subi %add3A_67, %sub3A_78 : i32
      "tpu.region"() ({
        %run_scoped3A_112 = tpu.sem_alloc : memref<!tpu.dma_semaphore, #tpu.memory_space<semaphore_mem>>
        %dma_start3A_113 = arith.constant 0 : i32
        %dma_start3A_114 = tpu.memref_slice %arg7[%sub3A_79, %dma_start3A_113] : memref<80x128xi32, #tpu.memory_space<vmem>> -> memref<1x128xi32, #tpu.memory_space<vmem>>
        %dma_start3A_115 = tpu.memref_squeeze %dma_start3A_114 : memref<1x128xi32, #tpu.memory_space<vmem>> -> memref<128xi32, #tpu.memory_space<vmem>>
        %dma_start3A_116 = arith.constant 0 : i32
        %dma_start3A_117 = arith.constant 0 : i32
        %dma_start3A_118 = tpu.memref_slice %arg10[%dma_start3A_116, %dma_start3A_117] : memref<10240x128xf32, #tpu.memory_space<vmem_shared>> -> memref<10240x128xf32, #tpu.memory_space<vmem_shared>>
        tpu.enqueue_indirect_dma source(%arg8 : memref<128x128xf32, #tpu.memory_space<vmem>>) target(%dma_start3A_118 : memref<10240x128xf32, #tpu.memory_space<vmem_shared>>) offsets(%dma_start3A_115 : memref<128xi32, #tpu.memory_space<vmem>>) semaphore(%run_scoped3A_112 : memref<!tpu.dma_semaphore, #tpu.memory_space<semaphore_mem>>) {add = true}
        %dma_wait3A_119 = arith.constant 0 : i32
        %dma_wait3A_120 = tpu.memref_slice %arg7[%sub3A_79, %dma_wait3A_119] : memref<80x128xi32, #tpu.memory_space<vmem>> -> memref<1x128xi32, #tpu.memory_space<vmem>>
        %dma_wait3A_121 = tpu.memref_squeeze %dma_wait3A_120 : memref<1x128xi32, #tpu.memory_space<vmem>> -> memref<128xi32, #tpu.memory_space<vmem>>
        %dma_wait3A_122 = arith.constant 0 : i32
        %dma_wait3A_123 = arith.constant 0 : i32
        %dma_wait3A_124 = tpu.memref_slice %arg10[%dma_wait3A_122, %dma_wait3A_123] : memref<10240x128xf32, #tpu.memory_space<vmem_shared>> -> memref<10240x128xf32, #tpu.memory_space<vmem_shared>>
        tpu.wait_indirect_dma semaphore(%run_scoped3A_112 : memref<!tpu.dma_semaphore, #tpu.memory_space<semaphore_mem>>) src(%arg8 : memref<128x128xf32, #tpu.memory_space<vmem>>) dst(%dma_wait3A_124 : memref<10240x128xf32, #tpu.memory_space<vmem_shared>>)
        tpu.yield
      }) : () -> ()
      %dma_wait3A_80 = arith.constant 0 : i32
      %dma_wait3A_81 = arith.constant 0 : i32
      %dma_wait3A_82 = tpu.memref_slice %arg6[%dma_wait3A_80, %dma_wait3A_81] : memref<1x128xi32, #tpu.memory_space<vmem>> -> memref<1x128xi32, #tpu.memory_space<vmem>>
      %dma_wait3A_83 = tpu.memref_squeeze %dma_wait3A_82 : memref<1x128xi32, #tpu.memory_space<vmem>> -> memref<128xi32, #tpu.memory_space<vmem>>
      %dma_wait3A_84 = arith.constant 0 : i32
      %dma_wait3A_85 = arith.constant 0 : i32
      %dma_wait3A_86 = tpu.memref_slice %arg2[%dma_wait3A_84, %dma_wait3A_85] : memref<10240x128xf32, #tpu.memory_space<hbm>> -> memref<10240x128xf32, #tpu.memory_space<hbm>>
      tpu.wait_indirect_dma semaphore(%arg12 : memref<!tpu.dma_semaphore, #tpu.memory_space<semaphore_mem>>) src(%dma_wait3A_86 : memref<10240x128xf32, #tpu.memory_space<hbm>>) dst(%arg9 : memref<128x128xf32, #tpu.memory_space<vmem>>)
      %mul3A_87 = arith.constant 2 : i32
      %mul3A_88 = arith.muli %scan3A_61, %mul3A_87 : i32
      %add3A_89 = arith.constant 1 : i32
      %add3A_90 = arith.addi %add3A_89, %mul3A_88 : i32
      %add3A_91 = arith.constant 1 : i32
      %add3A_92 = arith.addi %add3A_90, %add3A_91 : i32
      %mul3A_93 = arith.constant 80 : i32
      %mul3A_94 = arith.muli %add3A, %mul3A_93 : i32
      %add3A_95 = arith.addi %mul3A_94, %add3A_92 : i32
      "tpu.region"() ({
        %run_scoped3A_112 = tpu.sem_alloc : memref<!tpu.dma_semaphore, #tpu.memory_space<semaphore_mem>>
        %dma_start3A_113 = arith.constant 0 : i32
        %dma_start3A_114 = tpu.memref_slice %arg3[%add3A_95, %dma_start3A_113] : memref<2560x128xi32, #tpu.memory_space<hbm>> -> memref<1x128xi32, #tpu.memory_space<hbm>>
        %dma_start3A_115 = arith.constant 0 : i32
        %dma_start3A_116 = tpu.memref_slice %arg3[%add3A_95, %dma_start3A_115] : memref<2560x128xi32, #tpu.memory_space<hbm>> -> memref<1x128xi32, #tpu.memory_space<hbm>>
        tpu.enqueue_dma source(%dma_start3A_116 : memref<1x128xi32, #tpu.memory_space<hbm>>) target(%arg6 : memref<1x128xi32, #tpu.memory_space<vmem>>) target_semaphore(%run_scoped3A_112 : memref<!tpu.dma_semaphore, #tpu.memory_space<semaphore_mem>>)
        %dma_wait3A_117 = arith.constant 0 : i32
        %dma_wait3A_118 = tpu.memref_slice %arg3[%add3A_95, %dma_wait3A_117] : memref<2560x128xi32, #tpu.memory_space<hbm>> -> memref<1x128xi32, #tpu.memory_space<hbm>>
        %dma_wait3A_119 = arith.constant 0 : i32
        %dma_wait3A_120 = tpu.memref_slice %arg3[%add3A_95, %dma_wait3A_119] : memref<2560x128xi32, #tpu.memory_space<hbm>> -> memref<1x128xi32, #tpu.memory_space<hbm>>
        tpu.wait_dma2 semaphore(%run_scoped3A_112 : memref<!tpu.dma_semaphore, #tpu.memory_space<semaphore_mem>>) src(%dma_wait3A_120 : memref<1x128xi32, #tpu.memory_space<hbm>>) dst(%arg6 : memref<1x128xi32, #tpu.memory_space<vmem>>)
        tpu.yield
      }) : () -> ()
      %dma_start3A_96 = arith.constant 0 : i32
      %dma_start3A_97 = arith.constant 0 : i32
      %dma_start3A_98 = tpu.memref_slice %arg6[%dma_start3A_96, %dma_start3A_97] : memref<1x128xi32, #tpu.memory_space<vmem>> -> memref<1x128xi32, #tpu.memory_space<vmem>>
      %dma_start3A_99 = tpu.memref_squeeze %dma_start3A_98 : memref<1x128xi32, #tpu.memory_space<vmem>> -> memref<128xi32, #tpu.memory_space<vmem>>
      %dma_start3A_100 = arith.constant 0 : i32
      %dma_start3A_101 = arith.constant 0 : i32
      %dma_start3A_102 = tpu.memref_slice %arg2[%dma_start3A_100, %dma_start3A_101] : memref<10240x128xf32, #tpu.memory_space<hbm>> -> memref<10240x128xf32, #tpu.memory_space<hbm>>
      tpu.enqueue_indirect_dma source(%dma_start3A_102 : memref<10240x128xf32, #tpu.memory_space<hbm>>) target(%arg8 : memref<128x128xf32, #tpu.memory_space<vmem>>) offsets(%dma_start3A_99 : memref<128xi32, #tpu.memory_space<vmem>>) semaphore(%arg11 : memref<!tpu.dma_semaphore, #tpu.memory_space<semaphore_mem>>)
      %sub3A_103 = arith.constant 1 : i32
      %sub3A_104 = arith.subi %add3A_92, %sub3A_103 : i32
      "tpu.region"() ({
        %run_scoped3A_112 = tpu.sem_alloc : memref<!tpu.dma_semaphore, #tpu.memory_space<semaphore_mem>>
        %dma_start3A_113 = arith.constant 0 : i32
        %dma_start3A_114 = tpu.memref_slice %arg7[%sub3A_104, %dma_start3A_113] : memref<80x128xi32, #tpu.memory_space<vmem>> -> memref<1x128xi32, #tpu.memory_space<vmem>>
        %dma_start3A_115 = tpu.memref_squeeze %dma_start3A_114 : memref<1x128xi32, #tpu.memory_space<vmem>> -> memref<128xi32, #tpu.memory_space<vmem>>
        %dma_start3A_116 = arith.constant 0 : i32
        %dma_start3A_117 = arith.constant 0 : i32
        %dma_start3A_118 = tpu.memref_slice %arg10[%dma_start3A_116, %dma_start3A_117] : memref<10240x128xf32, #tpu.memory_space<vmem_shared>> -> memref<10240x128xf32, #tpu.memory_space<vmem_shared>>
        tpu.enqueue_indirect_dma source(%arg9 : memref<128x128xf32, #tpu.memory_space<vmem>>) target(%dma_start3A_118 : memref<10240x128xf32, #tpu.memory_space<vmem_shared>>) offsets(%dma_start3A_115 : memref<128xi32, #tpu.memory_space<vmem>>) semaphore(%run_scoped3A_112 : memref<!tpu.dma_semaphore, #tpu.memory_space<semaphore_mem>>) {add = true}
        %dma_wait3A_119 = arith.constant 0 : i32
        %dma_wait3A_120 = tpu.memref_slice %arg7[%sub3A_104, %dma_wait3A_119] : memref<80x128xi32, #tpu.memory_space<vmem>> -> memref<1x128xi32, #tpu.memory_space<vmem>>
        %dma_wait3A_121 = tpu.memref_squeeze %dma_wait3A_120 : memref<1x128xi32, #tpu.memory_space<vmem>> -> memref<128xi32, #tpu.memory_space<vmem>>
        %dma_wait3A_122 = arith.constant 0 : i32
        %dma_wait3A_123 = arith.constant 0 : i32
        %dma_wait3A_124 = tpu.memref_slice %arg10[%dma_wait3A_122, %dma_wait3A_123] : memref<10240x128xf32, #tpu.memory_space<vmem_shared>> -> memref<10240x128xf32, #tpu.memory_space<vmem_shared>>
        tpu.wait_indirect_dma semaphore(%run_scoped3A_112 : memref<!tpu.dma_semaphore, #tpu.memory_space<semaphore_mem>>) src(%arg9 : memref<128x128xf32, #tpu.memory_space<vmem>>) dst(%dma_wait3A_124 : memref<10240x128xf32, #tpu.memory_space<vmem_shared>>)
        tpu.yield
      }) : () -> ()
      %dma_wait3A_105 = arith.constant 0 : i32
      %dma_wait3A_106 = arith.constant 0 : i32
      %dma_wait3A_107 = tpu.memref_slice %arg6[%dma_wait3A_105, %dma_wait3A_106] : memref<1x128xi32, #tpu.memory_space<vmem>> -> memref<1x128xi32, #tpu.memory_space<vmem>>
      %dma_wait3A_108 = tpu.memref_squeeze %dma_wait3A_107 : memref<1x128xi32, #tpu.memory_space<vmem>> -> memref<128xi32, #tpu.memory_space<vmem>>
      %dma_wait3A_109 = arith.constant 0 : i32
      %dma_wait3A_110 = arith.constant 0 : i32
      %dma_wait3A_111 = tpu.memref_slice %arg2[%dma_wait3A_109, %dma_wait3A_110] : memref<10240x128xf32, #tpu.memory_space<hbm>> -> memref<10240x128xf32, #tpu.memory_space<hbm>>
      tpu.wait_indirect_dma semaphore(%arg11 : memref<!tpu.dma_semaphore, #tpu.memory_space<semaphore_mem>>) src(%dma_wait3A_111 : memref<10240x128xf32, #tpu.memory_space<hbm>>) dst(%arg8 : memref<128x128xf32, #tpu.memory_space<vmem>>)
    }
    %scan3A_39 = arith.constant 39 : i32
    %mul3A_40 = arith.constant 80 : i32
    %mul3A_41 = arith.muli %add3A, %mul3A_40 : i32
    %add3A_42 = arith.constant 80 : i32
    %add3A_43 = arith.addi %mul3A_41, %add3A_42 : i32
    %sub3A = arith.constant 1 : i32
    %sub3A_44 = arith.subi %add3A_43, %sub3A : i32
    "tpu.region"() ({
      %run_scoped3A_61 = tpu.sem_alloc : memref<!tpu.dma_semaphore, #tpu.memory_space<semaphore_mem>>
      %dma_start3A_62 = arith.constant 0 : i32
      %dma_start3A_63 = tpu.memref_slice %arg3[%sub3A_44, %dma_start3A_62] : memref<2560x128xi32, #tpu.memory_space<hbm>> -> memref<1x128xi32, #tpu.memory_space<hbm>>
      %dma_start3A_64 = arith.constant 0 : i32
      %dma_start3A_65 = tpu.memref_slice %arg3[%sub3A_44, %dma_start3A_64] : memref<2560x128xi32, #tpu.memory_space<hbm>> -> memref<1x128xi32, #tpu.memory_space<hbm>>
      tpu.enqueue_dma source(%dma_start3A_65 : memref<1x128xi32, #tpu.memory_space<hbm>>) target(%arg6 : memref<1x128xi32, #tpu.memory_space<vmem>>) target_semaphore(%run_scoped3A_61 : memref<!tpu.dma_semaphore, #tpu.memory_space<semaphore_mem>>)
      %dma_wait3A_66 = arith.constant 0 : i32
      %dma_wait3A_67 = tpu.memref_slice %arg3[%sub3A_44, %dma_wait3A_66] : memref<2560x128xi32, #tpu.memory_space<hbm>> -> memref<1x128xi32, #tpu.memory_space<hbm>>
      %dma_wait3A_68 = arith.constant 0 : i32
      %dma_wait3A_69 = tpu.memref_slice %arg3[%sub3A_44, %dma_wait3A_68] : memref<2560x128xi32, #tpu.memory_space<hbm>> -> memref<1x128xi32, #tpu.memory_space<hbm>>
      tpu.wait_dma2 semaphore(%run_scoped3A_61 : memref<!tpu.dma_semaphore, #tpu.memory_space<semaphore_mem>>) src(%dma_wait3A_69 : memref<1x128xi32, #tpu.memory_space<hbm>>) dst(%arg6 : memref<1x128xi32, #tpu.memory_space<vmem>>)
      tpu.yield
    }) : () -> ()
    %dma_start3A_45 = arith.constant 0 : i32
    %dma_start3A_46 = arith.constant 0 : i32
    %dma_start3A_47 = tpu.memref_slice %arg6[%dma_start3A_45, %dma_start3A_46] : memref<1x128xi32, #tpu.memory_space<vmem>> -> memref<1x128xi32, #tpu.memory_space<vmem>>
    %dma_start3A_48 = tpu.memref_squeeze %dma_start3A_47 : memref<1x128xi32, #tpu.memory_space<vmem>> -> memref<128xi32, #tpu.memory_space<vmem>>
    %dma_start3A_49 = arith.constant 0 : i32
    %dma_start3A_50 = arith.constant 0 : i32
    %dma_start3A_51 = tpu.memref_slice %arg2[%dma_start3A_49, %dma_start3A_50] : memref<10240x128xf32, #tpu.memory_space<hbm>> -> memref<10240x128xf32, #tpu.memory_space<hbm>>
    tpu.enqueue_indirect_dma source(%dma_start3A_51 : memref<10240x128xf32, #tpu.memory_space<hbm>>) target(%arg9 : memref<128x128xf32, #tpu.memory_space<vmem>>) offsets(%dma_start3A_48 : memref<128xi32, #tpu.memory_space<vmem>>) semaphore(%arg12 : memref<!tpu.dma_semaphore, #tpu.memory_space<semaphore_mem>>)
    %run_scoped3A = arith.constant 78 : i32
    "tpu.region"() ({
      %run_scoped3A_61 = tpu.sem_alloc : memref<!tpu.dma_semaphore, #tpu.memory_space<semaphore_mem>>
      %dma_start3A_62 = arith.constant 0 : i32
      %dma_start3A_63 = tpu.memref_slice %arg7[%run_scoped3A, %dma_start3A_62] : memref<80x128xi32, #tpu.memory_space<vmem>> -> memref<1x128xi32, #tpu.memory_space<vmem>>
      %dma_start3A_64 = tpu.memref_squeeze %dma_start3A_63 : memref<1x128xi32, #tpu.memory_space<vmem>> -> memref<128xi32, #tpu.memory_space<vmem>>
      %dma_start3A_65 = arith.constant 0 : i32
      %dma_start3A_66 = arith.constant 0 : i32
      %dma_start3A_67 = tpu.memref_slice %arg10[%dma_start3A_65, %dma_start3A_66] : memref<10240x128xf32, #tpu.memory_space<vmem_shared>> -> memref<10240x128xf32, #tpu.memory_space<vmem_shared>>
      tpu.enqueue_indirect_dma source(%arg8 : memref<128x128xf32, #tpu.memory_space<vmem>>) target(%dma_start3A_67 : memref<10240x128xf32, #tpu.memory_space<vmem_shared>>) offsets(%dma_start3A_64 : memref<128xi32, #tpu.memory_space<vmem>>) semaphore(%run_scoped3A_61 : memref<!tpu.dma_semaphore, #tpu.memory_space<semaphore_mem>>) {add = true}
      %dma_wait3A_68 = arith.constant 0 : i32
      %dma_wait3A_69 = tpu.memref_slice %arg7[%run_scoped3A, %dma_wait3A_68] : memref<80x128xi32, #tpu.memory_space<vmem>> -> memref<1x128xi32, #tpu.memory_space<vmem>>
      %dma_wait3A_70 = tpu.memref_squeeze %dma_wait3A_69 : memref<1x128xi32, #tpu.memory_space<vmem>> -> memref<128xi32, #tpu.memory_space<vmem>>
      %dma_wait3A_71 = arith.constant 0 : i32
      %dma_wait3A_72 = arith.constant 0 : i32
      %dma_wait3A_73 = tpu.memref_slice %arg10[%dma_wait3A_71, %dma_wait3A_72] : memref<10240x128xf32, #tpu.memory_space<vmem_shared>> -> memref<10240x128xf32, #tpu.memory_space<vmem_shared>>
      tpu.wait_indirect_dma semaphore(%run_scoped3A_61 : memref<!tpu.dma_semaphore, #tpu.memory_space<semaphore_mem>>) src(%arg8 : memref<128x128xf32, #tpu.memory_space<vmem>>) dst(%dma_wait3A_73 : memref<10240x128xf32, #tpu.memory_space<vmem_shared>>)
      tpu.yield
    }) : () -> ()
    %dma_wait3A_52 = arith.constant 0 : i32
    %dma_wait3A_53 = arith.constant 0 : i32
    %dma_wait3A_54 = tpu.memref_slice %arg6[%dma_wait3A_52, %dma_wait3A_53] : memref<1x128xi32, #tpu.memory_space<vmem>> -> memref<1x128xi32, #tpu.memory_space<vmem>>
    %dma_wait3A_55 = tpu.memref_squeeze %dma_wait3A_54 : memref<1x128xi32, #tpu.memory_space<vmem>> -> memref<128xi32, #tpu.memory_space<vmem>>
    %dma_wait3A_56 = arith.constant 0 : i32
    %dma_wait3A_57 = arith.constant 0 : i32
    %dma_wait3A_58 = tpu.memref_slice %arg2[%dma_wait3A_56, %dma_wait3A_57] : memref<10240x128xf32, #tpu.memory_space<hbm>> -> memref<10240x128xf32, #tpu.memory_space<hbm>>
    tpu.wait_indirect_dma semaphore(%arg12 : memref<!tpu.dma_semaphore, #tpu.memory_space<semaphore_mem>>) src(%dma_wait3A_58 : memref<10240x128xf32, #tpu.memory_space<hbm>>) dst(%arg9 : memref<128x128xf32, #tpu.memory_space<vmem>>)
    %run_scoped3A_59 = arith.constant 79 : i32
    "tpu.region"() ({
      %run_scoped3A_61 = tpu.sem_alloc : memref<!tpu.dma_semaphore, #tpu.memory_space<semaphore_mem>>
      %dma_start3A_62 = arith.constant 0 : i32
      %dma_start3A_63 = tpu.memref_slice %arg7[%run_scoped3A_59, %dma_start3A_62] : memref<80x128xi32, #tpu.memory_space<vmem>> -> memref<1x128xi32, #tpu.memory_space<vmem>>
      %dma_start3A_64 = tpu.memref_squeeze %dma_start3A_63 : memref<1x128xi32, #tpu.memory_space<vmem>> -> memref<128xi32, #tpu.memory_space<vmem>>
      %dma_start3A_65 = arith.constant 0 : i32
      %dma_start3A_66 = arith.constant 0 : i32
      %dma_start3A_67 = tpu.memref_slice %arg10[%dma_start3A_65, %dma_start3A_66] : memref<10240x128xf32, #tpu.memory_space<vmem_shared>> -> memref<10240x128xf32, #tpu.memory_space<vmem_shared>>
      tpu.enqueue_indirect_dma source(%arg9 : memref<128x128xf32, #tpu.memory_space<vmem>>) target(%dma_start3A_67 : memref<10240x128xf32, #tpu.memory_space<vmem_shared>>) offsets(%dma_start3A_64 : memref<128xi32, #tpu.memory_space<vmem>>) semaphore(%run_scoped3A_61 : memref<!tpu.dma_semaphore, #tpu.memory_space<semaphore_mem>>) {add = true}
      %dma_wait3A_68 = arith.constant 0 : i32
      %dma_wait3A_69 = tpu.memref_slice %arg7[%run_scoped3A_59, %dma_wait3A_68] : memref<80x128xi32, #tpu.memory_space<vmem>> -> memref<1x128xi32, #tpu.memory_space<vmem>>
      %dma_wait3A_70 = tpu.memref_squeeze %dma_wait3A_69 : memref<1x128xi32, #tpu.memory_space<vmem>> -> memref<128xi32, #tpu.memory_space<vmem>>
      %dma_wait3A_71 = arith.constant 0 : i32
      %dma_wait3A_72 = arith.constant 0 : i32
      %dma_wait3A_73 = tpu.memref_slice %arg10[%dma_wait3A_71, %dma_wait3A_72] : memref<10240x128xf32, #tpu.memory_space<vmem_shared>> -> memref<10240x128xf32, #tpu.memory_space<vmem_shared>>
      tpu.wait_indirect_dma semaphore(%run_scoped3A_61 : memref<!tpu.dma_semaphore, #tpu.memory_space<semaphore_mem>>) src(%arg9 : memref<128x128xf32, #tpu.memory_space<vmem>>) dst(%dma_wait3A_73 : memref<10240x128xf32, #tpu.memory_space<vmem_shared>>)
      tpu.yield
    }) : () -> ()
    %barrier3A_60 = arith.constant 0 : index
    tpu.barrier barrier_id(%barrier3A_60)
    "tpu.region"() ({
      %run_scoped3A_61 = tpu.sem_alloc : memref<!tpu.dma_semaphore, #tpu.memory_space<semaphore_mem>>
      %dma_start3A_62 = arith.constant 0 : i32
      %dma_start3A_63 = tpu.memref_slice %arg5[%arg0, %mul3A_2, %dma_start3A_62] : memref<2x10240x128xf32, #tpu.memory_space<hbm>> -> memref<1x640x128xf32, #tpu.memory_space<hbm>>
      %dma_start3A_64 = tpu.memref_squeeze %dma_start3A_63 : memref<1x640x128xf32, #tpu.memory_space<hbm>> -> memref<640x128xf32, #tpu.memory_space<hbm>>
      %dma_start3A_65 = arith.constant 0 : i32
      %dma_start3A_66 = tpu.memref_slice %arg10[%mul3A_2, %dma_start3A_65] : memref<10240x128xf32, #tpu.memory_space<vmem_shared>> -> memref<640x128xf32, #tpu.memory_space<vmem_shared>>
      tpu.enqueue_dma source(%dma_start3A_66 : memref<640x128xf32, #tpu.memory_space<vmem_shared>>) target(%dma_start3A_64 : memref<640x128xf32, #tpu.memory_space<hbm>>) target_semaphore(%run_scoped3A_61 : memref<!tpu.dma_semaphore, #tpu.memory_space<semaphore_mem>>)
      %dma_wait3A_67 = arith.constant 0 : i32
      %dma_wait3A_68 = tpu.memref_slice %arg5[%arg0, %mul3A_2, %dma_wait3A_67] : memref<2x10240x128xf32, #tpu.memory_space<hbm>> -> memref<1x640x128xf32, #tpu.memory_space<hbm>>
      %dma_wait3A_69 = tpu.memref_squeeze %dma_wait3A_68 : memref<1x640x128xf32, #tpu.memory_space<hbm>> -> memref<640x128xf32, #tpu.memory_space<hbm>>
      %dma_wait3A_70 = arith.constant 0 : i32
      %dma_wait3A_71 = tpu.memref_slice %arg10[%mul3A_2, %dma_wait3A_70] : memref<10240x128xf32, #tpu.memory_space<vmem_shared>> -> memref<640x128xf32, #tpu.memory_space<vmem_shared>>
      tpu.wait_dma2 semaphore(%run_scoped3A_61 : memref<!tpu.dma_semaphore, #tpu.memory_space<semaphore_mem>>) src(%dma_wait3A_71 : memref<640x128xf32, #tpu.memory_space<vmem_shared>>) dst(%dma_wait3A_69 : memref<640x128xf32, #tpu.memory_space<hbm>>)
      tpu.yield
    }) : () -> ()
    return
  }
}

module attributes {stable_mosaic.version = 14 : i64} {
  func.func @_prep_body(%arg0: i32, %arg1: memref<2x512x128xf32, #tpu.memory_space<vmem>>, %arg2: memref<512x128xf32, #tpu.memory_space<vmem>>, %arg3: memref<128x128xf32, #tpu.memory_space<vmem>>, %arg4: memref<512x128xf32, #tpu.memory_space<vmem>>) attributes {dimension_semantics = [#tpu.dimension_semantics<arbitrary>], iteration_bounds = array<i64: 20>, scalar_prefetch = 0 : i64, scratch_operands = 0 : i64, tpu.core_type = #tpu.core_type<tc>, window_params = [{transform_indices = @transform_0, window_bounds = array<i64: 2, 512, 128>}, {transform_indices = @transform_1, window_bounds = array<i64: 512, 128>}, {pipeline_mode = #tpu.pipeline_mode<synchronous>, transform_indices = @transform_2, window_bounds = array<i64: 128, 128>}, {transform_indices = @transform_3, window_bounds = array<i64: 512, 128>}]} {
    %get3A = arith.constant 0 : index
    %get3A_0 = arith.constant 0 : index
    %get3A_1 = arith.constant 0 : index
    %get3A_2 = vector.load %arg1[%get3A, %get3A_0, %get3A_1] : memref<2x512x128xf32, #tpu.memory_space<vmem>>, vector<1x512x128xf32>
    %get3A_3 = vector.shape_cast %get3A_2 : vector<1x512x128xf32> to vector<512x128xf32>
    %slice3A = vector.extract_strided_slice %get3A_3 {offsets = [0, 0], sizes = [512, 1], strides = [1, 1]} : vector<512x128xf32> to vector<512x1xf32>
    %get3A_4 = arith.constant 1 : index
    %get3A_5 = arith.constant 0 : index
    %get3A_6 = arith.constant 0 : index
    %get3A_7 = vector.load %arg1[%get3A_4, %get3A_5, %get3A_6] : memref<2x512x128xf32, #tpu.memory_space<vmem>>, vector<1x512x128xf32>
    %get3A_8 = vector.shape_cast %get3A_7 : vector<1x512x128xf32> to vector<512x128xf32>
    %slice3A_9 = vector.extract_strided_slice %get3A_8 {offsets = [0, 0], sizes = [512, 1], strides = [1, 1]} : vector<512x128xf32> to vector<512x1xf32>
    %add3A = arith.addf %slice3A, %slice3A_9 : vector<512x1xf32>
    %add3A_10 = arith.constant 1.000000e+00 : f32
    %add3A_11 = vector.broadcast %add3A_10 : f32 to vector<512x1xf32>
    %add3A_12 = arith.addf %add3A, %add3A_11 : vector<512x1xf32>
    %rsqrt3A = math.rsqrt %add3A_12 : vector<512x1xf32>
    %get3A_13 = arith.constant 0 : index
    %get3A_14 = arith.constant 0 : index
    %get3A_15 = vector.load %arg2[%get3A_13, %get3A_14] : memref<512x128xf32, #tpu.memory_space<vmem>>, vector<512x128xf32>
    %get3A_16 = arith.constant 0 : index
    %get3A_17 = arith.constant 0 : index
    %get3A_18 = vector.load %arg3[%get3A_16, %get3A_17] : memref<128x128xf32, #tpu.memory_space<vmem>>, vector<128x128xf32>
    %dot_general3A = arith.constant dense<0.000000e+00> : vector<512x128xf32>
    %dot_general3A_19 = tpu.matmul %get3A_15, %get3A_18, %dot_general3A {dimension_numbers = #tpu.dot_dimension_numbers<[1], [0], [0], [1], [0, 0, 1, 1], [], []>, transpose_lhs_hint = false} : vector<512x128xf32>, vector<128x128xf32>, vector<512x128xf32> -> vector<512x128xf32>
    %mul3A = vector.broadcast %rsqrt3A : vector<512x1xf32> to vector<512x128xf32>
    %mul3A_20 = arith.mulf %mul3A, %dot_general3A_19 : vector<512x128xf32>
    %swap3A = arith.constant 0 : index
    %swap3A_21 = arith.constant 0 : index
    %swap3A_22 = vector.load %arg4[%swap3A, %swap3A_21] : memref<512x128xf32, #tpu.memory_space<vmem>>, vector<512x128xf32>
    tpu.vector_store %arg4[%swap3A, %swap3A_21], %mul3A_20 {strides = array<i32>} : memref<512x128xf32, #tpu.memory_space<vmem>>, vector<512x128xf32>,
    return
  }
  func.func @transform_0(%arg0: i32) -> (i32, i32, i32) {
    %c0_i32 = arith.constant 0 : i32
    %c0_i32_0 = arith.constant 0 : i32
    %c0_i32_1 = arith.constant 0 : i32
    return %c0_i32, %arg0, %c0_i32_0 : i32, i32, i32
  }
  func.func @transform_1(%arg0: i32) -> (i32, i32) {
    %c0_i32 = arith.constant 0 : i32
    %c0_i32_0 = arith.constant 0 : i32
    return %arg0, %c0_i32 : i32, i32
  }
  func.func @transform_2(%arg0: i32) -> (i32, i32) {
    %c0_i32 = arith.constant 0 : i32
    %c0_i32_0 = arith.constant 0 : i32
    %c0_i32_1 = arith.constant 0 : i32
    return %c0_i32, %c0_i32_0 : i32, i32
  }
  func.func @transform_3(%arg0: i32) -> (i32, i32) {
    %c0_i32 = arith.constant 0 : i32
    %c0_i32_0 = arith.constant 0 : i32
    return %arg0, %c0_i32 : i32, i32
  }
}

module attributes {stable_mosaic.version = 14 : i64} {
  func.func @_mid_body(%arg0: i32, %arg1: memref<2x512x128xf32, #tpu.memory_space<vmem>>, %arg2: memref<512x128xf32, #tpu.memory_space<vmem>>, %arg3: memref<2x512x128xf32, #tpu.memory_space<vmem>>, %arg4: memref<128x128xf32, #tpu.memory_space<vmem>>, %arg5: memref<1x128xf32, #tpu.memory_space<vmem>>, %arg6: memref<512x128xf32, #tpu.memory_space<vmem>>) attributes {dimension_semantics = [#tpu.dimension_semantics<arbitrary>], iteration_bounds = array<i64: 20>, scalar_prefetch = 0 : i64, scratch_operands = 0 : i64, tpu.core_type = #tpu.core_type<tc>, window_params = [{transform_indices = @transform_0, window_bounds = array<i64: 2, 512, 128>}, {transform_indices = @transform_1, window_bounds = array<i64: 512, 128>}, {transform_indices = @transform_2, window_bounds = array<i64: 2, 512, 128>}, {pipeline_mode = #tpu.pipeline_mode<synchronous>, transform_indices = @transform_3, window_bounds = array<i64: 128, 128>}, {pipeline_mode = #tpu.pipeline_mode<synchronous>, transform_indices = @transform_4, window_bounds = array<i64: 1, 128>}, {transform_indices = @transform_5, window_bounds = array<i64: 512, 128>}]} {
    %get3A = arith.constant 0 : index
    %get3A_0 = arith.constant 0 : index
    %get3A_1 = arith.constant 0 : index
    %get3A_2 = vector.load %arg3[%get3A, %get3A_0, %get3A_1] : memref<2x512x128xf32, #tpu.memory_space<vmem>>, vector<1x512x128xf32>
    %get3A_3 = vector.shape_cast %get3A_2 : vector<1x512x128xf32> to vector<512x128xf32>
    %slice3A = vector.extract_strided_slice %get3A_3 {offsets = [0, 0], sizes = [512, 1], strides = [1, 1]} : vector<512x128xf32> to vector<512x1xf32>
    %get3A_4 = arith.constant 1 : index
    %get3A_5 = arith.constant 0 : index
    %get3A_6 = arith.constant 0 : index
    %get3A_7 = vector.load %arg3[%get3A_4, %get3A_5, %get3A_6] : memref<2x512x128xf32, #tpu.memory_space<vmem>>, vector<1x512x128xf32>
    %get3A_8 = vector.shape_cast %get3A_7 : vector<1x512x128xf32> to vector<512x128xf32>
    %slice3A_9 = vector.extract_strided_slice %get3A_8 {offsets = [0, 0], sizes = [512, 1], strides = [1, 1]} : vector<512x128xf32> to vector<512x1xf32>
    %add3A = arith.addf %slice3A, %slice3A_9 : vector<512x1xf32>
    %add3A_10 = arith.constant 1.000000e+00 : f32
    %add3A_11 = vector.broadcast %add3A_10 : f32 to vector<512x1xf32>
    %add3A_12 = arith.addf %add3A, %add3A_11 : vector<512x1xf32>
    %rsqrt3A = math.rsqrt %add3A_12 : vector<512x1xf32>
    %get3A_13 = arith.constant 0 : index
    %get3A_14 = arith.constant 0 : index
    %get3A_15 = arith.constant 0 : index
    %get3A_16 = vector.load %arg1[%get3A_13, %get3A_14, %get3A_15] : memref<2x512x128xf32, #tpu.memory_space<vmem>>, vector<1x512x128xf32>
    %get3A_17 = vector.shape_cast %get3A_16 : vector<1x512x128xf32> to vector<512x128xf32>
    %get3A_18 = arith.constant 1 : index
    %get3A_19 = arith.constant 0 : index
    %get3A_20 = arith.constant 0 : index
    %get3A_21 = vector.load %arg1[%get3A_18, %get3A_19, %get3A_20] : memref<2x512x128xf32, #tpu.memory_space<vmem>>, vector<1x512x128xf32>
    %get3A_22 = vector.shape_cast %get3A_21 : vector<1x512x128xf32> to vector<512x128xf32>
    %add3A_23 = arith.addf %get3A_17, %get3A_22 : vector<512x128xf32>
    %get3A_24 = arith.constant 0 : index
    %get3A_25 = arith.constant 0 : index
    %get3A_26 = vector.load %arg2[%get3A_24, %get3A_25] : memref<512x128xf32, #tpu.memory_space<vmem>>, vector<512x128xf32>
    %add3A_27 = arith.addf %add3A_23, %get3A_26 : vector<512x128xf32>
    %mul3A = vector.broadcast %rsqrt3A : vector<512x1xf32> to vector<512x128xf32>
    %mul3A_28 = arith.mulf %mul3A, %add3A_27 : vector<512x128xf32>
    %get3A_29 = arith.constant 0 : index
    %get3A_30 = arith.constant 0 : index
    %get3A_31 = vector.load %arg5[%get3A_29, %get3A_30] : memref<1x128xf32, #tpu.memory_space<vmem>>, vector<1x128xf32>
    %add3A_32 = vector.broadcast %get3A_31 : vector<1x128xf32> to vector<512x128xf32>
    %add3A_33 = arith.addf %mul3A_28, %add3A_32 : vector<512x128xf32>
    %max3A = arith.constant 0.000000e+00 : f32
    %max3A_34 = vector.broadcast %max3A : f32 to vector<512x128xf32>
    %max3A_35 = arith.maximumf %add3A_33, %max3A_34 : vector<512x128xf32>
    %get3A_36 = arith.constant 0 : index
    %get3A_37 = arith.constant 0 : index
    %get3A_38 = vector.load %arg4[%get3A_36, %get3A_37] : memref<128x128xf32, #tpu.memory_space<vmem>>, vector<128x128xf32>
    %dot_general3A = arith.constant dense<0.000000e+00> : vector<512x128xf32>
    %dot_general3A_39 = tpu.matmul %max3A_35, %get3A_38, %dot_general3A {dimension_numbers = #tpu.dot_dimension_numbers<[1], [0], [0], [1], [0, 0, 1, 1], [], []>, transpose_lhs_hint = false} : vector<512x128xf32>, vector<128x128xf32>, vector<512x128xf32> -> vector<512x128xf32>
    %mul3A_40 = vector.broadcast %rsqrt3A : vector<512x1xf32> to vector<512x128xf32>
    %mul3A_41 = arith.mulf %mul3A_40, %dot_general3A_39 : vector<512x128xf32>
    %swap3A = arith.constant 0 : index
    %swap3A_42 = arith.constant 0 : index
    %swap3A_43 = vector.load %arg6[%swap3A, %swap3A_42] : memref<512x128xf32, #tpu.memory_space<vmem>>, vector<512x128xf32>
    tpu.vector_store %arg6[%swap3A, %swap3A_42], %mul3A_41 {strides = array<i32>} : memref<512x128xf32, #tpu.memory_space<vmem>>, vector<512x128xf32>,
    return
  }
  func.func @transform_0(%arg0: i32) -> (i32, i32, i32) {
    %c0_i32 = arith.constant 0 : i32
    %c0_i32_0 = arith.constant 0 : i32
    %c0_i32_1 = arith.constant 0 : i32
    return %c0_i32, %arg0, %c0_i32_0 : i32, i32, i32
  }
  func.func @transform_1(%arg0: i32) -> (i32, i32) {
    %c0_i32 = arith.constant 0 : i32
    %c0_i32_0 = arith.constant 0 : i32
    return %arg0, %c0_i32 : i32, i32
  }
  func.func @transform_2(%arg0: i32) -> (i32, i32, i32) {
    %c0_i32 = arith.constant 0 : i32
    %c0_i32_0 = arith.constant 0 : i32
    %c0_i32_1 = arith.constant 0 : i32
    return %c0_i32, %arg0, %c0_i32_0 : i32, i32, i32
  }
  func.func @transform_3(%arg0: i32) -> (i32, i32) {
    %c0_i32 = arith.constant 0 : i32
    %c0_i32_0 = arith.constant 0 : i32
    %c0_i32_1 = arith.constant 0 : i32
    return %c0_i32, %c0_i32_0 : i32, i32
  }
  func.func @transform_4(%arg0: i32) -> (i32, i32) {
    %c0_i32 = arith.constant 0 : i32
    %c0_i32_0 = arith.constant 0 : i32
    %c0_i32_1 = arith.constant 0 : i32
    return %c0_i32, %c0_i32_0 : i32, i32
  }
  func.func @transform_5(%arg0: i32) -> (i32, i32) {
    %c0_i32 = arith.constant 0 : i32
    %c0_i32_0 = arith.constant 0 : i32
    return %arg0, %c0_i32 : i32, i32
  }
}

module attributes {stable_mosaic.version = 14 : i64} {
  func.func @_final_body(%arg0: i32, %arg1: memref<2x512x128xf32, #tpu.memory_space<vmem>>, %arg2: memref<512x128xf32, #tpu.memory_space<vmem>>, %arg3: memref<2x512x128xf32, #tpu.memory_space<vmem>>, %arg4: memref<1x128xf32, #tpu.memory_space<vmem>>, %arg5: memref<512x128xf32, #tpu.memory_space<vmem>>) attributes {dimension_semantics = [#tpu.dimension_semantics<arbitrary>], iteration_bounds = array<i64: 20>, scalar_prefetch = 0 : i64, scratch_operands = 0 : i64, tpu.core_type = #tpu.core_type<tc>, window_params = [{transform_indices = @transform_0, window_bounds = array<i64: 2, 512, 128>}, {transform_indices = @transform_1, window_bounds = array<i64: 512, 128>}, {transform_indices = @transform_2, window_bounds = array<i64: 2, 512, 128>}, {pipeline_mode = #tpu.pipeline_mode<synchronous>, transform_indices = @transform_3, window_bounds = array<i64: 1, 128>}, {transform_indices = @transform_4, window_bounds = array<i64: 512, 128>}]} {
    %get3A = arith.constant 0 : index
    %get3A_0 = arith.constant 0 : index
    %get3A_1 = arith.constant 0 : index
    %get3A_2 = vector.load %arg3[%get3A, %get3A_0, %get3A_1] : memref<2x512x128xf32, #tpu.memory_space<vmem>>, vector<1x512x128xf32>
    %get3A_3 = vector.shape_cast %get3A_2 : vector<1x512x128xf32> to vector<512x128xf32>
    %slice3A = vector.extract_strided_slice %get3A_3 {offsets = [0, 0], sizes = [512, 1], strides = [1, 1]} : vector<512x128xf32> to vector<512x1xf32>
    %get3A_4 = arith.constant 1 : index
    %get3A_5 = arith.constant 0 : index
    %get3A_6 = arith.constant 0 : index
    %get3A_7 = vector.load %arg3[%get3A_4, %get3A_5, %get3A_6] : memref<2x512x128xf32, #tpu.memory_space<vmem>>, vector<1x512x128xf32>
    %get3A_8 = vector.shape_cast %get3A_7 : vector<1x512x128xf32> to vector<512x128xf32>
    %slice3A_9 = vector.extract_strided_slice %get3A_8 {offsets = [0, 0], sizes = [512, 1], strides = [1, 1]} : vector<512x128xf32> to vector<512x1xf32>
    %add3A = arith.addf %slice3A, %slice3A_9 : vector<512x1xf32>
    %add3A_10 = arith.constant 1.000000e+00 : f32
    %add3A_11 = vector.broadcast %add3A_10 : f32 to vector<512x1xf32>
    %add3A_12 = arith.addf %add3A, %add3A_11 : vector<512x1xf32>
    %rsqrt3A = math.rsqrt %add3A_12 : vector<512x1xf32>
    %get3A_13 = arith.constant 0 : index
    %get3A_14 = arith.constant 0 : index
    %get3A_15 = arith.constant 0 : index
    %get3A_16 = vector.load %arg1[%get3A_13, %get3A_14, %get3A_15] : memref<2x512x128xf32, #tpu.memory_space<vmem>>, vector<1x512x128xf32>
    %get3A_17 = vector.shape_cast %get3A_16 : vector<1x512x128xf32> to vector<512x128xf32>
    %get3A_18 = arith.constant 1 : index
    %get3A_19 = arith.constant 0 : index
    %get3A_20 = arith.constant 0 : index
    %get3A_21 = vector.load %arg1[%get3A_18, %get3A_19, %get3A_20] : memref<2x512x128xf32, #tpu.memory_space<vmem>>, vector<1x512x128xf32>
    %get3A_22 = vector.shape_cast %get3A_21 : vector<1x512x128xf32> to vector<512x128xf32>
    %add3A_23 = arith.addf %get3A_17, %get3A_22 : vector<512x128xf32>
    %get3A_24 = arith.constant 0 : index
    %get3A_25 = arith.constant 0 : index
    %get3A_26 = vector.load %arg2[%get3A_24, %get3A_25] : memref<512x128xf32, #tpu.memory_space<vmem>>, vector<512x128xf32>
    %add3A_27 = arith.addf %add3A_23, %get3A_26 : vector<512x128xf32>
    %mul3A = vector.broadcast %rsqrt3A : vector<512x1xf32> to vector<512x128xf32>
    %mul3A_28 = arith.mulf %mul3A, %add3A_27 : vector<512x128xf32>
    %get3A_29 = arith.constant 0 : index
    %get3A_30 = arith.constant 0 : index
    %get3A_31 = vector.load %arg4[%get3A_29, %get3A_30] : memref<1x128xf32, #tpu.memory_space<vmem>>, vector<1x128xf32>
    %add3A_32 = vector.broadcast %get3A_31 : vector<1x128xf32> to vector<512x128xf32>
    %add3A_33 = arith.addf %mul3A_28, %add3A_32 : vector<512x128xf32>
    %max3A = arith.constant 0.000000e+00 : f32
    %max3A_34 = vector.broadcast %max3A : f32 to vector<512x128xf32>
    %max3A_35 = arith.maximumf %add3A_33, %max3A_34 : vector<512x128xf32>
    %swap3A = arith.constant 0 : index
    %swap3A_36 = arith.constant 0 : index
    %swap3A_37 = vector.load %arg5[%swap3A, %swap3A_36] : memref<512x128xf32, #tpu.memory_space<vmem>>, vector<512x128xf32>
    tpu.vector_store %arg5[%swap3A, %swap3A_36], %max3A_35 {strides = array<i32>} : memref<512x128xf32, #tpu.memory_space<vmem>>, vector<512x128xf32>,
    return
  }
  func.func @transform_0(%arg0: i32) -> (i32, i32, i32) {
    %c0_i32 = arith.constant 0 : i32
    %c0_i32_0 = arith.constant 0 : i32
    %c0_i32_1 = arith.constant 0 : i32
    return %c0_i32, %arg0, %c0_i32_0 : i32, i32, i32
  }
  func.func @transform_1(%arg0: i32) -> (i32, i32) {
    %c0_i32 = arith.constant 0 : i32
    %c0_i32_0 = arith.constant 0 : i32
    return %arg0, %c0_i32 : i32, i32
  }
  func.func @transform_2(%arg0: i32) -> (i32, i32, i32) {
    %c0_i32 = arith.constant 0 : i32
    %c0_i32_0 = arith.constant 0 : i32
    %c0_i32_1 = arith.constant 0 : i32
    return %c0_i32, %arg0, %c0_i32_0 : i32, i32, i32
  }
  func.func @transform_3(%arg0: i32) -> (i32, i32) {
    %c0_i32 = arith.constant 0 : i32
    %c0_i32_0 = arith.constant 0 : i32
    %c0_i32_1 = arith.constant 0 : i32
    return %c0_i32, %c0_i32_0 : i32, i32
  }
  func.func @transform_4(%arg0: i32) -> (i32, i32) {
    %c0_i32 = arith.constant 0 : i32
    %c0_i32_0 = arith.constant 0 : i32
    return %arg0, %c0_i32 : i32, i32
  }
}

</mosaic_0001>

<sc_bundles>
// kernel: kernel.11.cloned.1.call-start
scs
__scs_entry_jumppad:
0x0: {  	(pc) =	sbr.rel $0x88, $3  }
0x1: {  	(tag) =	ssettag $0x0;
	lr =	simm.s32 $0x1  }
0x2: {  	[smem:$0x3F9B] =	sst lr;
	_ =	strace $0xD0000000  }
0x3: {  	_ = 	snop  }
0x4: {  	_ = 	snop  }
0x5: {  	_ = 	snop  }
0x6: {  	_ = 	snop  }
0x7: {  	_ = 	snop  }
__scs_overlays_trampoline_lowered:
0x8: {  	[smem:$0x3FAA] =	sst s0  }
0x9: {  	[smem:$0x3FAB] =	sst s1  }
0xa: {  	[smem:$0x3FAC] =	sst s2  }
0xb: {  	[smem:$0x3FAD] =	sst s3  }
0xc: {  	[smem:$0x3FAE] =	sst s4  }
0xd: {  	[smem:$0x3FAF] =	sst s5  }
0xe: {  	[smem:$0x3FB0] =	sst s6  }
0xf: {  	[smem:$0x3FB1] =	sst s7  }
0x10: {  	[smem:$0x3FB2] =	sst s8  }
0x11: {  	[smem:$0x3FB3] =	sst s9;
	s0 =	simm.s32 @!p0 $0x0  }
0x12: {  	s1 =	sld [smem:$0x3F99];
	s0 =	simm.s32 @p0 $0x1  }
0x13: {  	[smem:$0x3FB4] =	sst s0;
	s0 =	simm.s32 @!p1 $0x0  }
0x14: {  	s2 =	sld [smem:$0x3F98];
	s0 =	simm.s32 @p1 $0x1  }
0x15: {  	[smem:$0x3FB5] =	sst s0;
	s0 =	simm.s32 @!p2 $0x0  }
0x16: {  	s3 =	sld [smem:$0x3FDB];
	s0 =	simm.s32 @p2 $0x1  }
0x17: {  	s4 =	simm.s32 $0x1BF5;
	[smem:$0x3FB7] =	sst s0  }
0x18: {  	s0 =	sld [smem:$0x3F9A];
	_ =	swait.ge [sflag:s4], $0x0  }
0x19: {  	s7 =	sld [smem:$0x3F9B]  }
0x1a: {  	s8 =	sadd.s32 $0xFFFFE003, lr  }
0x1b: {  	s9 =	sadd.s32 $0xFFFFFEF7, lr;
	s5 =	simm.s32 $0xFFFFFFFF;
	p2 =	slt.u32 s8, $0xFFFFF086  }
0x1c: {  	p1 =	slt.u32 s9, $0xF7A;
	s5 =	simm.s32 @!p2 $0x0  }
0x1d: {  	s5 =	simm.s32 @p1 $0x1;
	p0 =	seq.s32 s7, s2  }
0x1e: {  	s7 =	smul.u32 @!p0 $0xF7A, s2;
	p2 =	seq.s32 @!p0 s5, $0x0  }
0x1f: {  	s9 =	smul.u32 $0xF7A, s1;
	s8 =	simm.s32 @!p0 $0x1BF5;
	p2 =	por !p2, p0  }
0x20: {  	[sflag:s8] =	ssyncset.s32 @!p0 $0xFFFFF086;
	s6 =	sadd.s32 @!p0 s3, s7;
	s7 =	simm.s32 @!p0 $0x108  }
0x21: {  	s3 =	sadd.s32 s3, s9;
	s6 =	sadd.s32 @!p0 $0x88, s6;
	s7 =	simm.s32 @p2 $0x1082  }
0x22: {  	[simem:s7], [sflag:s8] =	dma.local @!p0 [hbm:s6], $0xF7A  }
0x23: {  	s9 =	sor.u32 $0xD0000000, s2;
	s6 =	simm.s32 $0x108;
	_ =	swait.ge @!p0 [sflag:s8], $0x0  }
0x24: {  	s3 =	sadd.s32 $0x88, s3;
	s6 =	simm.s32 @!p1 $0x1082;
	[sflag:s4] =	ssyncset.s32 $0xFFFFF086  }
0x25: {  	[simem:s6], [sflag:s4] =	dma.local [hbm:s3], $0xF7A  }
0x26: {  	[smem:$0x3F9B] =	sst s1;
	(tag) =	ssettag s2;
	_ =	strace s9  }
0x27: {  	s1 =	sld [smem:$0x3FAB]  }
0x28: {  	s2 =	sld [smem:$0x3FAC]  }
0x29: {  	s4 =	sld [smem:$0x3FAE]  }
0x2a: {  	p0 =	seq.s32 s5, $0x0;
	s5 =	sld [smem:$0x3FAF]  }
0x2b: {  	s6 =	sld [smem:$0x3FB0]  }
0x2c: {  	s7 =	sld [smem:$0x3FB1]  }
0x2d: {  	s3 =	simm.s32 $0x108;
	s8 =	sld [smem:$0x3FB2]  }
0x2e: {  	s3 =	simm.s32 @!p0 $0x1082;
	s9 =	sld [smem:$0x3FB3]  }
0x2f: {  	lr =	sadd.s32 s0, s3;
	s0 =	sld [smem:$0x3FAA]  }
0x30: {  	s3 =	sld [smem:$0x3FAD]  }
0x31: {  	[smem:$0x3FB6] =	sst s10  }
0x32: {  	s10 =	sld [smem:$0x3FB4];
	_ =	sdelay $0x3  }
0x33: {  	p0 =	seq.s32 s10, $0x1;
	s10 =	sld [smem:$0x3FB6];
	_ =	sdelay $0x3  }
0x34: {  	[smem:$0x3FB6] =	sst s10  }
0x35: {  	s10 =	sld [smem:$0x3FB5];
	_ =	sdelay $0x3  }
0x36: {  	p1 =	seq.s32 s10, $0x1;
	s10 =	sld [smem:$0x3FB6];
	_ =	sdelay $0x3  }
0x37: {  	[smem:$0x3FB6] =	sst s10  }
0x38: {  	s10 =	sld [smem:$0x3FB7]  }
0x39: {  	_ = 	snop;
	(pc) =	sbr.ind lr, $3  }
0x3a: {  	_ = 	snop  }
0x3b: {  	_ = 	snop  }
0x3c: {  	p2 =	seq.s32 s10, $0x1;
	s10 =	sld [smem:$0x3FB6]  }
0x3d: {  	_ =	shalt  }
0x3e: {  	_ =	shalt  }
0x3f: {  	_ =	shalt  }
0x40: {  	_ =	shalt  }
0x41: {  	_ =	shalt  }
0x42: {  	_ =	shalt  }
0x43: {  	_ =	shalt  }
0x44: {  	_ =	shalt  }
0x45: {  	_ =	shalt  }
0x46: {  	_ =	shalt  }
0x47: {  	_ =	shalt  }
0x48: {  	_ =	shalt  }
0x49: {  	_ =	shalt  }
0x4a: {  	_ =	shalt  }
0x4b: {  	_ =	shalt  }
0x4c: {  	_ =	shalt  }
0x4d: {  	_ =	shalt  }
0x4e: {  	_ =	shalt  }
0x4f: {  	_ =	shalt  }
0x50: {  	_ =	shalt  }
0x51: {  	_ =	shalt  }
0x52: {  	_ =	shalt  }
0x53: {  	_ =	shalt  }
0x54: {  	_ =	shalt  }
0x55: {  	_ =	shalt  }
0x56: {  	_ =	shalt  }
0x57: {  	_ =	shalt  }
0x58: {  	_ =	shalt  }
0x59: {  	_ =	shalt  }
0x5a: {  	_ =	shalt  }
0x5b: {  	_ =	shalt  }
0x5c: {  	_ =	shalt  }
0x5d: {  	_ =	shalt  }
0x5e: {  	_ =	shalt  }
0x5f: {  	_ =	shalt  }
0x60: {  	_ =	shalt  }
0x61: {  	_ =	shalt  }
0x62: {  	_ =	shalt  }
0x63: {  	_ =	shalt  }
0x64: {  	_ =	shalt  }
0x65: {  	_ =	shalt  }
0x66: {  	_ =	shalt  }
0x67: {  	_ =	shalt  }
0x68: {  	_ =	shalt  }
0x69: {  	_ =	shalt  }
0x6a: {  	_ =	shalt  }
0x6b: {  	_ =	shalt  }
0x6c: {  	_ =	shalt  }
0x6d: {  	_ =	shalt  }
0x6e: {  	_ =	shalt  }
0x6f: {  	_ =	shalt  }
0x70: {  	_ =	shalt  }
0x71: {  	_ =	shalt  }
0x72: {  	_ =	shalt  }
0x73: {  	_ =	shalt  }
0x74: {  	_ =	shalt  }
0x75: {  	_ =	shalt  }
0x76: {  	_ =	shalt  }
0x77: {  	_ =	shalt  }
0x78: {  	_ =	shalt  }
0x79: {  	_ =	shalt  }
0x7a: {  	_ =	shalt  }
0x7b: {  	_ =	shalt  }
0x7c: {  	_ =	shalt  }
0x7d: {  	_ =	shalt  }
0x7e: {  	_ =	shalt  }
0x7f: {  	_ =	shalt  }
0x80: {  	_ =	shalt  }
0x81: {  	_ =	shalt  }
0x82: {  	_ =	shalt  }
0x83: {  	_ =	shalt  }
0x84: {  	_ =	shalt  }
0x85: {  	_ =	shalt  }
0x86: {  	_ =	shalt  }
0x87: {  	_ =	shalt  }
.Lfunc_end0:
.L_simem_size_0:
called_computation.1_lowered:
.L_overlay_start_0:
0x88: {  	s2 =	sld [smem:$0x3FD9]  }
0x89: {  	s3 =	sld [smem:$0x3FFE];
	_ =	sdelay $0x1  }
0x8a: {  	s1 =	srdreg.scid  }
0x8b: {  	s0 =	sand.u32 $0x1, s1  }
0x8c: {  	s17 =	sshll.u32 s0, $0xA;
	s2 =	sadd.s32 s3, s2  }
0x8d: {  	s2 =	sadd.s32 s2, s17  }
0x8e: {  	[smem:$0x3FC2] =	sst s2  }
0x8f: {  	_ = 	snop  }
0x90: {  	s2 =	sld [smem:$0x3FD0];
	(tm) =	ssettm $0x1  }
0x91: {  	s18 =	sld [smem:$0x3FFB];
	_ =	sdelay $0x3  }
0x92: {  	_ =	strace s18  }
0x93: {  	s3 =	sld [smem:$0x3FFC];
	_ =	sdelay $0x3  }
0x94: {  	_ =	strace s3  }
0x95: {  	s3 =	sld [smem:$0x3FFD];
	_ =	sdelay $0x3  }
0x96: {  	_ =	strace s3  }
0x97: {  	_ =	strace $0x8FFFFFFF  }
0x98: {  	s19 =	sld [smem:$0x3FDB];
	_ =	sdelay $0x1  }
0x99: {  	s4 =	simm.s32 $_scs_section_size  }
0x9a: {  	s5 =	simm.s32 $_size__tile_overlayer_lowered;
	s6 =	simm.s32 $_tile_overlayer_lowered  }
0x9b: {  	s22 =	simm.s32 $0x1BFF;
	s21 =	sshll.u32 s6, $0x1;
	s3 =	sadd.s32 s4, s19  }
0x9c: {  	s7 =	simm.s32 $0x0;
	s20 =	sshll.u32 s5, $0x1;
	s5 =	sadd.s32 s21, s3  }
0x9d: {  	[timem:s7], [sflag:s22] =	dma.local [hbm:s5], s20  }
0x9e: {  	_ =	swait.ge [sflag:s22], s20  }
0x9f: {  	s4 =	ssub.s32 $0x0, s20;
	[sflag:s22] =	ssyncset.done $0x0  }
0xa0: {  	[sflag:s22] =	ssyncadd.s32 s4;
	_ =	sdelay $0x1  }
0xa1: {  	s23 =	simm.s32 $0x1B8B  }
0xa2: {  	_ =	swait.ge [sflag:s23], $0x1  }
0xa3: {  	[sflag:s23] =	ssyncset.done $0x0  }
0xa4: {  	s25 =	simm.s32 $0x1B8E;
	s24 =	sld [smem:$0x3FFE];
	[sflag:s23] =	ssyncadd.s32 $0xFFFFFFFF  }
0xa5: {  	s26 =	simm.s32 $execute0_lowered;
	[smem:$0x3FD2] =	sst s25  }
0xa6: {  	s5 =	sshll.u32 s26, $0x1;
	_ =	strace $0x80000049;
	[dreg:$0x1] =	wrdreg $0xFFFFFFFF  }
0xa7: {  	s28 =	simm.s32 $_size_execute0_lowered;
	s3 =	sadd.s32 s3, s5;
	[dreg:$0x0] =	wrdreg $0x0  }
0xa8: {  	s5 =	sshll.u32 s28, $0x1;
	[dreg:$0x2] =	wrdreg s3  }
0xa9: {  	[dreg:$0x3] =	wrdreg s5  }
0xaa: {  	[dreg:$0x4] =	wrdreg $0xC0  }
0xab: {  	_ =	task [dreg:s7], $0x5FFFF  }
0xac: {  	[dreg:$0x1] =	wrdreg $0xFFFFFFFF  }
0xad: {  	[dreg:$0x0] =	wrdreg $0x60  }
0xae: {  	[dreg:$0x2] =	wrdreg s24  }
0xaf: {  	[dreg:$0x3] =	wrdreg s2  }
0xb0: {  	[dreg:$0x4] =	wrdreg $0xA8800  }
0xb1: {  	[dreg:$0x5] =	wrdreg $0x9  }
0xb2: {  	_ =	task.clear_ibuf [dreg:s7], $0x6FFFF;
	_ =	strace $0x90000049  }
0xb3: {  	s29 =	simm.s32 $0x9;
	_ =	strace $0x8000004B  }
0xb4: {  	_ =	swait.ge [sflag:s29], $0x1  }
0xb5: {  	[sflag:s29] =	ssyncadd.s32 $0xFFFFFFFF  }
0xb6: {  	_ =	strace $0x9000004B  }
0xb7: {  	_ =	sfence  }
0xb8: {  	s30 =	sld [smem:$0x0];
	_ =	sdelay $0x2  }
0xb9: {  	s31 =	sshll.u32 s1, $0xD;
	s1 =	sshrl.u32 s1, $0x2  }
0xba: {  	s3 =	sand.u32 $0x4000, s31;
	s1 =	sadd.s32 s1, s30  }
0xbb: {  	s0 =	sor.u32 s3, s0;
	s1 =	sshll.u32 s1, $0x11  }
0xbc: {  	s0 =	sor.u32 s1, s0  }
0xbd: {  	s0 =	sadd.s32 $0x8F2B, s0  }
0xbe: {  	[sflag:s0] =	ssyncadd.remote.s32 $0x1  }
0xbf: {  	_ =	sfence.sel $0xFFFF  }
0xc0: {  	[dreg:$0x0] =	wrdreg $0xFFFFFFFF;
	(pc) =	sbr.abs _section_cstart, $3  }
0xc1: {  	[dreg:$0x1] =	wrdreg $0xFFFFFFFF  }
0xc2: {  	_ =	task.clear_ibuf [dreg:s7], $0x2FFFF;
	_ =	strace $0x9FFFFFFF  }
0xc3: {  	(tm) =	ssettm $0x7FFFFFFF  }
tec
execute0_lowered:
.L_overlay_start_1:
0x0: {  	(tag) =	ssettag $0x1  }
0x1: {  	s0 =	rddreg [dreg:$0x0]  }
0x2: {  	s2 =	rddreg [dreg:$0x1]  }
0x3: {  	s4 =	srdreg.scid;
	s3 =	rddreg [dreg:$0x2]  }
0x4: {  	s1 =	stileid.u32;
	s18 =	simm.s32 $0x3;
	s19 =	simm.s32 $0x1  }
0x5: {  	s20 =	simm.s32 $0x80;
	s21 =	simm.s32 $0x6880;
	s22 =	simm.s32 $0x2  }
0x6: {  	s23 =	simm.s32 $0x2780;
	s24 =	simm.s32 $0x2800;
	s29 =	smul.u32 $0x14000, s1  }
0x7: {  	s25 =	simm.s32 $0x0;
	s11 =	sand.u32 $0x1, s4;
	s8 =	smul.u32 $0x50000, s1  }
0x8: {  	s5 =	sshll.u32 s1, $0x1;
	s4 =	simm.s32 $0x0;
	s16 =	smul.u32 $0xA00, s1  }
0x9: {  	s6 =	smul.u32 $0x140000, s11;
	s7 =	sor.u32 s11, s5;
	[smem:$0x7FF] =	sst s4  }
0xa: {  	s5 =	sadd.s32 $0x5CA00, s0;
	s9 =	ssub.s32 $0x2, s11;
	s17 =	smul.u32 $0x500, s11  }
0xb: {  	s12 =	smul.u32 $0x500, s7;
	_ =	strace $0x8000004A;
	s30 =	sshrl.u32 s8, $0x2  }
0xc: {  	s31 =	sshrl.u32 s9, $0x1;
	s10 =	smul.u32 $0x2800, s7;
	s6 =	sadd.s32 s29, s6  }
0xd: {  	s15 =	ssub.s32 s9, s31;
	s16 =	sadd.s32 s17, s16;
	s17 =	simm.s32 $0x2880  }
0xe: {  	s13 =	sadd.s32 s12, s0;
	s6 =	sshrl.u32 s6, $0x3;
	s14 =	sshrl.u32 s10, $0x3  }
0xf: {  	s12 =	sadd.s32 s2, s12;
	s15 =	smax.u32 s15, $0x1;
	s0 =	sadd.s32 s6, s0  }
0x10: {  	s6 =	sadd.s32 s30, s3;
	s14 =	sadd.s32 s2, s14;
	s11 =	sadd.s32 $0x2A00, s13  }
0x11: {  	s7 =	sadd.s32 $0x4000, s6;
	s8 =	sadd.s32 $0x8000, s6;
	s9 =	sadd.s32 $0xC000, s6  }
0x12: {  	v0 =	vimm.f32 $0.0e+00;
	s10 =	sadd.s32 $0x10000, s6;
	s13 =	sadd.s32 $0x4F0, s14;
	s14 =	sadd.s32 $0x84A00, s0  }
.LBB2_1:
0x13: {  	s26 =	simm.s32 $0x0;
	s28 =	simm.s32 $0x200  }
.LBB2_2:
0x14: {  	p0 =	sne.s32 s28, $0xFE00;
	[tilespmem:s26+$0x28F0] =	vst v0  }
0x15: {  	[tilespmem:s26+$0x2880] =	vst v0  }
0x16: {  	[tilespmem:s26+$0x2890] =	vst v0  }
.Ltmp0:
0x17: {  	[tilespmem:s26+$0x28A0] =	vst v0;
	(pc) =	sbr.rel @p0 .LBB2_2-.Ltmp0, $4  }
0x18: {  	[tilespmem:s26+$0x28B0] =	vst v0  }
0x19: {  	[tilespmem:s26+$0x28C0] =	vst v0  }
0x1a: {  	[tilespmem:s26+$0x28D0] =	vst v0  }
0x1b: {  	[tilespmem:s26+$0x28E0] =	vst v0;
	s26 =	sshra.s32 s28, $0x2;
	s28 =	sadd.s32 $0x200, s28  }
0x1c: {  	[tilespmem:s26+$0x28F0] =	vst v0  }
0x1d: {  	[tilespmem:s26+$0x2880] =	vst v0  }
0x1e: {  	[tilespmem:s26+$0x2890] =	vst v0  }
0x1f: {  	[tilespmem:s26+$0x28A0] =	vst v0  }
0x20: {  	[tilespmem:s26+$0x28B0] =	vst v0  }
0x21: {  	[tilespmem:s26+$0x28C0] =	vst v0  }
0x22: {  	[tilespmem:s26+$0x28D0] =	vst v0  }
0x23: {  	[tilespmem:s26+$0x28E0] =	vst v0  }
0x24: {  	[spmem:s6] =	stream.linear.scatter [tilespmem:s17], [sflag:$0x3], $0x4000, $0x38;
	[tilespmem:$0x1E880] =	vst v63  }
0x25: {  	_ =	swait.ge [sflag:s18], $0x4000  }
0x26: {  	[sflag:s18] =	ssyncset.done $0x0  }
0x27: {  	[sflag:s18] =	ssyncadd.s32 $0xFFFFC000  }
0x28: {  	[spmem:s7] =	stream.linear.scatter [tilespmem:s17], [sflag:$0x3], $0x4000, $0x38;
	[tilespmem:$0x1E880] =	vst v63  }
0x29: {  	_ =	swait.ge [sflag:s18], $0x4000  }
0x2a: {  	[sflag:s18] =	ssyncset.done $0x0  }
0x2b: {  	[sflag:s18] =	ssyncadd.s32 $0xFFFFC000  }
0x2c: {  	[spmem:s8] =	stream.linear.scatter [tilespmem:s17], [sflag:$0x3], $0x4000, $0x38;
	[tilespmem:$0x1E880] =	vst v63  }
0x2d: {  	_ =	swait.ge [sflag:s18], $0x4000  }
0x2e: {  	[sflag:s18] =	ssyncset.done $0x0  }
0x2f: {  	[sflag:s18] =	ssyncadd.s32 $0xFFFFC000  }
0x30: {  	[spmem:s9] =	stream.linear.scatter [tilespmem:s17], [sflag:$0x3], $0x4000, $0x38;
	[tilespmem:$0x1E880] =	vst v63  }
0x31: {  	_ =	swait.ge [sflag:s18], $0x4000  }
0x32: {  	[sflag:s18] =	ssyncset.done $0x0  }
0x33: {  	[sflag:s18] =	ssyncadd.s32 $0xFFFFC000  }
0x34: {  	[spmem:s10] =	stream.linear.scatter [tilespmem:s17], [sflag:$0x3], $0x4000, $0x38;
	[tilespmem:$0x1E880] =	vst v63  }
0x35: {  	_ =	swait.ge [sflag:s18], $0x4000  }
0x36: {  	[sflag:s18] =	ssyncset.done $0x0  }
0x37: {  	s0 =	simm.s32 $0x80;
	[sflag:s18] =	ssyncadd.s32 $0xFFFFC000  }
0x38: {  	[tilespmem:s0], [sflag:$0x3] =	stream.linear.gather [hbm4b:s11+s4], $0x2800, $0x38;
	[tilespmem:$0x1E880] =	vst v63  }
0x39: {  	_ =	swait.ge [sflag:s18], $0x2800  }
0x3a: {  	[sflag:s18] =	ssyncset.done $0x0  }
0x3b: {  	[sflag:s18] =	ssyncadd.s32 $0xFFFFD800  }
0x3c: {  	[bflag:$0x0] =	sbarrier.arrive $0xFFFF  }
0x3d: {  	[tilespmem:s4], [sflag:$0x3] =	stream.linear.gather [hbm4b:s12+s4], $0x80, $0x38;
	[tilespmem:$0x1E880] =	vst v63  }
0x3e: {  	_ =	swait.ge [sflag:s18], $0x80  }
0x3f: {  	[sflag:s18] =	ssyncset.done $0x0  }
0x40: {  	s26 =	sadd.s32 $0x20, s16;
	s28 =	simm.s32 $0x10;
	[sflag:s18] =	ssyncadd.s32 $0xFFFFFF80  }
0x41: {  	[tilespmem:s17], [sflag:$0x1] =	stream.indirect.gather [hbm4b:s5+s0], $0x80, s4, s0, $0xb8;
	[tilespmem:$0x1E880] =	vst v63  }
0x42: {  	s29 =	sadd.s32 $0xFFFFFFE0, s26;
	s28 =	sand.u32 $0x70, s28;
	_ =	swait.ge [sflag:s19], $0x4000  }
0x43: {  	s29 =	sand.u32 $0xFFFFF80, s29;
	s28 =	sadd.s32 s2, s28;
	[sflag:s19] =	ssyncset.done $0x0  }
0x44: {  	s28 =	sadd.s32 s29, s28;
	[sflag:s19] =	ssyncadd.s32 $0xFFFFC000  }
0x45: {  	[tilespmem:s4], [sflag:$0x3] =	stream.linear.gather [hbm4b:s28+s4], $0x80, $0x38;
	[tilespmem:$0x1E880] =	vst v63  }
0x46: {  	_ =	swait.ge [sflag:s18], $0x80  }
0x47: {  	[sflag:s18] =	ssyncset.done $0x0  }
0x48: {  	[sflag:s18] =	ssyncadd.s32 $0xFFFFFF80  }
0x49: {  	[tilespmem:s21], [sflag:$0x2] =	stream.indirect.gather [hbm4b:s5+s20], $0x80, s4, s20, $0xb8;
	[tilespmem:$0x1E880] =	vst v63  }
0x4a: {  	_ = 	snop  }
0x4b: {  	[spmem:s3] =	stream.indirect.scatter.add.f32 [tilespmem:s17], [sflag:$0x3], $0x80, s0, s20, $0xb8;
	[tilespmem:$0x1E880] =	vst v63  }
0x4c: {  	_ =	swait.ge [sflag:s18], $0x4000  }
0x4d: {  	[sflag:s18] =	ssyncset.done $0x0  }
0x4e: {  	s0 =	simm.s32 $0x20;
	[sflag:s18] =	ssyncadd.s32 $0xFFFFC000  }
0x4f: {  	s0 =	sand.u32 $0x60, s0;
	_ =	swait.ge [sflag:s22], $0x4000  }
0x50: {  	s26 =	sand.u32 $0xFFFFF80, s26;
	s0 =	sadd.s32 s2, s0;
	[sflag:s22] =	ssyncset.done $0x0  }
0x51: {  	s0 =	sadd.s32 s26, s0;
	[sflag:s22] =	ssyncadd.s32 $0xFFFFC000  }
0x52: {  	[tilespmem:s4], [sflag:$0x3] =	stream.linear.gather [hbm4b:s0+s4], $0x80, $0x38;
	[tilespmem:$0x1E880] =	vst v63  }
0x53: {  	_ =	swait.ge [sflag:s18], $0x80  }
0x54: {  	[sflag:s18] =	ssyncset.done $0x0  }
0x55: {  	[sflag:s18] =	ssyncadd.s32 $0xFFFFFF80  }
0x56: {  	[tilespmem:s17], [sflag:$0x1] =	stream.indirect.gather [hbm4b:s5+s20], $0x80, s4, s20, $0xb8;
	[tilespmem:$0x1E880] =	vst v63  }
0x57: {  	s30 =	sadd.s32 $0x40, s16;
	s26 =	simm.s32 $0x100  }
0x58: {  	[spmem:s3] =	stream.indirect.scatter.add.f32 [tilespmem:s21], [sflag:$0x3], $0x80, s26, s20, $0xb8;
	[tilespmem:$0x1E880] =	vst v63  }
0x59: {  	s31 =	sadd.s32 $0xFFFFFFE0, s30;
	_ =	swait.ge [sflag:s18], $0x4000  }
0x5a: {  	s31 =	sand.u32 $0xFFFFF80, s31;
	[sflag:s18] =	ssyncset.done $0x0  }
0x5b: {  	s29 =	simm.s32 $0x60;
	s0 =	simm.s32 $0x30;
	[sflag:s18] =	ssyncadd.s32 $0xFFFFC000  }
0x5c: {  	s28 =	simm.s32 $0x40;
	s0 =	sand.u32 $0x70, s0;
	_ =	swait.ge [sflag:s19], $0x4000  }
0x5d: {  	s0 =	sadd.s32 s2, s0;
	s26 =	simm.s32 $0x180;
	[sflag:s19] =	ssyncset.done $0x0  }
.LBB2_4:
0x5e: {  	s0 =	sadd.s32 s31, s0  }
0x5f: {  	s30 =	sand.u32 $0xFFFFF80, s30;
	[sflag:s19] =	ssyncadd.s32 $0xFFFFC000;
	s31 =	smov.u32 s29  }
0x60: {  	[tilespmem:s4], [sflag:$0x3] =	stream.linear.gather [hbm4b:s0+s4], $0x80, $0x38;
	[tilespmem:$0x1E880] =	vst v63  }
0x61: {  	p0 =	sne.s32 s29, $0x4E0;
	s29 =	sadd.s32 $0x20, s29;
	_ =	swait.ge [sflag:s18], $0x80  }
0x62: {  	[sflag:s18] =	ssyncset.done $0x0  }
0x63: {  	[sflag:s18] =	ssyncadd.s32 $0xFFFFFF80  }
0x64: {  	[tilespmem:s21], [sflag:$0x2] =	stream.indirect.gather [hbm4b:s5+s20], $0x80, s4, s20, $0xb8;
	[tilespmem:$0x1E880] =	vst v63  }
0x65: {  	_ = 	snop  }
0x66: {  	[spmem:s3] =	stream.indirect.scatter.add.f32 [tilespmem:s17], [sflag:$0x3], $0x80, s26, s20, $0xb8;
	[tilespmem:$0x1E880] =	vst v63  }
0x67: {  	_ =	swait.ge [sflag:s18], $0x4000  }
0x68: {  	[sflag:s18] =	ssyncset.done $0x0  }
0x69: {  	[sflag:s18] =	ssyncadd.s32 $0xFFFFC000  }
0x6a: {  	s0 =	sand.u32 $0x60, s28;
	s28 =	smov.u32 s31;
	_ =	swait.ge [sflag:s22], $0x4000  }
0x6b: {  	s0 =	sadd.s32 s2, s0;
	[sflag:s22] =	ssyncset.done $0x0  }
0x6c: {  	s0 =	sadd.s32 s30, s0;
	[sflag:s22] =	ssyncadd.s32 $0xFFFFC000  }
0x6d: {  	[tilespmem:s4], [sflag:$0x3] =	stream.linear.gather [hbm4b:s0+s4], $0x80, $0x38;
	[tilespmem:$0x1E880] =	vst v63  }
0x6e: {  	_ =	swait.ge [sflag:s18], $0x80  }
0x6f: {  	[sflag:s18] =	ssyncset.done $0x0  }
0x70: {  	[sflag:s18] =	ssyncadd.s32 $0xFFFFFF80  }
0x71: {  	[tilespmem:s17], [sflag:$0x1] =	stream.indirect.gather [hbm4b:s5+s20], $0x80, s4, s20, $0xb8;
	[tilespmem:$0x1E880] =	vst v63  }
0x72: {  	s0 =	sadd.s32 $0x80, s26  }
0x73: {  	[spmem:s3] =	stream.indirect.scatter.add.f32 [tilespmem:s21], [sflag:$0x3], $0x80, s0, s20, $0xb8;
	[tilespmem:$0x1E880] =	vst v63  }
.Ltmp1:
0x74: {  	_ =	swait.ge [sflag:s18], $0x4000;
	(pc) =	sbr.rel @p0 .LBB2_4-.Ltmp1, $4  }
0x75: {  	s26 =	sadd.s32 $0x100, s26;
	[sflag:s18] =	ssyncset.done $0x0  }
0x76: {  	s30 =	sadd.s32 s28, s16;
	s0 =	sadd.s32 $0xFFFFFFF0, s28;
	[sflag:s18] =	ssyncadd.s32 $0xFFFFC000  }
0x77: {  	s31 =	sadd.s32 $0xFFFFFFE0, s30;
	s0 =	sand.u32 $0x70, s0;
	_ =	swait.ge [sflag:s19], $0x4000  }
0x78: {  	s31 =	sand.u32 $0xFFFFF80, s31;
	s0 =	sadd.s32 s2, s0;
	[sflag:s19] =	ssyncset.done $0x0  }
0x79: {  	s0 =	sadd.s32 s31, s0;
	[sflag:s19] =	ssyncadd.s32 $0xFFFFC000  }
0x7a: {  	[tilespmem:s4], [sflag:$0x3] =	stream.linear.gather [hbm4b:s0+s4], $0x80, $0x38;
	[tilespmem:$0x1E880] =	vst v63  }
0x7b: {  	_ =	swait.ge [sflag:s18], $0x80  }
0x7c: {  	[sflag:s18] =	ssyncset.done $0x0  }
0x7d: {  	[sflag:s18] =	ssyncadd.s32 $0xFFFFFF80  }
0x7e: {  	[tilespmem:s21], [sflag:$0x2] =	stream.indirect.gather [hbm4b:s5+s20], $0x80, s4, s20, $0xb8;
	[tilespmem:$0x1E880] =	vst v63  }
0x7f: {  	_ = 	snop  }
0x80: {  	[spmem:s3] =	stream.indirect.scatter.add.f32 [tilespmem:s17], [sflag:$0x3], $0x80, s26, s20, $0xb8;
	[tilespmem:$0x1E880] =	vst v63  }
0x81: {  	_ =	swait.ge [sflag:s18], $0x4000  }
0x82: {  	[sflag:s18] =	ssyncset.done $0x0  }
0x83: {  	[sflag:s18] =	ssyncadd.s32 $0xFFFFC000  }
0x84: {  	s29 =	sand.u32 $0x60, s28;
	_ =	swait.ge [sflag:s22], $0x4000  }
0x85: {  	s31 =	sand.u32 $0xFFFFF80, s30;
	s0 =	sadd.s32 s2, s29;
	[sflag:s22] =	ssyncset.done $0x0  }
0x86: {  	s0 =	sadd.s32 s31, s0;
	[sflag:s22] =	ssyncadd.s32 $0xFFFFC000  }
0x87: {  	[tilespmem:s4], [sflag:$0x3] =	stream.linear.gather [hbm4b:s0+s4], $0x80, $0x38;
	[tilespmem:$0x1E880] =	vst v63  }
0x88: {  	_ =	swait.ge [sflag:s18], $0x80  }
0x89: {  	[sflag:s18] =	ssyncset.done $0x0  }
0x8a: {  	[sflag:s18] =	ssyncadd.s32 $0xFFFFFF80  }
0x8b: {  	[tilespmem:s17], [sflag:$0x1] =	stream.indirect.gather [hbm4b:s5+s20], $0x80, s4, s20, $0xb8;
	[tilespmem:$0x1E880] =	vst v63  }
0x8c: {  	s29 =	sadd.s32 $0x80, s26  }
0x8d: {  	[spmem:s3] =	stream.indirect.scatter.add.f32 [tilespmem:s21], [sflag:$0x3], $0x80, s29, s20, $0xb8;
	[tilespmem:$0x1E880] =	vst v63  }
0x8e: {  	_ =	swait.ge [sflag:s18], $0x4000  }
0x8f: {  	[sflag:s18] =	ssyncset.done $0x0  }
0x90: {  	[sflag:s18] =	ssyncadd.s32 $0xFFFFC000  }
0x91: {  	_ =	swait.ge [sflag:s19], $0x4000  }
0x92: {  	[sflag:s19] =	ssyncset.done $0x0  }
0x93: {  	[sflag:s19] =	ssyncadd.s32 $0xFFFFC000  }
0x94: {  	[tilespmem:s4], [sflag:$0x3] =	stream.linear.gather [hbm4b:s13+s4], $0x80, $0x38;
	[tilespmem:$0x1E880] =	vst v63  }
0x95: {  	_ =	swait.ge [sflag:s18], $0x80  }
0x96: {  	[sflag:s18] =	ssyncset.done $0x0  }
0x97: {  	[sflag:s18] =	ssyncadd.s32 $0xFFFFFF80  }
0x98: {  	[tilespmem:s21], [sflag:$0x2] =	stream.indirect.gather [hbm4b:s5+s20], $0x80, s4, s20, $0xb8;
	[tilespmem:$0x1E880] =	vst v63  }
0x99: {  	_ = 	snop  }
0x9a: {  	[spmem:s3] =	stream.indirect.scatter.add.f32 [tilespmem:s17], [sflag:$0x3], $0x80, s23, s20, $0xb8;
	[tilespmem:$0x1E880] =	vst v63  }
0x9b: {  	_ =	swait.ge [sflag:s18], $0x4000  }
0x9c: {  	[sflag:s18] =	ssyncset.done $0x0  }
0x9d: {  	[sflag:s18] =	ssyncadd.s32 $0xFFFFC000  }
0x9e: {  	_ =	swait.ge [sflag:s22], $0x4000  }
0x9f: {  	[sflag:s22] =	ssyncset.done $0x0  }
0xa0: {  	[sflag:s22] =	ssyncadd.s32 $0xFFFFC000  }
0xa1: {  	[spmem:s3] =	stream.indirect.scatter.add.f32 [tilespmem:s21], [sflag:$0x3], $0x80, s24, s20, $0xb8;
	[tilespmem:$0x1E880] =	vst v63  }
0xa2: {  	_ =	swait.ge [sflag:s18], $0x4000  }
0xa3: {  	s30 =	sshll.u32 s1, $0x6;
	s25 =	sadd.s32 $0x1, s25;
	[sflag:s18] =	ssyncset.done $0x0  }
0xa4: {  	p0 =	sne.s32 s25, s15;
	s31 =	sshrl.u32 s6, $0x3;
	[sflag:s18] =	ssyncadd.s32 $0xFFFFC000  }
.Ltmp2:
0xa5: {  	s0 =	sor.u32 $0x1C03, s30;
	[bflag:$0x0] =	sbarrier.arrive $0xFFFF;
	(pc) =	sbr.rel @p0 .LBB2_1-.Ltmp2, $4  }
0xa6: {  	[hbm:s14], [sflag:s0] =	dma.local [spmem:s31], $0x2800  }
0xa7: {  	_ =	swait.ge [sflag:s18], $0x2800  }
0xa8: {  	[sflag:s18] =	ssyncset.done $0x0  }
0xa9: {  	[sflag:s18] =	ssyncadd.s32 $0xFFFFD800  }
0xaa: {  	_ =	sfence.sel $0x180000  }
0xab: {  	[bflag:$0x0] =	sbarrier.arrive $0xFFFF  }
0xac: {  	_ =	strace $0x9000004A  }
0xad: {  	[bflag:$0x2] =	sbarrier.arrive $0xFFFF  }
0xae: {  	p0 =	sne.s32 s1, $0x0;
	s0 =	rddreg [dreg:$0x3]  }
0xaf: {  	s0 =	sadd.s32 @!p0 $0x100000, s0  }
0xb0: {  	[sflag:s0] =	ssyncadd.tile.s32 @!p0 $0x1;
	_ =	shalt  }
.Lfunc_end2:
_tile_overlayer_lowered:
.L_overlay_start_2:
0xb1: {  	(tag) =	ssettag $0x2  }
0xb2: {  	s0 =	rddreg [dreg:$0x0];
	s2 =	stileid.u32  }
0xb3: {  	s1 =	rddreg [dreg:$0x1];
	p0 =	sne.s32 s2, $0x0  }
0xb4: {  	s3 =	rddreg [dreg:$0x2];
	[bflag:$0x3] =	sbarrier.arrive $0xFFFF;
	s2 =	simm.s32 @!p0 $0x1C03  }
0xb5: {  	[timem:s3], [sflag:s2] =	dma.local @!p0 [hbm:s0], s1  }
0xb6: {  	s0 =	simm.s32 @!p0 $0x3  }
0xb7: {  	_ =	swait.ge @!p0 [sflag:s0], s1  }
0xb8: {  	s1 =	ssub.s32 @!p0 $0x0, s1;
	[sflag:s0] =	ssyncset.done @!p0 $0x0  }
0xb9: {  	[sflag:s0] =	ssyncadd.s32 @!p0 s1  }
0xba: {  	[bflag:$0x3] =	sbarrier.arrive $0xFFFF  }
0xbb: {  	_ =	shalt  }

// kernel: kernel.14.cloned.1.call-start
scs
__scs_entry_jumppad:
0x0: {  	(pc) =	sbr.rel $0x88, $3  }
0x1: {  	(tag) =	ssettag $0x0;
	lr =	simm.s32 $0x1  }
0x2: {  	[smem:$0x3F9B] =	sst lr;
	_ =	strace $0xD0000000  }
0x3: {  	_ = 	snop  }
0x4: {  	_ = 	snop  }
0x5: {  	_ = 	snop  }
0x6: {  	_ = 	snop  }
0x7: {  	_ = 	snop  }
__scs_overlays_trampoline_lowered:
0x8: {  	[smem:$0x3FAA] =	sst s0  }
0x9: {  	[smem:$0x3FAB] =	sst s1  }
0xa: {  	[smem:$0x3FAC] =	sst s2  }
0xb: {  	[smem:$0x3FAD] =	sst s3  }
0xc: {  	[smem:$0x3FAE] =	sst s4  }
0xd: {  	[smem:$0x3FAF] =	sst s5  }
0xe: {  	[smem:$0x3FB0] =	sst s6  }
0xf: {  	[smem:$0x3FB1] =	sst s7  }
0x10: {  	[smem:$0x3FB2] =	sst s8  }
0x11: {  	[smem:$0x3FB3] =	sst s9;
	s0 =	simm.s32 @!p0 $0x0  }
0x12: {  	s1 =	sld [smem:$0x3F99];
	s0 =	simm.s32 @p0 $0x1  }
0x13: {  	[smem:$0x3FB4] =	sst s0;
	s0 =	simm.s32 @!p1 $0x0  }
0x14: {  	s2 =	sld [smem:$0x3F98];
	s0 =	simm.s32 @p1 $0x1  }
0x15: {  	[smem:$0x3FB5] =	sst s0;
	s0 =	simm.s32 @!p2 $0x0  }
0x16: {  	s3 =	sld [smem:$0x3FDB];
	s0 =	simm.s32 @p2 $0x1  }
0x17: {  	s4 =	simm.s32 $0x1BF5;
	[smem:$0x3FB7] =	sst s0  }
0x18: {  	s0 =	sld [smem:$0x3F9A];
	_ =	swait.ge [sflag:s4], $0x0  }
0x19: {  	s7 =	sld [smem:$0x3F9B]  }
0x1a: {  	s8 =	sadd.s32 $0xFFFFE003, lr  }
0x1b: {  	s9 =	sadd.s32 $0xFFFFFEF7, lr;
	s5 =	simm.s32 $0xFFFFFFFF;
	p2 =	slt.u32 s8, $0xFFFFF086  }
0x1c: {  	p1 =	slt.u32 s9, $0xF7A;
	s5 =	simm.s32 @!p2 $0x0  }
0x1d: {  	s5 =	simm.s32 @p1 $0x1;
	p0 =	seq.s32 s7, s2  }
0x1e: {  	s7 =	smul.u32 @!p0 $0xF7A, s2;
	p2 =	seq.s32 @!p0 s5, $0x0  }
0x1f: {  	s9 =	smul.u32 $0xF7A, s1;
	s8 =	simm.s32 @!p0 $0x1BF5;
	p2 =	por !p2, p0  }
0x20: {  	[sflag:s8] =	ssyncset.s32 @!p0 $0xFFFFF086;
	s6 =	sadd.s32 @!p0 s3, s7;
	s7 =	simm.s32 @!p0 $0x108  }
0x21: {  	s3 =	sadd.s32 s3, s9;
	s6 =	sadd.s32 @!p0 $0x88, s6;
	s7 =	simm.s32 @p2 $0x1082  }
0x22: {  	[simem:s7], [sflag:s8] =	dma.local @!p0 [hbm:s6], $0xF7A  }
0x23: {  	s9 =	sor.u32 $0xD0000000, s2;
	s6 =	simm.s32 $0x108;
	_ =	swait.ge @!p0 [sflag:s8], $0x0  }
0x24: {  	s3 =	sadd.s32 $0x88, s3;
	s6 =	simm.s32 @!p1 $0x1082;
	[sflag:s4] =	ssyncset.s32 $0xFFFFF086  }
0x25: {  	[simem:s6], [sflag:s4] =	dma.local [hbm:s3], $0xF7A  }
0x26: {  	[smem:$0x3F9B] =	sst s1;
	(tag) =	ssettag s2;
	_ =	strace s9  }
0x27: {  	s1 =	sld [smem:$0x3FAB]  }
0x28: {  	s2 =	sld [smem:$0x3FAC]  }
0x29: {  	s4 =	sld [smem:$0x3FAE]  }
0x2a: {  	p0 =	seq.s32 s5, $0x0;
	s5 =	sld [smem:$0x3FAF]  }
0x2b: {  	s6 =	sld [smem:$0x3FB0]  }
0x2c: {  	s7 =	sld [smem:$0x3FB1]  }
0x2d: {  	s3 =	simm.s32 $0x108;
	s8 =	sld [smem:$0x3FB2]  }
0x2e: {  	s3 =	simm.s32 @!p0 $0x1082;
	s9 =	sld [smem:$0x3FB3]  }
0x2f: {  	lr =	sadd.s32 s0, s3;
	s0 =	sld [smem:$0x3FAA]  }
0x30: {  	s3 =	sld [smem:$0x3FAD]  }
0x31: {  	[smem:$0x3FB6] =	sst s10  }
0x32: {  	s10 =	sld [smem:$0x3FB4];
	_ =	sdelay $0x3  }
0x33: {  	p0 =	seq.s32 s10, $0x1;
	s10 =	sld [smem:$0x3FB6];
	_ =	sdelay $0x3  }
0x34: {  	[smem:$0x3FB6] =	sst s10  }
0x35: {  	s10 =	sld [smem:$0x3FB5];
	_ =	sdelay $0x3  }
0x36: {  	p1 =	seq.s32 s10, $0x1;
	s10 =	sld [smem:$0x3FB6];
	_ =	sdelay $0x3  }
0x37: {  	[smem:$0x3FB6] =	sst s10  }
0x38: {  	s10 =	sld [smem:$0x3FB7]  }
0x39: {  	_ = 	snop;
	(pc) =	sbr.ind lr, $3  }
0x3a: {  	_ = 	snop  }
0x3b: {  	_ = 	snop  }
0x3c: {  	p2 =	seq.s32 s10, $0x1;
	s10 =	sld [smem:$0x3FB6]  }
0x3d: {  	_ =	shalt  }
0x3e: {  	_ =	shalt  }
0x3f: {  	_ =	shalt  }
0x40: {  	_ =	shalt  }
0x41: {  	_ =	shalt  }
0x42: {  	_ =	shalt  }
0x43: {  	_ =	shalt  }
0x44: {  	_ =	shalt  }
0x45: {  	_ =	shalt  }
0x46: {  	_ =	shalt  }
0x47: {  	_ =	shalt  }
0x48: {  	_ =	shalt  }
0x49: {  	_ =	shalt  }
0x4a: {  	_ =	shalt  }
0x4b: {  	_ =	shalt  }
0x4c: {  	_ =	shalt  }
0x4d: {  	_ =	shalt  }
0x4e: {  	_ =	shalt  }
0x4f: {  	_ =	shalt  }
0x50: {  	_ =	shalt  }
0x51: {  	_ =	shalt  }
0x52: {  	_ =	shalt  }
0x53: {  	_ =	shalt  }
0x54: {  	_ =	shalt  }
0x55: {  	_ =	shalt  }
0x56: {  	_ =	shalt  }
0x57: {  	_ =	shalt  }
0x58: {  	_ =	shalt  }
0x59: {  	_ =	shalt  }
0x5a: {  	_ =	shalt  }
0x5b: {  	_ =	shalt  }
0x5c: {  	_ =	shalt  }
0x5d: {  	_ =	shalt  }
0x5e: {  	_ =	shalt  }
0x5f: {  	_ =	shalt  }
0x60: {  	_ =	shalt  }
0x61: {  	_ =	shalt  }
0x62: {  	_ =	shalt  }
0x63: {  	_ =	shalt  }
0x64: {  	_ =	shalt  }
0x65: {  	_ =	shalt  }
0x66: {  	_ =	shalt  }
0x67: {  	_ =	shalt  }
0x68: {  	_ =	shalt  }
0x69: {  	_ =	shalt  }
0x6a: {  	_ =	shalt  }
0x6b: {  	_ =	shalt  }
0x6c: {  	_ =	shalt  }
0x6d: {  	_ =	shalt  }
0x6e: {  	_ =	shalt  }
0x6f: {  	_ =	shalt  }
0x70: {  	_ =	shalt  }
0x71: {  	_ =	shalt  }
0x72: {  	_ =	shalt  }
0x73: {  	_ =	shalt  }
0x74: {  	_ =	shalt  }
0x75: {  	_ =	shalt  }
0x76: {  	_ =	shalt  }
0x77: {  	_ =	shalt  }
0x78: {  	_ =	shalt  }
0x79: {  	_ =	shalt  }
0x7a: {  	_ =	shalt  }
0x7b: {  	_ =	shalt  }
0x7c: {  	_ =	shalt  }
0x7d: {  	_ =	shalt  }
0x7e: {  	_ =	shalt  }
0x7f: {  	_ =	shalt  }
0x80: {  	_ =	shalt  }
0x81: {  	_ =	shalt  }
0x82: {  	_ =	shalt  }
0x83: {  	_ =	shalt  }
0x84: {  	_ =	shalt  }
0x85: {  	_ =	shalt  }
0x86: {  	_ =	shalt  }
0x87: {  	_ =	shalt  }
.Lfunc_end0:
.L_simem_size_0:
called_computation.2_lowered:
.L_overlay_start_0:
0x88: {  	s2 =	sld [smem:$0x3FD9]  }
0x89: {  	s3 =	sld [smem:$0x3FFE];
	_ =	sdelay $0x1  }
0x8a: {  	s1 =	srdreg.scid  }
0x8b: {  	s0 =	sand.u32 $0x1, s1  }
0x8c: {  	s17 =	sshll.u32 s0, $0xA;
	s2 =	sadd.s32 s3, s2  }
0x8d: {  	s2 =	sadd.s32 s2, s17  }
0x8e: {  	[smem:$0x3FC2] =	sst s2  }
0x8f: {  	_ = 	snop  }
0x90: {  	s2 =	sld [smem:$0x3FD0];
	(tm) =	ssettm $0x1  }
0x91: {  	s18 =	sld [smem:$0x3FFB];
	_ =	sdelay $0x3  }
0x92: {  	_ =	strace s18  }
0x93: {  	s3 =	sld [smem:$0x3FFC];
	_ =	sdelay $0x3  }
0x94: {  	_ =	strace s3  }
0x95: {  	s3 =	sld [smem:$0x3FFD];
	_ =	sdelay $0x3  }
0x96: {  	_ =	strace s3  }
0x97: {  	_ =	strace $0x8FFFFFFF  }
0x98: {  	s19 =	sld [smem:$0x3FDB];
	_ =	sdelay $0x1  }
0x99: {  	s4 =	simm.s32 $_scs_section_size  }
0x9a: {  	s5 =	simm.s32 $_size__tile_overlayer_lowered;
	s6 =	simm.s32 $_tile_overlayer_lowered  }
0x9b: {  	s22 =	simm.s32 $0x1BFF;
	s21 =	sshll.u32 s6, $0x1;
	s3 =	sadd.s32 s4, s19  }
0x9c: {  	s7 =	simm.s32 $0x0;
	s20 =	sshll.u32 s5, $0x1;
	s5 =	sadd.s32 s21, s3  }
0x9d: {  	[timem:s7], [sflag:s22] =	dma.local [hbm:s5], s20  }
0x9e: {  	_ =	swait.ge [sflag:s22], s20  }
0x9f: {  	s4 =	ssub.s32 $0x0, s20;
	[sflag:s22] =	ssyncset.done $0x0  }
0xa0: {  	[sflag:s22] =	ssyncadd.s32 s4;
	_ =	sdelay $0x1  }
0xa1: {  	s23 =	simm.s32 $0x1B8B  }
0xa2: {  	_ =	swait.ge [sflag:s23], $0x1  }
0xa3: {  	[sflag:s23] =	ssyncset.done $0x0  }
0xa4: {  	s25 =	simm.s32 $0x1B8E;
	s24 =	sld [smem:$0x3FFE];
	[sflag:s23] =	ssyncadd.s32 $0xFFFFFFFF  }
0xa5: {  	s26 =	simm.s32 $execute0_lowered;
	[smem:$0x3FD2] =	sst s25  }
0xa6: {  	s5 =	sshll.u32 s26, $0x1;
	_ =	strace $0x8000004C;
	[dreg:$0x1] =	wrdreg $0xFFFFFFFF  }
0xa7: {  	s28 =	simm.s32 $_size_execute0_lowered;
	s3 =	sadd.s32 s3, s5;
	[dreg:$0x0] =	wrdreg $0x0  }
0xa8: {  	s5 =	sshll.u32 s28, $0x1;
	[dreg:$0x2] =	wrdreg s3  }
0xa9: {  	[dreg:$0x3] =	wrdreg s5  }
0xaa: {  	[dreg:$0x4] =	wrdreg $0xC0  }
0xab: {  	_ =	task [dreg:s7], $0x5FFFF  }
0xac: {  	[dreg:$0x1] =	wrdreg $0xFFFFFFFF  }
0xad: {  	[dreg:$0x0] =	wrdreg $0x60  }
0xae: {  	[dreg:$0x2] =	wrdreg s24  }
0xaf: {  	[dreg:$0x3] =	wrdreg s2  }
0xb0: {  	[dreg:$0x4] =	wrdreg $0xA8800  }
0xb1: {  	[dreg:$0x5] =	wrdreg $0x9  }
0xb2: {  	_ =	task.clear_ibuf [dreg:s7], $0x6FFFF;
	_ =	strace $0x9000004C  }
0xb3: {  	s29 =	simm.s32 $0x9;
	_ =	strace $0x8000004E  }
0xb4: {  	_ =	swait.ge [sflag:s29], $0x1  }
0xb5: {  	[sflag:s29] =	ssyncadd.s32 $0xFFFFFFFF  }
0xb6: {  	_ =	strace $0x9000004E  }
0xb7: {  	_ =	sfence  }
0xb8: {  	s30 =	sld [smem:$0x0];
	_ =	sdelay $0x2  }
0xb9: {  	s31 =	sshll.u32 s1, $0xD;
	s1 =	sshrl.u32 s1, $0x2  }
0xba: {  	s3 =	sand.u32 $0x4000, s31;
	s1 =	sadd.s32 s1, s30  }
0xbb: {  	s0 =	sor.u32 s3, s0;
	s1 =	sshll.u32 s1, $0x11  }
0xbc: {  	s0 =	sor.u32 s1, s0  }
0xbd: {  	s0 =	sadd.s32 $0x8F2B, s0  }
0xbe: {  	[sflag:s0] =	ssyncadd.remote.s32 $0x1  }
0xbf: {  	_ =	sfence.sel $0xFFFF  }
0xc0: {  	[dreg:$0x0] =	wrdreg $0xFFFFFFFF;
	(pc) =	sbr.abs _section_cstart, $3  }
0xc1: {  	[dreg:$0x1] =	wrdreg $0xFFFFFFFF  }
0xc2: {  	_ =	task.clear_ibuf [dreg:s7], $0x2FFFF;
	_ =	strace $0x9FFFFFFF  }
0xc3: {  	(tm) =	ssettm $0x7FFFFFFF  }
tec
execute0_lowered:
.L_overlay_start_1:
0x0: {  	(tag) =	ssettag $0x1  }
0x1: {  	s0 =	rddreg [dreg:$0x0]  }
0x2: {  	s2 =	rddreg [dreg:$0x1]  }
0x3: {  	s4 =	srdreg.scid;
	s3 =	rddreg [dreg:$0x2]  }
0x4: {  	s1 =	stileid.u32;
	s18 =	simm.s32 $0x3;
	s19 =	simm.s32 $0x1  }
0x5: {  	s20 =	simm.s32 $0x80;
	s21 =	simm.s32 $0x6880;
	s22 =	simm.s32 $0x2  }
0x6: {  	s23 =	simm.s32 $0x2780;
	s24 =	simm.s32 $0x2800;
	s29 =	smul.u32 $0x14000, s1  }
0x7: {  	s25 =	simm.s32 $0x0;
	s11 =	sand.u32 $0x1, s4;
	s8 =	smul.u32 $0x50000, s1  }
0x8: {  	s5 =	sshll.u32 s1, $0x1;
	s4 =	simm.s32 $0x0;
	s16 =	smul.u32 $0xA00, s1  }
0x9: {  	s6 =	smul.u32 $0x140000, s11;
	s7 =	sor.u32 s11, s5;
	[smem:$0x7FF] =	sst s4  }
0xa: {  	s5 =	sadd.s32 $0x5CA00, s0;
	s9 =	ssub.s32 $0x2, s11;
	s17 =	smul.u32 $0x500, s11  }
0xb: {  	s12 =	smul.u32 $0x500, s7;
	_ =	strace $0x8000004D;
	s30 =	sshrl.u32 s8, $0x2  }
0xc: {  	s31 =	sshrl.u32 s9, $0x1;
	s10 =	smul.u32 $0x2800, s7;
	s6 =	sadd.s32 s29, s6  }
0xd: {  	s15 =	ssub.s32 s9, s31;
	s16 =	sadd.s32 s17, s16;
	s17 =	simm.s32 $0x2880  }
0xe: {  	s13 =	sadd.s32 s12, s0;
	s6 =	sshrl.u32 s6, $0x3;
	s14 =	sshrl.u32 s10, $0x3  }
0xf: {  	s12 =	sadd.s32 s2, s12;
	s15 =	smax.u32 s15, $0x1;
	s0 =	sadd.s32 s6, s0  }
0x10: {  	s6 =	sadd.s32 s30, s3;
	s14 =	sadd.s32 s2, s14;
	s11 =	sadd.s32 $0x2A00, s13  }
0x11: {  	s7 =	sadd.s32 $0x4000, s6;
	s8 =	sadd.s32 $0x8000, s6;
	s9 =	sadd.s32 $0xC000, s6  }
0x12: {  	v0 =	vimm.f32 $0.0e+00;
	s10 =	sadd.s32 $0x10000, s6;
	s13 =	sadd.s32 $0x4F0, s14;
	s14 =	sadd.s32 $0x84A00, s0  }
.LBB2_1:
0x13: {  	s26 =	simm.s32 $0x0;
	s28 =	simm.s32 $0x200  }
.LBB2_2:
0x14: {  	p0 =	sne.s32 s28, $0xFE00;
	[tilespmem:s26+$0x28F0] =	vst v0  }
0x15: {  	[tilespmem:s26+$0x2880] =	vst v0  }
0x16: {  	[tilespmem:s26+$0x2890] =	vst v0  }
.Ltmp0:
0x17: {  	[tilespmem:s26+$0x28A0] =	vst v0;
	(pc) =	sbr.rel @p0 .LBB2_2-.Ltmp0, $4  }
0x18: {  	[tilespmem:s26+$0x28B0] =	vst v0  }
0x19: {  	[tilespmem:s26+$0x28C0] =	vst v0  }
0x1a: {  	[tilespmem:s26+$0x28D0] =	vst v0  }
0x1b: {  	[tilespmem:s26+$0x28E0] =	vst v0;
	s26 =	sshra.s32 s28, $0x2;
	s28 =	sadd.s32 $0x200, s28  }
0x1c: {  	[tilespmem:s26+$0x28F0] =	vst v0  }
0x1d: {  	[tilespmem:s26+$0x2880] =	vst v0  }
0x1e: {  	[tilespmem:s26+$0x2890] =	vst v0  }
0x1f: {  	[tilespmem:s26+$0x28A0] =	vst v0  }
0x20: {  	[tilespmem:s26+$0x28B0] =	vst v0  }
0x21: {  	[tilespmem:s26+$0x28C0] =	vst v0  }
0x22: {  	[tilespmem:s26+$0x28D0] =	vst v0  }
0x23: {  	[tilespmem:s26+$0x28E0] =	vst v0  }
0x24: {  	[spmem:s6] =	stream.linear.scatter [tilespmem:s17], [sflag:$0x3], $0x4000, $0x38;
	[tilespmem:$0x1E880] =	vst v63  }
0x25: {  	_ =	swait.ge [sflag:s18], $0x4000  }
0x26: {  	[sflag:s18] =	ssyncset.done $0x0  }
0x27: {  	[sflag:s18] =	ssyncadd.s32 $0xFFFFC000  }
0x28: {  	[spmem:s7] =	stream.linear.scatter [tilespmem:s17], [sflag:$0x3], $0x4000, $0x38;
	[tilespmem:$0x1E880] =	vst v63  }
0x29: {  	_ =	swait.ge [sflag:s18], $0x4000  }
0x2a: {  	[sflag:s18] =	ssyncset.done $0x0  }
0x2b: {  	[sflag:s18] =	ssyncadd.s32 $0xFFFFC000  }
0x2c: {  	[spmem:s8] =	stream.linear.scatter [tilespmem:s17], [sflag:$0x3], $0x4000, $0x38;
	[tilespmem:$0x1E880] =	vst v63  }
0x2d: {  	_ =	swait.ge [sflag:s18], $0x4000  }
0x2e: {  	[sflag:s18] =	ssyncset.done $0x0  }
0x2f: {  	[sflag:s18] =	ssyncadd.s32 $0xFFFFC000  }
0x30: {  	[spmem:s9] =	stream.linear.scatter [tilespmem:s17], [sflag:$0x3], $0x4000, $0x38;
	[tilespmem:$0x1E880] =	vst v63  }
0x31: {  	_ =	swait.ge [sflag:s18], $0x4000  }
0x32: {  	[sflag:s18] =	ssyncset.done $0x0  }
0x33: {  	[sflag:s18] =	ssyncadd.s32 $0xFFFFC000  }
0x34: {  	[spmem:s10] =	stream.linear.scatter [tilespmem:s17], [sflag:$0x3], $0x4000, $0x38;
	[tilespmem:$0x1E880] =	vst v63  }
0x35: {  	_ =	swait.ge [sflag:s18], $0x4000  }
0x36: {  	[sflag:s18] =	ssyncset.done $0x0  }
0x37: {  	s0 =	simm.s32 $0x80;
	[sflag:s18] =	ssyncadd.s32 $0xFFFFC000  }
0x38: {  	[tilespmem:s0], [sflag:$0x3] =	stream.linear.gather [hbm4b:s11+s4], $0x2800, $0x38;
	[tilespmem:$0x1E880] =	vst v63  }
0x39: {  	_ =	swait.ge [sflag:s18], $0x2800  }
0x3a: {  	[sflag:s18] =	ssyncset.done $0x0  }
0x3b: {  	[sflag:s18] =	ssyncadd.s32 $0xFFFFD800  }
0x3c: {  	[bflag:$0x0] =	sbarrier.arrive $0xFFFF  }
0x3d: {  	[tilespmem:s4], [sflag:$0x3] =	stream.linear.gather [hbm4b:s12+s4], $0x80, $0x38;
	[tilespmem:$0x1E880] =	vst v63  }
0x3e: {  	_ =	swait.ge [sflag:s18], $0x80  }
0x3f: {  	[sflag:s18] =	ssyncset.done $0x0  }
0x40: {  	s26 =	sadd.s32 $0x20, s16;
	s28 =	simm.s32 $0x10;
	[sflag:s18] =	ssyncadd.s32 $0xFFFFFF80  }
0x41: {  	[tilespmem:s17], [sflag:$0x1] =	stream.indirect.gather [hbm4b:s5+s0], $0x80, s4, s0, $0xb8;
	[tilespmem:$0x1E880] =	vst v63  }
0x42: {  	s29 =	sadd.s32 $0xFFFFFFE0, s26;
	s28 =	sand.u32 $0x70, s28;
	_ =	swait.ge [sflag:s19], $0x4000  }
0x43: {  	s29 =	sand.u32 $0xFFFFF80, s29;
	s28 =	sadd.s32 s2, s28;
	[sflag:s19] =	ssyncset.done $0x0  }
0x44: {  	s28 =	sadd.s32 s29, s28;
	[sflag:s19] =	ssyncadd.s32 $0xFFFFC000  }
0x45: {  	[tilespmem:s4], [sflag:$0x3] =	stream.linear.gather [hbm4b:s28+s4], $0x80, $0x38;
	[tilespmem:$0x1E880] =	vst v63  }
0x46: {  	_ =	swait.ge [sflag:s18], $0x80  }
0x47: {  	[sflag:s18] =	ssyncset.done $0x0  }
0x48: {  	[sflag:s18] =	ssyncadd.s32 $0xFFFFFF80  }
0x49: {  	[tilespmem:s21], [sflag:$0x2] =	stream.indirect.gather [hbm4b:s5+s20], $0x80, s4, s20, $0xb8;
	[tilespmem:$0x1E880] =	vst v63  }
0x4a: {  	_ = 	snop  }
0x4b: {  	[spmem:s3] =	stream.indirect.scatter.add.f32 [tilespmem:s17], [sflag:$0x3], $0x80, s0, s20, $0xb8;
	[tilespmem:$0x1E880] =	vst v63  }
0x4c: {  	_ =	swait.ge [sflag:s18], $0x4000  }
0x4d: {  	[sflag:s18] =	ssyncset.done $0x0  }
0x4e: {  	s0 =	simm.s32 $0x20;
	[sflag:s18] =	ssyncadd.s32 $0xFFFFC000  }
0x4f: {  	s0 =	sand.u32 $0x60, s0;
	_ =	swait.ge [sflag:s22], $0x4000  }
0x50: {  	s26 =	sand.u32 $0xFFFFF80, s26;
	s0 =	sadd.s32 s2, s0;
	[sflag:s22] =	ssyncset.done $0x0  }
0x51: {  	s0 =	sadd.s32 s26, s0;
	[sflag:s22] =	ssyncadd.s32 $0xFFFFC000  }
0x52: {  	[tilespmem:s4], [sflag:$0x3] =	stream.linear.gather [hbm4b:s0+s4], $0x80, $0x38;
	[tilespmem:$0x1E880] =	vst v63  }
0x53: {  	_ =	swait.ge [sflag:s18], $0x80  }
0x54: {  	[sflag:s18] =	ssyncset.done $0x0  }
0x55: {  	[sflag:s18] =	ssyncadd.s32 $0xFFFFFF80  }
0x56: {  	[tilespmem:s17], [sflag:$0x1] =	stream.indirect.gather [hbm4b:s5+s20], $0x80, s4, s20, $0xb8;
	[tilespmem:$0x1E880] =	vst v63  }
0x57: {  	s30 =	sadd.s32 $0x40, s16;
	s26 =	simm.s32 $0x100  }
0x58: {  	[spmem:s3] =	stream.indirect.scatter.add.f32 [tilespmem:s21], [sflag:$0x3], $0x80, s26, s20, $0xb8;
	[tilespmem:$0x1E880] =	vst v63  }
0x59: {  	s31 =	sadd.s32 $0xFFFFFFE0, s30;
	_ =	swait.ge [sflag:s18], $0x4000  }
0x5a: {  	s31 =	sand.u32 $0xFFFFF80, s31;
	[sflag:s18] =	ssyncset.done $0x0  }
0x5b: {  	s29 =	simm.s32 $0x60;
	s0 =	simm.s32 $0x30;
	[sflag:s18] =	ssyncadd.s32 $0xFFFFC000  }
0x5c: {  	s28 =	simm.s32 $0x40;
	s0 =	sand.u32 $0x70, s0;
	_ =	swait.ge [sflag:s19], $0x4000  }
0x5d: {  	s0 =	sadd.s32 s2, s0;
	s26 =	simm.s32 $0x180;
	[sflag:s19] =	ssyncset.done $0x0  }
.LBB2_4:
0x5e: {  	s0 =	sadd.s32 s31, s0  }
0x5f: {  	s30 =	sand.u32 $0xFFFFF80, s30;
	[sflag:s19] =	ssyncadd.s32 $0xFFFFC000;
	s31 =	smov.u32 s29  }
0x60: {  	[tilespmem:s4], [sflag:$0x3] =	stream.linear.gather [hbm4b:s0+s4], $0x80, $0x38;
	[tilespmem:$0x1E880] =	vst v63  }
0x61: {  	p0 =	sne.s32 s29, $0x4E0;
	s29 =	sadd.s32 $0x20, s29;
	_ =	swait.ge [sflag:s18], $0x80  }
0x62: {  	[sflag:s18] =	ssyncset.done $0x0  }
0x63: {  	[sflag:s18] =	ssyncadd.s32 $0xFFFFFF80  }
0x64: {  	[tilespmem:s21], [sflag:$0x2] =	stream.indirect.gather [hbm4b:s5+s20], $0x80, s4, s20, $0xb8;
	[tilespmem:$0x1E880] =	vst v63  }
0x65: {  	_ = 	snop  }
0x66: {  	[spmem:s3] =	stream.indirect.scatter.add.f32 [tilespmem:s17], [sflag:$0x3], $0x80, s26, s20, $0xb8;
	[tilespmem:$0x1E880] =	vst v63  }
0x67: {  	_ =	swait.ge [sflag:s18], $0x4000  }
0x68: {  	[sflag:s18] =	ssyncset.done $0x0  }
0x69: {  	[sflag:s18] =	ssyncadd.s32 $0xFFFFC000  }
0x6a: {  	s0 =	sand.u32 $0x60, s28;
	s28 =	smov.u32 s31;
	_ =	swait.ge [sflag:s22], $0x4000  }
0x6b: {  	s0 =	sadd.s32 s2, s0;
	[sflag:s22] =	ssyncset.done $0x0  }
0x6c: {  	s0 =	sadd.s32 s30, s0;
	[sflag:s22] =	ssyncadd.s32 $0xFFFFC000  }
0x6d: {  	[tilespmem:s4], [sflag:$0x3] =	stream.linear.gather [hbm4b:s0+s4], $0x80, $0x38;
	[tilespmem:$0x1E880] =	vst v63  }
0x6e: {  	_ =	swait.ge [sflag:s18], $0x80  }
0x6f: {  	[sflag:s18] =	ssyncset.done $0x0  }
0x70: {  	[sflag:s18] =	ssyncadd.s32 $0xFFFFFF80  }
0x71: {  	[tilespmem:s17], [sflag:$0x1] =	stream.indirect.gather [hbm4b:s5+s20], $0x80, s4, s20, $0xb8;
	[tilespmem:$0x1E880] =	vst v63  }
0x72: {  	s0 =	sadd.s32 $0x80, s26  }
0x73: {  	[spmem:s3] =	stream.indirect.scatter.add.f32 [tilespmem:s21], [sflag:$0x3], $0x80, s0, s20, $0xb8;
	[tilespmem:$0x1E880] =	vst v63  }
.Ltmp1:
0x74: {  	_ =	swait.ge [sflag:s18], $0x4000;
	(pc) =	sbr.rel @p0 .LBB2_4-.Ltmp1, $4  }
0x75: {  	s26 =	sadd.s32 $0x100, s26;
	[sflag:s18] =	ssyncset.done $0x0  }
0x76: {  	s30 =	sadd.s32 s28, s16;
	s0 =	sadd.s32 $0xFFFFFFF0, s28;
	[sflag:s18] =	ssyncadd.s32 $0xFFFFC000  }
0x77: {  	s31 =	sadd.s32 $0xFFFFFFE0, s30;
	s0 =	sand.u32 $0x70, s0;
	_ =	swait.ge [sflag:s19], $0x4000  }
0x78: {  	s31 =	sand.u32 $0xFFFFF80, s31;
	s0 =	sadd.s32 s2, s0;
	[sflag:s19] =	ssyncset.done $0x0  }
0x79: {  	s0 =	sadd.s32 s31, s0;
	[sflag:s19] =	ssyncadd.s32 $0xFFFFC000  }
0x7a: {  	[tilespmem:s4], [sflag:$0x3] =	stream.linear.gather [hbm4b:s0+s4], $0x80, $0x38;
	[tilespmem:$0x1E880] =	vst v63  }
0x7b: {  	_ =	swait.ge [sflag:s18], $0x80  }
0x7c: {  	[sflag:s18] =	ssyncset.done $0x0  }
0x7d: {  	[sflag:s18] =	ssyncadd.s32 $0xFFFFFF80  }
0x7e: {  	[tilespmem:s21], [sflag:$0x2] =	stream.indirect.gather [hbm4b:s5+s20], $0x80, s4, s20, $0xb8;
	[tilespmem:$0x1E880] =	vst v63  }
0x7f: {  	_ = 	snop  }
0x80: {  	[spmem:s3] =	stream.indirect.scatter.add.f32 [tilespmem:s17], [sflag:$0x3], $0x80, s26, s20, $0xb8;
	[tilespmem:$0x1E880] =	vst v63  }
0x81: {  	_ =	swait.ge [sflag:s18], $0x4000  }
0x82: {  	[sflag:s18] =	ssyncset.done $0x0  }
0x83: {  	[sflag:s18] =	ssyncadd.s32 $0xFFFFC000  }
0x84: {  	s29 =	sand.u32 $0x60, s28;
	_ =	swait.ge [sflag:s22], $0x4000  }
0x85: {  	s31 =	sand.u32 $0xFFFFF80, s30;
	s0 =	sadd.s32 s2, s29;
	[sflag:s22] =	ssyncset.done $0x0  }
0x86: {  	s0 =	sadd.s32 s31, s0;
	[sflag:s22] =	ssyncadd.s32 $0xFFFFC000  }
0x87: {  	[tilespmem:s4], [sflag:$0x3] =	stream.linear.gather [hbm4b:s0+s4], $0x80, $0x38;
	[tilespmem:$0x1E880] =	vst v63  }
0x88: {  	_ =	swait.ge [sflag:s18], $0x80  }
0x89: {  	[sflag:s18] =	ssyncset.done $0x0  }
0x8a: {  	[sflag:s18] =	ssyncadd.s32 $0xFFFFFF80  }
0x8b: {  	[tilespmem:s17], [sflag:$0x1] =	stream.indirect.gather [hbm4b:s5+s20], $0x80, s4, s20, $0xb8;
	[tilespmem:$0x1E880] =	vst v63  }
0x8c: {  	s29 =	sadd.s32 $0x80, s26  }
0x8d: {  	[spmem:s3] =	stream.indirect.scatter.add.f32 [tilespmem:s21], [sflag:$0x3], $0x80, s29, s20, $0xb8;
	[tilespmem:$0x1E880] =	vst v63  }
0x8e: {  	_ =	swait.ge [sflag:s18], $0x4000  }
0x8f: {  	[sflag:s18] =	ssyncset.done $0x0  }
0x90: {  	[sflag:s18] =	ssyncadd.s32 $0xFFFFC000  }
0x91: {  	_ =	swait.ge [sflag:s19], $0x4000  }
0x92: {  	[sflag:s19] =	ssyncset.done $0x0  }
0x93: {  	[sflag:s19] =	ssyncadd.s32 $0xFFFFC000  }
0x94: {  	[tilespmem:s4], [sflag:$0x3] =	stream.linear.gather [hbm4b:s13+s4], $0x80, $0x38;
	[tilespmem:$0x1E880] =	vst v63  }
0x95: {  	_ =	swait.ge [sflag:s18], $0x80  }
0x96: {  	[sflag:s18] =	ssyncset.done $0x0  }
0x97: {  	[sflag:s18] =	ssyncadd.s32 $0xFFFFFF80  }
0x98: {  	[tilespmem:s21], [sflag:$0x2] =	stream.indirect.gather [hbm4b:s5+s20], $0x80, s4, s20, $0xb8;
	[tilespmem:$0x1E880] =	vst v63  }
0x99: {  	_ = 	snop  }
0x9a: {  	[spmem:s3] =	stream.indirect.scatter.add.f32 [tilespmem:s17], [sflag:$0x3], $0x80, s23, s20, $0xb8;
	[tilespmem:$0x1E880] =	vst v63  }
0x9b: {  	_ =	swait.ge [sflag:s18], $0x4000  }
0x9c: {  	[sflag:s18] =	ssyncset.done $0x0  }
0x9d: {  	[sflag:s18] =	ssyncadd.s32 $0xFFFFC000  }
0x9e: {  	_ =	swait.ge [sflag:s22], $0x4000  }
0x9f: {  	[sflag:s22] =	ssyncset.done $0x0  }
0xa0: {  	[sflag:s22] =	ssyncadd.s32 $0xFFFFC000  }
0xa1: {  	[spmem:s3] =	stream.indirect.scatter.add.f32 [tilespmem:s21], [sflag:$0x3], $0x80, s24, s20, $0xb8;
	[tilespmem:$0x1E880] =	vst v63  }
0xa2: {  	_ =	swait.ge [sflag:s18], $0x4000  }
0xa3: {  	s30 =	sshll.u32 s1, $0x6;
	s25 =	sadd.s32 $0x1, s25;
	[sflag:s18] =	ssyncset.done $0x0  }
0xa4: {  	p0 =	sne.s32 s25, s15;
	s31 =	sshrl.u32 s6, $0x3;
	[sflag:s18] =	ssyncadd.s32 $0xFFFFC000  }
.Ltmp2:
0xa5: {  	s0 =	sor.u32 $0x1C03, s30;
	[bflag:$0x0] =	sbarrier.arrive $0xFFFF;
	(pc) =	sbr.rel @p0 .LBB2_1-.Ltmp2, $4  }
0xa6: {  	[hbm:s14], [sflag:s0] =	dma.local [spmem:s31], $0x2800  }
0xa7: {  	_ =	swait.ge [sflag:s18], $0x2800  }
0xa8: {  	[sflag:s18] =	ssyncset.done $0x0  }
0xa9: {  	[sflag:s18] =	ssyncadd.s32 $0xFFFFD800  }
0xaa: {  	_ =	sfence.sel $0x180000  }
0xab: {  	[bflag:$0x0] =	sbarrier.arrive $0xFFFF  }
0xac: {  	_ =	strace $0x9000004D  }
0xad: {  	[bflag:$0x2] =	sbarrier.arrive $0xFFFF  }
0xae: {  	p0 =	sne.s32 s1, $0x0;
	s0 =	rddreg [dreg:$0x3]  }
0xaf: {  	s0 =	sadd.s32 @!p0 $0x100000, s0  }
0xb0: {  	[sflag:s0] =	ssyncadd.tile.s32 @!p0 $0x1;
	_ =	shalt  }
.Lfunc_end2:
_tile_overlayer_lowered:
.L_overlay_start_2:
0xb1: {  	(tag) =	ssettag $0x2  }
0xb2: {  	s0 =	rddreg [dreg:$0x0];
	s2 =	stileid.u32  }
0xb3: {  	s1 =	rddreg [dreg:$0x1];
	p0 =	sne.s32 s2, $0x0  }
0xb4: {  	s3 =	rddreg [dreg:$0x2];
	[bflag:$0x3] =	sbarrier.arrive $0xFFFF;
	s2 =	simm.s32 @!p0 $0x1C03  }
0xb5: {  	[timem:s3], [sflag:s2] =	dma.local @!p0 [hbm:s0], s1  }
0xb6: {  	s0 =	simm.s32 @!p0 $0x3  }
0xb7: {  	_ =	swait.ge @!p0 [sflag:s0], s1  }
0xb8: {  	s1 =	ssub.s32 @!p0 $0x0, s1;
	[sflag:s0] =	ssyncset.done @!p0 $0x0  }
0xb9: {  	[sflag:s0] =	ssyncadd.s32 @!p0 s1  }
0xba: {  	[bflag:$0x3] =	sbarrier.arrive $0xFFFF  }
0xbb: {  	_ =	shalt  }

// kernel: kernel.8.cloned.1.call-start
scs
__scs_entry_jumppad:
0x0: {  	(pc) =	sbr.rel $0x88, $3  }
0x1: {  	(tag) =	ssettag $0x0;
	lr =	simm.s32 $0x1  }
0x2: {  	[smem:$0x3F9B] =	sst lr;
	_ =	strace $0xD0000000  }
0x3: {  	_ = 	snop  }
0x4: {  	_ = 	snop  }
0x5: {  	_ = 	snop  }
0x6: {  	_ = 	snop  }
0x7: {  	_ = 	snop  }
__scs_overlays_trampoline_lowered:
0x8: {  	[smem:$0x3FAA] =	sst s0  }
0x9: {  	[smem:$0x3FAB] =	sst s1  }
0xa: {  	[smem:$0x3FAC] =	sst s2  }
0xb: {  	[smem:$0x3FAD] =	sst s3  }
0xc: {  	[smem:$0x3FAE] =	sst s4  }
0xd: {  	[smem:$0x3FAF] =	sst s5  }
0xe: {  	[smem:$0x3FB0] =	sst s6  }
0xf: {  	[smem:$0x3FB1] =	sst s7  }
0x10: {  	[smem:$0x3FB2] =	sst s8  }
0x11: {  	[smem:$0x3FB3] =	sst s9;
	s0 =	simm.s32 @!p0 $0x0  }
0x12: {  	s1 =	sld [smem:$0x3F99];
	s0 =	simm.s32 @p0 $0x1  }
0x13: {  	[smem:$0x3FB4] =	sst s0;
	s0 =	simm.s32 @!p1 $0x0  }
0x14: {  	s2 =	sld [smem:$0x3F98];
	s0 =	simm.s32 @p1 $0x1  }
0x15: {  	[smem:$0x3FB5] =	sst s0;
	s0 =	simm.s32 @!p2 $0x0  }
0x16: {  	s3 =	sld [smem:$0x3FDB];
	s0 =	simm.s32 @p2 $0x1  }
0x17: {  	s4 =	simm.s32 $0x1BF5;
	[smem:$0x3FB7] =	sst s0  }
0x18: {  	s0 =	sld [smem:$0x3F9A];
	_ =	swait.ge [sflag:s4], $0x0  }
0x19: {  	s7 =	sld [smem:$0x3F9B]  }
0x1a: {  	s8 =	sadd.s32 $0xFFFFE003, lr  }
0x1b: {  	s9 =	sadd.s32 $0xFFFFFEF7, lr;
	s5 =	simm.s32 $0xFFFFFFFF;
	p2 =	slt.u32 s8, $0xFFFFF086  }
0x1c: {  	p1 =	slt.u32 s9, $0xF7A;
	s5 =	simm.s32 @!p2 $0x0  }
0x1d: {  	s5 =	simm.s32 @p1 $0x1;
	p0 =	seq.s32 s7, s2  }
0x1e: {  	s7 =	smul.u32 @!p0 $0xF7A, s2;
	p2 =	seq.s32 @!p0 s5, $0x0  }
0x1f: {  	s9 =	smul.u32 $0xF7A, s1;
	s8 =	simm.s32 @!p0 $0x1BF5;
	p2 =	por !p2, p0  }
0x20: {  	[sflag:s8] =	ssyncset.s32 @!p0 $0xFFFFF086;
	s6 =	sadd.s32 @!p0 s3, s7;
	s7 =	simm.s32 @!p0 $0x108  }
0x21: {  	s3 =	sadd.s32 s3, s9;
	s6 =	sadd.s32 @!p0 $0x88, s6;
	s7 =	simm.s32 @p2 $0x1082  }
0x22: {  	[simem:s7], [sflag:s8] =	dma.local @!p0 [hbm:s6], $0xF7A  }
0x23: {  	s9 =	sor.u32 $0xD0000000, s2;
	s6 =	simm.s32 $0x108;
	_ =	swait.ge @!p0 [sflag:s8], $0x0  }
0x24: {  	s3 =	sadd.s32 $0x88, s3;
	s6 =	simm.s32 @!p1 $0x1082;
	[sflag:s4] =	ssyncset.s32 $0xFFFFF086  }
0x25: {  	[simem:s6], [sflag:s4] =	dma.local [hbm:s3], $0xF7A  }
0x26: {  	[smem:$0x3F9B] =	sst s1;
	(tag) =	ssettag s2;
	_ =	strace s9  }
0x27: {  	s1 =	sld [smem:$0x3FAB]  }
0x28: {  	s2 =	sld [smem:$0x3FAC]  }
0x29: {  	s4 =	sld [smem:$0x3FAE]  }
0x2a: {  	p0 =	seq.s32 s5, $0x0;
	s5 =	sld [smem:$0x3FAF]  }
0x2b: {  	s6 =	sld [smem:$0x3FB0]  }
0x2c: {  	s7 =	sld [smem:$0x3FB1]  }
0x2d: {  	s3 =	simm.s32 $0x108;
	s8 =	sld [smem:$0x3FB2]  }
0x2e: {  	s3 =	simm.s32 @!p0 $0x1082;
	s9 =	sld [smem:$0x3FB3]  }
0x2f: {  	lr =	sadd.s32 s0, s3;
	s0 =	sld [smem:$0x3FAA]  }
0x30: {  	s3 =	sld [smem:$0x3FAD]  }
0x31: {  	[smem:$0x3FB6] =	sst s10  }
0x32: {  	s10 =	sld [smem:$0x3FB4];
	_ =	sdelay $0x3  }
0x33: {  	p0 =	seq.s32 s10, $0x1;
	s10 =	sld [smem:$0x3FB6];
	_ =	sdelay $0x3  }
0x34: {  	[smem:$0x3FB6] =	sst s10  }
0x35: {  	s10 =	sld [smem:$0x3FB5];
	_ =	sdelay $0x3  }
0x36: {  	p1 =	seq.s32 s10, $0x1;
	s10 =	sld [smem:$0x3FB6];
	_ =	sdelay $0x3  }
0x37: {  	[smem:$0x3FB6] =	sst s10  }
0x38: {  	s10 =	sld [smem:$0x3FB7]  }
0x39: {  	_ = 	snop;
	(pc) =	sbr.ind lr, $3  }
0x3a: {  	_ = 	snop  }
0x3b: {  	_ = 	snop  }
0x3c: {  	p2 =	seq.s32 s10, $0x1;
	s10 =	sld [smem:$0x3FB6]  }
0x3d: {  	_ =	shalt  }
0x3e: {  	_ =	shalt  }
0x3f: {  	_ =	shalt  }
0x40: {  	_ =	shalt  }
0x41: {  	_ =	shalt  }
0x42: {  	_ =	shalt  }
0x43: {  	_ =	shalt  }
0x44: {  	_ =	shalt  }
0x45: {  	_ =	shalt  }
0x46: {  	_ =	shalt  }
0x47: {  	_ =	shalt  }
0x48: {  	_ =	shalt  }
0x49: {  	_ =	shalt  }
0x4a: {  	_ =	shalt  }
0x4b: {  	_ =	shalt  }
0x4c: {  	_ =	shalt  }
0x4d: {  	_ =	shalt  }
0x4e: {  	_ =	shalt  }
0x4f: {  	_ =	shalt  }
0x50: {  	_ =	shalt  }
0x51: {  	_ =	shalt  }
0x52: {  	_ =	shalt  }
0x53: {  	_ =	shalt  }
0x54: {  	_ =	shalt  }
0x55: {  	_ =	shalt  }
0x56: {  	_ =	shalt  }
0x57: {  	_ =	shalt  }
0x58: {  	_ =	shalt  }
0x59: {  	_ =	shalt  }
0x5a: {  	_ =	shalt  }
0x5b: {  	_ =	shalt  }
0x5c: {  	_ =	shalt  }
0x5d: {  	_ =	shalt  }
0x5e: {  	_ =	shalt  }
0x5f: {  	_ =	shalt  }
0x60: {  	_ =	shalt  }
0x61: {  	_ =	shalt  }
0x62: {  	_ =	shalt  }
0x63: {  	_ =	shalt  }
0x64: {  	_ =	shalt  }
0x65: {  	_ =	shalt  }
0x66: {  	_ =	shalt  }
0x67: {  	_ =	shalt  }
0x68: {  	_ =	shalt  }
0x69: {  	_ =	shalt  }
0x6a: {  	_ =	shalt  }
0x6b: {  	_ =	shalt  }
0x6c: {  	_ =	shalt  }
0x6d: {  	_ =	shalt  }
0x6e: {  	_ =	shalt  }
0x6f: {  	_ =	shalt  }
0x70: {  	_ =	shalt  }
0x71: {  	_ =	shalt  }
0x72: {  	_ =	shalt  }
0x73: {  	_ =	shalt  }
0x74: {  	_ =	shalt  }
0x75: {  	_ =	shalt  }
0x76: {  	_ =	shalt  }
0x77: {  	_ =	shalt  }
0x78: {  	_ =	shalt  }
0x79: {  	_ =	shalt  }
0x7a: {  	_ =	shalt  }
0x7b: {  	_ =	shalt  }
0x7c: {  	_ =	shalt  }
0x7d: {  	_ =	shalt  }
0x7e: {  	_ =	shalt  }
0x7f: {  	_ =	shalt  }
0x80: {  	_ =	shalt  }
0x81: {  	_ =	shalt  }
0x82: {  	_ =	shalt  }
0x83: {  	_ =	shalt  }
0x84: {  	_ =	shalt  }
0x85: {  	_ =	shalt  }
0x86: {  	_ =	shalt  }
0x87: {  	_ =	shalt  }
.Lfunc_end0:
.L_simem_size_0:
called_computation_lowered:
.L_overlay_start_0:
0x88: {  	s2 =	sld [smem:$0x3FD9]  }
0x89: {  	s3 =	sld [smem:$0x3FFE];
	_ =	sdelay $0x1  }
0x8a: {  	s1 =	srdreg.scid  }
0x8b: {  	s0 =	sand.u32 $0x1, s1  }
0x8c: {  	s16 =	sshll.u32 s0, $0xA;
	s2 =	sadd.s32 s3, s2  }
0x8d: {  	s2 =	sadd.s32 s2, s16  }
0x8e: {  	[smem:$0x3FC2] =	sst s2  }
0x8f: {  	_ = 	snop  }
0x90: {  	(tm) =	ssettm $0x1  }
0x91: {  	s17 =	sld [smem:$0x3FFB];
	_ =	sdelay $0x3  }
0x92: {  	_ =	strace s17  }
0x93: {  	s2 =	sld [smem:$0x3FFC];
	_ =	sdelay $0x3  }
0x94: {  	_ =	strace s2  }
0x95: {  	s2 =	sld [smem:$0x3FFD];
	_ =	sdelay $0x3  }
0x96: {  	_ =	strace s2  }
0x97: {  	_ =	strace $0x8FFFFFFF  }
0x98: {  	s18 =	sld [smem:$0x3FDB];
	_ =	sdelay $0x1  }
0x99: {  	s19 =	simm.s32 $_scs_section_size  }
0x9a: {  	s4 =	simm.s32 $_size__tile_overlayer_lowered;
	s5 =	simm.s32 $_tile_overlayer_lowered  }
0x9b: {  	s22 =	simm.s32 $0x1BFF;
	s21 =	sshll.u32 s5, $0x1;
	s2 =	sadd.s32 s19, s18  }
0x9c: {  	s6 =	simm.s32 $0x0;
	s20 =	sshll.u32 s4, $0x1;
	s4 =	sadd.s32 s21, s2  }
0x9d: {  	[timem:s6], [sflag:s22] =	dma.local [hbm:s4], s20  }
0x9e: {  	_ =	swait.ge [sflag:s22], s20  }
0x9f: {  	s3 =	ssub.s32 $0x0, s20;
	[sflag:s22] =	ssyncset.done $0x0  }
0xa0: {  	[sflag:s22] =	ssyncadd.s32 s3;
	_ =	sdelay $0x1  }
0xa1: {  	s23 =	simm.s32 $0x1B8B  }
0xa2: {  	_ =	swait.ge [sflag:s23], $0x1  }
0xa3: {  	[sflag:s23] =	ssyncset.done $0x0  }
0xa4: {  	s25 =	simm.s32 $0x1B8E;
	s24 =	sld [smem:$0x3FFE];
	[sflag:s23] =	ssyncadd.s32 $0xFFFFFFFF  }
0xa5: {  	s26 =	simm.s32 $execute0_lowered;
	[smem:$0x3FD2] =	sst s25  }
0xa6: {  	s4 =	sshll.u32 s26, $0x1;
	_ =	strace $0x80000046;
	[dreg:$0x1] =	wrdreg $0xFFFFFFFF  }
0xa7: {  	s28 =	simm.s32 $_size_execute0_lowered;
	s2 =	sadd.s32 s2, s4;
	[dreg:$0x0] =	wrdreg $0x0  }
0xa8: {  	s4 =	sshll.u32 s28, $0x1;
	[dreg:$0x2] =	wrdreg s2  }
0xa9: {  	[dreg:$0x3] =	wrdreg s4  }
0xaa: {  	[dreg:$0x4] =	wrdreg $0xC0  }
0xab: {  	_ =	task [dreg:s6], $0x5FFFF  }
0xac: {  	[dreg:$0x1] =	wrdreg $0xFFFFFFFF  }
0xad: {  	[dreg:$0x0] =	wrdreg $0x60  }
0xae: {  	[dreg:$0x2] =	wrdreg s24  }
0xaf: {  	[dreg:$0x3] =	wrdreg $0x68000  }
0xb0: {  	[dreg:$0x4] =	wrdreg $0x9  }
0xb1: {  	_ =	task.clear_ibuf [dreg:s6], $0x5FFFF;
	_ =	strace $0x90000046  }
0xb2: {  	s29 =	simm.s32 $0x9;
	_ =	strace $0x80000048  }
0xb3: {  	_ =	swait.ge [sflag:s29], $0x1  }
0xb4: {  	[sflag:s29] =	ssyncadd.s32 $0xFFFFFFFF  }
0xb5: {  	_ =	strace $0x90000048  }
0xb6: {  	_ =	sfence  }
0xb7: {  	s30 =	sld [smem:$0x0];
	_ =	sdelay $0x2  }
0xb8: {  	s31 =	sshll.u32 s1, $0xD;
	s1 =	sshrl.u32 s1, $0x2  }
0xb9: {  	s3 =	sand.u32 $0x4000, s31;
	s1 =	sadd.s32 s1, s30  }
0xba: {  	s0 =	sor.u32 s3, s0;
	s1 =	sshll.u32 s1, $0x11  }
0xbb: {  	s0 =	sor.u32 s1, s0  }
0xbc: {  	s0 =	sadd.s32 $0x8F2B, s0  }
0xbd: {  	[sflag:s0] =	ssyncadd.remote.s32 $0x1  }
0xbe: {  	_ =	sfence.sel $0xFFFF  }
0xbf: {  	[dreg:$0x0] =	wrdreg $0xFFFFFFFF;
	(pc) =	sbr.abs _section_cstart, $3  }
0xc0: {  	[dreg:$0x1] =	wrdreg $0xFFFFFFFF  }
0xc1: {  	_ =	task.clear_ibuf [dreg:s6], $0x2FFFF;
	_ =	strace $0x9FFFFFFF  }
0xc2: {  	(tm) =	ssettm $0x7FFFFFFF  }
0xc3: {  	_ =	shalt  }
tec
execute0_lowered:
.L_overlay_start_1:
0x0: {  	(tag) =	ssettag $0x1  }
0x1: {  	s1 =	srdreg.scid;
	s5 =	rddreg [dreg:$0x0]  }
0x2: {  	s0 =	stileid.u32;
	s2 =	rddreg [dreg:$0x1]  }
0x3: {  	s3 =	simm.s32 $0x0;
	s13 =	simm.s32 $0x1;
	s14 =	simm.s32 $0x80  }
0x4: {  	s4 =	sand.u32 $0x1, s1;
	s26 =	sshll.u32 s0, $0x1;
	s8 =	smul.u32 $0x14000, s0  }
0x5: {  	[smem:$0x7FF] =	sst s3;
	s9 =	smul.u32 $0x50000, s0;
	s15 =	sshll.u32 s0, $0x6  }
0x6: {  	s1 =	sor.u32 s4, s26;
	s7 =	smul.u32 $0x140000, s4;
	s29 =	ssub.s32 $0x2, s4  }
0x7: {  	s15 =	sor.u32 $0x1C01, s15;
	s6 =	smul.u32 $0x500, s1;
	s1 =	rddreg [dreg:$0x2]  }
0x8: {  	_ =	strace $0x80000047;
	s30 =	sshrl.u32 s9, $0x2;
	s31 =	sshrl.u32 s29, $0x1  }
0x9: {  	s28 =	sadd.s32 s8, s7;
	s4 =	sadd.s32 s30, s2;
	s12 =	ssub.s32 s29, s31  }
0xa: {  	s10 =	sadd.s32 s6, s5;
	s6 =	sshrl.u32 s28, $0x3;
	s7 =	sadd.s32 $0xC000, s4  }
0xb: {  	s8 =	sadd.s32 $0x10000, s4;
	s16 =	sshrl.u32 s4, $0x3;
	s11 =	sadd.s32 s6, s5  }
0xc: {  	s5 =	sadd.s32 $0x4000, s4;
	s6 =	sadd.s32 $0x8000, s4;
	s9 =	sadd.s32 $0x2A00, s10  }
0xd: {  	v0 =	vimm.f32 $0.0e+00;
	v1 =	vimm.f32 $1.000000000e+00;
	s10 =	sadd.s32 $0xCA00, s11;
	s11 =	smax.u32 s12, $0x1;
	s12 =	simm.s32 $0x2800  }
.LBB2_1:
0xe: {  	s17 =	simm.s32 $0x0;
	s18 =	simm.s32 $0x200  }
.LBB2_2:
0xf: {  	p0 =	sne.s32 s18, $0xFE00;
	[tilespmem:s17+$0x2870] =	vst v0  }
0x10: {  	[tilespmem:s17+$0x2800] =	vst v0  }
0x11: {  	[tilespmem:s17+$0x2810] =	vst v0  }
.Ltmp0:
0x12: {  	[tilespmem:s17+$0x2820] =	vst v0;
	(pc) =	sbr.rel @p0 .LBB2_2-.Ltmp0, $4  }
0x13: {  	[tilespmem:s17+$0x2830] =	vst v0  }
0x14: {  	[tilespmem:s17+$0x2840] =	vst v0  }
0x15: {  	[tilespmem:s17+$0x2850] =	vst v0  }
0x16: {  	[tilespmem:s17+$0x2860] =	vst v0;
	s17 =	sshra.s32 s18, $0x2;
	s18 =	sadd.s32 $0x200, s18  }
0x17: {  	[tilespmem:s17+$0x2870] =	vst v0  }
0x18: {  	[tilespmem:s17+$0x2800] =	vst v0  }
0x19: {  	[tilespmem:s17+$0x2810] =	vst v0  }
0x1a: {  	[tilespmem:s17+$0x2820] =	vst v0  }
0x1b: {  	[tilespmem:s17+$0x2830] =	vst v0  }
0x1c: {  	[tilespmem:s17+$0x2840] =	vst v0  }
0x1d: {  	[tilespmem:s17+$0x2850] =	vst v0  }
0x1e: {  	[tilespmem:s17+$0x2860] =	vst v0  }
0x1f: {  	[spmem:s4] =	stream.linear.scatter [tilespmem:s12], [sflag:$0x1], $0x4000, $0x38;
	[tilespmem:$0x1A800] =	vst v63  }
0x20: {  	_ =	swait.ge [sflag:s13], $0x4000  }
0x21: {  	[sflag:s13] =	ssyncset.done $0x0  }
0x22: {  	[sflag:s13] =	ssyncadd.s32 $0xFFFFC000  }
0x23: {  	[spmem:s5] =	stream.linear.scatter [tilespmem:s12], [sflag:$0x1], $0x4000, $0x38;
	[tilespmem:$0x1A800] =	vst v63  }
0x24: {  	_ =	swait.ge [sflag:s13], $0x4000  }
0x25: {  	[sflag:s13] =	ssyncset.done $0x0  }
0x26: {  	[sflag:s13] =	ssyncadd.s32 $0xFFFFC000  }
0x27: {  	[spmem:s6] =	stream.linear.scatter [tilespmem:s12], [sflag:$0x1], $0x4000, $0x38;
	[tilespmem:$0x1A800] =	vst v63  }
0x28: {  	_ =	swait.ge [sflag:s13], $0x4000  }
0x29: {  	[sflag:s13] =	ssyncset.done $0x0  }
0x2a: {  	[sflag:s13] =	ssyncadd.s32 $0xFFFFC000  }
0x2b: {  	[spmem:s7] =	stream.linear.scatter [tilespmem:s12], [sflag:$0x1], $0x4000, $0x38;
	[tilespmem:$0x1A800] =	vst v63  }
0x2c: {  	_ =	swait.ge [sflag:s13], $0x4000  }
0x2d: {  	[sflag:s13] =	ssyncset.done $0x0  }
0x2e: {  	[sflag:s13] =	ssyncadd.s32 $0xFFFFC000  }
0x2f: {  	[spmem:s8] =	stream.linear.scatter [tilespmem:s12], [sflag:$0x1], $0x4000, $0x38;
	[tilespmem:$0x1A800] =	vst v63  }
0x30: {  	_ =	swait.ge [sflag:s13], $0x4000  }
0x31: {  	[sflag:s13] =	ssyncset.done $0x0  }
0x32: {  	s17 =	simm.s32 $0x0;
	s18 =	simm.s32 $0x200;
	[sflag:s13] =	ssyncadd.s32 $0xFFFFC000  }
.LBB2_4:
0x33: {  	p0 =	sne.s32 s18, $0xFE00;
	[tilespmem:s17+$0x2870] =	vst v1  }
0x34: {  	[tilespmem:s17+$0x2800] =	vst v1  }
0x35: {  	[tilespmem:s17+$0x2810] =	vst v1  }
.Ltmp1:
0x36: {  	[tilespmem:s17+$0x2820] =	vst v1;
	(pc) =	sbr.rel @p0 .LBB2_4-.Ltmp1, $4  }
0x37: {  	[tilespmem:s17+$0x2830] =	vst v1  }
0x38: {  	[tilespmem:s17+$0x2840] =	vst v1  }
0x39: {  	[tilespmem:s17+$0x2850] =	vst v1  }
0x3a: {  	[tilespmem:s17+$0x2860] =	vst v1;
	s17 =	sshra.s32 s18, $0x2;
	s18 =	sadd.s32 $0x200, s18  }
0x3b: {  	[tilespmem:s17+$0x2870] =	vst v1  }
0x3c: {  	[tilespmem:s17+$0x2800] =	vst v1  }
0x3d: {  	[tilespmem:s17+$0x2810] =	vst v1  }
0x3e: {  	[tilespmem:s17+$0x2820] =	vst v1  }
0x3f: {  	[tilespmem:s17+$0x2830] =	vst v1  }
0x40: {  	[tilespmem:s17+$0x2840] =	vst v1  }
0x41: {  	[tilespmem:s17+$0x2850] =	vst v1  }
0x42: {  	[tilespmem:s17+$0x2860] =	vst v1;
	s30 =	simm.s32 $0x0  }
0x43: {  	[tilespmem:s30], [sflag:$0x1] =	stream.linear.gather [hbm4b:s9+s30], $0x2800, $0x38;
	[tilespmem:$0x1A800] =	vst v63  }
0x44: {  	_ =	swait.ge [sflag:s13], $0x2800  }
0x45: {  	[sflag:s13] =	ssyncset.done $0x0  }
0x46: {  	[sflag:s13] =	ssyncadd.s32 $0xFFFFD800  }
0x47: {  	s31 =	simm.s32 $0x0;
	[bflag:$0x0] =	sbarrier.arrive $0xFFFF  }
0x48: {  	[spmem:s2] =	stream.indirect.scatter.add.f32 [tilespmem:s12], [sflag:$0x1], $0x80, s31, s14, $0xb8;
	[tilespmem:$0x1A800] =	vst v63  }
0x49: {  	_ =	swait.ge [sflag:s13], $0x4000  }
0x4a: {  	s17 =	simm.s32 $0x200;
	[sflag:s13] =	ssyncset.done $0x0  }
.LBB2_6:
0x4b: {  	s18 =	sshra.s32 s17, $0x2;
	[sflag:s13] =	ssyncadd.s32 $0xFFFFC000;
	p0 =	sne.s32 s17, $0x9E00  }
0x4c: {  	[spmem:s2] =	stream.indirect.scatter.add.f32 [tilespmem:s12], [sflag:$0x1], $0x80, s18, s14, $0xb8;
	[tilespmem:$0x1A800] =	vst v63  }
.Ltmp2:
0x4d: {  	_ = 	snop;
	(pc) =	sbr.rel @p0 .LBB2_6-.Ltmp2, $4  }
0x4e: {  	_ = 	snop  }
0x4f: {  	s17 =	sadd.s32 $0x200, s17  }
0x50: {  	_ =	swait.ge [sflag:s13], $0x4000  }
0x51: {  	[sflag:s13] =	ssyncset.done $0x0  }
0x52: {  	s3 =	sadd.s32 $0x1, s3  }
0x53: {  	[sflag:s13] =	ssyncadd.s32 $0xFFFFC000;
	p0 =	sne.s32 s3, s11  }
.Ltmp3:
0x54: {  	[bflag:$0x0] =	sbarrier.arrive $0xFFFF;
	(pc) =	sbr.rel @p0 .LBB2_1-.Ltmp3, $4  }
0x55: {  	[hbm:s10], [sflag:s15] =	dma.local [spmem:s16], $0x2800  }
0x56: {  	_ =	swait.ge [sflag:s13], $0x2800  }
0x57: {  	[sflag:s13] =	ssyncset.done $0x0  }
0x58: {  	[sflag:s13] =	ssyncadd.s32 $0xFFFFD800  }
0x59: {  	_ =	sfence.sel $0x180000  }
0x5a: {  	[bflag:$0x0] =	sbarrier.arrive $0xFFFF  }
0x5b: {  	p0 =	sne.s32 s0, $0x0;
	_ =	strace $0x90000047  }
0x5c: {  	s0 =	sadd.s32 @!p0 $0x100000, s1;
	[bflag:$0x2] =	sbarrier.arrive $0xFFFF  }
0x5d: {  	[sflag:s0] =	ssyncadd.tile.s32 @!p0 $0x1;
	_ =	shalt  }
.Lfunc_end2:
_tile_overlayer_lowered:
.L_overlay_start_2:
0x5e: {  	(tag) =	ssettag $0x2  }
0x5f: {  	s0 =	rddreg [dreg:$0x0];
	s2 =	stileid.u32  }
0x60: {  	s1 =	rddreg [dreg:$0x1];
	p0 =	sne.s32 s2, $0x0  }
0x61: {  	s3 =	rddreg [dreg:$0x2];
	[bflag:$0x3] =	sbarrier.arrive $0xFFFF;
	s2 =	simm.s32 @!p0 $0x1C01  }
0x62: {  	[timem:s3], [sflag:s2] =	dma.local @!p0 [hbm:s0], s1  }
0x63: {  	s0 =	simm.s32 @!p0 $0x1  }
0x64: {  	_ =	swait.ge @!p0 [sflag:s0], s1  }
0x65: {  	s1 =	ssub.s32 @!p0 $0x0, s1;
	[sflag:s0] =	ssyncset.done @!p0 $0x0  }
0x66: {  	[sflag:s0] =	ssyncadd.s32 @!p0 s1  }
0x67: {  	[bflag:$0x3] =	sbarrier.arrive $0xFFFF  }
0x68: {  	_ =	shalt  }

</sc_bundles>
